<compile_context>
chip_gen: v7x
topology: tpu7x:2x2x1
jax: 0.10.2.dev20260603
libtpu: 0.0.44.dev20260713+nightly
codegen_flags: <defaults>
</compile_context>

<pallas_src>
import functools

import jax
import jax.numpy as jnp
from jax import lax
from jax.experimental import pallas as pl
from jax.experimental.pallas import tpu as pltpu
from jax.experimental.pallas import tpu_sc as plsc

_NUM_CORES = 2
_NUM_SUBCORES = 16
_NUM_WORKERS = _NUM_CORES * _NUM_SUBCORES

_CHUNK = 32
_NBUF = 3


@functools.partial(jax.jit, static_argnames=("batch", "seq", "hidden"))
def _lookup(positions, table, *, batch, seq, hidden):
    n_rows = batch * seq
    stripe = seq // _NUM_WORKERS
    chunks_per_row = stripe // _CHUNK
    n_chunks = batch * chunks_per_row
    mesh = plsc.VectorSubcoreMesh(core_axis_name="c", subcore_axis_name="s")

    @functools.partial(
        pl.kernel,
        mesh=mesh,
        out_type=jax.ShapeDtypeStruct((n_rows, hidden), jnp.float32),
        scratch_types=(
            [pltpu.VMEM((batch, stripe), jnp.int32)]
            + [pltpu.VMEM((_CHUNK, hidden), jnp.float32)] * _NBUF
            + [pltpu.SemaphoreType.DMA] * (2 * _NBUF)
        ),
    )
    def emb_kernel(idx_hbm, table_hbm, out_hbm, idx_v, *bufs):
        rows = bufs[:_NBUF]
        gsem = bufs[_NBUF:2 * _NBUF]
        osem = bufs[2 * _NBUF:]

        wid = lax.axis_index("s") * _NUM_CORES + lax.axis_index("c")
        col0 = wid * stripe

        pltpu.sync_copy(idx_hbm.at[:, pl.ds(col0, stripe)], idx_v)

        gcp = [None] * n_chunks
        ocp = [None] * n_chunks

        def out_off(g):
            r, c = divmod(g, chunks_per_row)
            return r * seq + col0 + c * _CHUNK

        def writeback(g):
            b = g % _NBUF
            gcp[g].wait()
            ocp[g] = pltpu.async_copy(
                rows[b], out_hbm.at[pl.ds(out_off(g), _CHUNK)], osem[b])

        for g in range(n_chunks):
            b = g % _NBUF
            r, c = divmod(g, chunks_per_row)
            if g >= _NBUF:
                ocp[g - _NBUF].wait()
            gcp[g] = pltpu.async_copy(
                table_hbm.at[idx_v.at[r, pl.ds(c * _CHUNK, _CHUNK)]],
                rows[b], gsem[b])
            if g >= 2:
                writeback(g - 2)

        writeback(n_chunks - 2)
        writeback(n_chunks - 1)
        for g in range(max(0, n_chunks - _NBUF), n_chunks):
            ocp[g].wait()

    return emb_kernel(positions, table)


def kernel(positions, pos_embedding):
    b, t = positions.shape
    hidden = pos_embedding.shape[1]
    out = _lookup(positions.astype(jnp.int32), pos_embedding,
                  batch=b, seq=t, hidden=hidden)
    return out.reshape(b, t, hidden)

# --- scband reference (transcript-rebuilt; emitter-appended) ---
"""Pipeline reference for scband-learned-positional-embedding-85950885528486 (READ-ONLY COPY).

The authoritative reference and input builder live on the scoring server;
editing this copy changes nothing except your own understanding.
"""

import jax, jax.numpy as jnp
import numpy as np

MAX_SEQ_LEN = 8192
HIDDEN_SIZE = 1024
BATCH = 4
SEQ_LEN = 8192


def setup_inputs(seed: int = 0) -> dict:
    key = jax.random.key(seed)
    k_pos, k_tab = jax.random.split(key)
    positions = jax.random.randint(k_pos, (BATCH, SEQ_LEN), 0, MAX_SEQ_LEN, dtype=jnp.int64 if jax.config.jax_enable_x64 else jnp.int32)
    pos_embedding = 0.02 * jax.random.normal(k_tab, (MAX_SEQ_LEN, HIDDEN_SIZE), dtype=jnp.float32)
    return {"positions": positions, "pos_embedding": pos_embedding}


def reference(positions, pos_embedding):
    # Learned positional embedding lookup: table[positions] -> [B, T, H]
    return jnp.take(pos_embedding, positions, axis=0)

if __name__ == "__main__":
    import jax
    _d = setup_inputs()
    print(jax.jit(kernel)(*tuple(_d.values())))

</pallas_src>

<mosaic_0001>
#map = affine_map<(d0, d1) -> (0, 0)>
module attributes {stable_mosaic.version = 14 : i64} {
  func.func @emb_kernel(%arg0: i32, %arg1: i32, %arg2: memref<4x8192xi32, #tpu.memory_space<hbm>>, %arg3: memref<8192x1024xf32, #tpu.memory_space<hbm>>, %arg4: memref<32768x1024xf32, #tpu.memory_space<hbm>>, %arg5: memref<4x256xi32, #tpu.memory_space<vmem>>, %arg6: memref<32x1024xf32, #tpu.memory_space<vmem>>, %arg7: memref<32x1024xf32, #tpu.memory_space<vmem>>, %arg8: memref<32x1024xf32, #tpu.memory_space<vmem>>, %arg9: memref<!tpu.dma_semaphore, #tpu.memory_space<semaphore_mem>>, %arg10: memref<!tpu.dma_semaphore, #tpu.memory_space<semaphore_mem>>, %arg11: memref<!tpu.dma_semaphore, #tpu.memory_space<semaphore_mem>>, %arg12: memref<!tpu.dma_semaphore, #tpu.memory_space<semaphore_mem>>, %arg13: memref<!tpu.dma_semaphore, #tpu.memory_space<semaphore_mem>>, %arg14: memref<!tpu.dma_semaphore, #tpu.memory_space<semaphore_mem>>) attributes {dimension_semantics = [#tpu.dimension_semantics<core_parallel>, #tpu.dimension_semantics<subcore_parallel>], iteration_bounds = array<i64: 2, 16>, scalar_prefetch = 0 : i64, scratch_operands = 10 : i64, tpu.core_type = #tpu.core_type<sc_vector_subcore>, window_params = [{transform_indices = #map}, {transform_indices = #map}, {transform_indices = #map}]} {
    %mul3A = arith.constant 2 : i32
    %mul3A_0 = arith.muli %arg1, %mul3A : i32
    %add3A = arith.addi %mul3A_0, %arg0 : i32
    %mul3A_1 = arith.constant 256 : i32
    %mul3A_2 = arith.muli %add3A, %mul3A_1 : i32
    "tpu.region"() ({
      %run_scoped3A = tpu.sem_alloc : memref<!tpu.dma_semaphore, #tpu.memory_space<semaphore_mem>>
      %dma_start3A_833 = arith.constant 0 : i32
      %dma_start3A_834 = tpu.memref_slice %arg2[%dma_start3A_833, %mul3A_2] : memref<4x8192xi32, #tpu.memory_space<hbm>> -> memref<4x256xi32, #tpu.memory_space<hbm>>
      %dma_start3A_835 = arith.constant 0 : i32
      %dma_start3A_836 = tpu.memref_slice %arg2[%dma_start3A_835, %mul3A_2] : memref<4x8192xi32, #tpu.memory_space<hbm>> -> memref<4x256xi32, #tpu.memory_space<hbm>>
      tpu.enqueue_dma source(%dma_start3A_836 : memref<4x256xi32, #tpu.memory_space<hbm>>) target(%arg5 : memref<4x256xi32, #tpu.memory_space<vmem>>) target_semaphore(%run_scoped3A : memref<!tpu.dma_semaphore, #tpu.memory_space<semaphore_mem>>)
      %dma_wait3A_837 = arith.constant 0 : i32
      %dma_wait3A_838 = tpu.memref_slice %arg2[%dma_wait3A_837, %mul3A_2] : memref<4x8192xi32, #tpu.memory_space<hbm>> -> memref<4x256xi32, #tpu.memory_space<hbm>>
      %dma_wait3A_839 = arith.constant 0 : i32
      %dma_wait3A_840 = tpu.memref_slice %arg2[%dma_wait3A_839, %mul3A_2] : memref<4x8192xi32, #tpu.memory_space<hbm>> -> memref<4x256xi32, #tpu.memory_space<hbm>>
      tpu.wait_dma2 semaphore(%run_scoped3A : memref<!tpu.dma_semaphore, #tpu.memory_space<semaphore_mem>>) src(%dma_wait3A_840 : memref<4x256xi32, #tpu.memory_space<hbm>>) dst(%arg5 : memref<4x256xi32, #tpu.memory_space<vmem>>)
      tpu.yield
    }) : () -> ()
    %dma_start3A = arith.constant 0 : i32
    %dma_start3A_3 = arith.constant 0 : i32
    %dma_start3A_4 = tpu.memref_slice %arg5[%dma_start3A, %dma_start3A_3] : memref<4x256xi32, #tpu.memory_space<vmem>> -> memref<1x32xi32, #tpu.memory_space<vmem>>
    %dma_start3A_5 = tpu.memref_squeeze %dma_start3A_4 : memref<1x32xi32, #tpu.memory_space<vmem>> -> memref<32xi32, #tpu.memory_space<vmem>>
    %dma_start3A_6 = arith.constant 0 : i32
    %dma_start3A_7 = arith.constant 0 : i32
    %dma_start3A_8 = tpu.memref_slice %arg3[%dma_start3A_6, %dma_start3A_7] : memref<8192x1024xf32, #tpu.memory_space<hbm>> -> memref<8192x1024xf32, #tpu.memory_space<hbm>>
    tpu.enqueue_indirect_dma source(%dma_start3A_8 : memref<8192x1024xf32, #tpu.memory_space<hbm>>) target(%arg6 : memref<32x1024xf32, #tpu.memory_space<vmem>>) offsets(%dma_start3A_5 : memref<32xi32, #tpu.memory_space<vmem>>) semaphore(%arg9 : memref<!tpu.dma_semaphore, #tpu.memory_space<semaphore_mem>>)
    %dma_start3A_9 = arith.constant 0 : i32
    %dma_start3A_10 = arith.constant 32 : i32
    %dma_start3A_11 = tpu.memref_slice %arg5[%dma_start3A_9, %dma_start3A_10] : memref<4x256xi32, #tpu.memory_space<vmem>> -> memref<1x32xi32, #tpu.memory_space<vmem>>
    %dma_start3A_12 = tpu.memref_squeeze %dma_start3A_11 : memref<1x32xi32, #tpu.memory_space<vmem>> -> memref<32xi32, #tpu.memory_space<vmem>>
    %dma_start3A_13 = arith.constant 0 : i32
    %dma_start3A_14 = arith.constant 0 : i32
    %dma_start3A_15 = tpu.memref_slice %arg3[%dma_start3A_13, %dma_start3A_14] : memref<8192x1024xf32, #tpu.memory_space<hbm>> -> memref<8192x1024xf32, #tpu.memory_space<hbm>>
    tpu.enqueue_indirect_dma source(%dma_start3A_15 : memref<8192x1024xf32, #tpu.memory_space<hbm>>) target(%arg7 : memref<32x1024xf32, #tpu.memory_space<vmem>>) offsets(%dma_start3A_12 : memref<32xi32, #tpu.memory_space<vmem>>) semaphore(%arg10 : memref<!tpu.dma_semaphore, #tpu.memory_space<semaphore_mem>>)
    %dma_start3A_16 = arith.constant 0 : i32
    %dma_start3A_17 = arith.constant 64 : i32
    %dma_start3A_18 = tpu.memref_slice %arg5[%dma_start3A_16, %dma_start3A_17] : memref<4x256xi32, #tpu.memory_space<vmem>> -> memref<1x32xi32, #tpu.memory_space<vmem>>
    %dma_start3A_19 = tpu.memref_squeeze %dma_start3A_18 : memref<1x32xi32, #tpu.memory_space<vmem>> -> memref<32xi32, #tpu.memory_space<vmem>>
    %dma_start3A_20 = arith.constant 0 : i32
    %dma_start3A_21 = arith.constant 0 : i32
    %dma_start3A_22 = tpu.memref_slice %arg3[%dma_start3A_20, %dma_start3A_21] : memref<8192x1024xf32, #tpu.memory_space<hbm>> -> memref<8192x1024xf32, #tpu.memory_space<hbm>>
    tpu.enqueue_indirect_dma source(%dma_start3A_22 : memref<8192x1024xf32, #tpu.memory_space<hbm>>) target(%arg8 : memref<32x1024xf32, #tpu.memory_space<vmem>>) offsets(%dma_start3A_19 : memref<32xi32, #tpu.memory_space<vmem>>) semaphore(%arg11 : memref<!tpu.dma_semaphore, #tpu.memory_space<semaphore_mem>>)
    %dma_wait3A = arith.constant 0 : i32
    %dma_wait3A_23 = arith.constant 0 : i32
    %dma_wait3A_24 = tpu.memref_slice %arg5[%dma_wait3A, %dma_wait3A_23] : memref<4x256xi32, #tpu.memory_space<vmem>> -> memref<1x32xi32, #tpu.memory_space<vmem>>
    %dma_wait3A_25 = tpu.memref_squeeze %dma_wait3A_24 : memref<1x32xi32, #tpu.memory_space<vmem>> -> memref<32xi32, #tpu.memory_space<vmem>>
    %dma_wait3A_26 = arith.constant 0 : i32
    %dma_wait3A_27 = arith.constant 0 : i32
    %dma_wait3A_28 = tpu.memref_slice %arg3[%dma_wait3A_26, %dma_wait3A_27] : memref<8192x1024xf32, #tpu.memory_space<hbm>> -> memref<8192x1024xf32, #tpu.memory_space<hbm>>
    tpu.wait_indirect_dma semaphore(%arg9 : memref<!tpu.dma_semaphore, #tpu.memory_space<semaphore_mem>>) src(%dma_wait3A_28 : memref<8192x1024xf32, #tpu.memory_space<hbm>>) dst(%arg6 : memref<32x1024xf32, #tpu.memory_space<vmem>>)
    %add3A_29 = arith.constant 0 : i32
    %add3A_30 = arith.addi %add3A_29, %mul3A_2 : i32
    %add3A_31 = arith.constant 0 : i32
    %add3A_32 = arith.addi %add3A_30, %add3A_31 : i32
    %dma_start3A_33 = arith.constant 0 : i32
    %dma_start3A_34 = tpu.memref_slice %arg4[%add3A_32, %dma_start3A_33] : memref<32768x1024xf32, #tpu.memory_space<hbm>> -> memref<32x1024xf32, #tpu.memory_space<hbm>>
    %dma_start3A_35 = arith.constant 0 : i32
    %dma_start3A_36 = tpu.memref_slice %arg4[%add3A_32, %dma_start3A_35] : memref<32768x1024xf32, #tpu.memory_space<hbm>> -> memref<32x1024xf32, #tpu.memory_space<hbm>>
    tpu.enqueue_dma source(%arg6 : memref<32x1024xf32, #tpu.memory_space<vmem>>) target(%dma_start3A_36 : memref<32x1024xf32, #tpu.memory_space<hbm>>) target_semaphore(%arg12 : memref<!tpu.dma_semaphore, #tpu.memory_space<semaphore_mem>>)
    %dma_wait3A_37 = arith.constant 0 : i32
    %dma_wait3A_38 = tpu.memref_slice %arg4[%add3A_32, %dma_wait3A_37] : memref<32768x1024xf32, #tpu.memory_space<hbm>> -> memref<32x1024xf32, #tpu.memory_space<hbm>>
    %dma_wait3A_39 = arith.constant 0 : i32
    %dma_wait3A_40 = tpu.memref_slice %arg4[%add3A_32, %dma_wait3A_39] : memref<32768x1024xf32, #tpu.memory_space<hbm>> -> memref<32x1024xf32, #tpu.memory_space<hbm>>
    tpu.wait_dma2 semaphore(%arg12 : memref<!tpu.dma_semaphore, #tpu.memory_space<semaphore_mem>>) src(%arg6 : memref<32x1024xf32, #tpu.memory_space<vmem>>) dst(%dma_wait3A_40 : memref<32x1024xf32, #tpu.memory_space<hbm>>)
    %dma_start3A_41 = arith.constant 0 : i32
    %dma_start3A_42 = arith.constant 96 : i32
    %dma_start3A_43 = tpu.memref_slice %arg5[%dma_start3A_41, %dma_start3A_42] : memref<4x256xi32, #tpu.memory_space<vmem>> -> memref<1x32xi32, #tpu.memory_space<vmem>>
    %dma_start3A_44 = tpu.memref_squeeze %dma_start3A_43 : memref<1x32xi32, #tpu.memory_space<vmem>> -> memref<32xi32, #tpu.memory_space<vmem>>
    %dma_start3A_45 = arith.constant 0 : i32
    %dma_start3A_46 = arith.constant 0 : i32
    %dma_start3A_47 = tpu.memref_slice %arg3[%dma_start3A_45, %dma_start3A_46] : memref<8192x1024xf32, #tpu.memory_space<hbm>> -> memref<8192x1024xf32, #tpu.memory_space<hbm>>
    tpu.enqueue_indirect_dma source(%dma_start3A_47 : memref<8192x1024xf32, #tpu.memory_space<hbm>>) target(%arg6 : memref<32x1024xf32, #tpu.memory_space<vmem>>) offsets(%dma_start3A_44 : memref<32xi32, #tpu.memory_space<vmem>>) semaphore(%arg9 : memref<!tpu.dma_semaphore, #tpu.memory_space<semaphore_mem>>)
    %dma_wait3A_48 = arith.constant 0 : i32
    %dma_wait3A_49 = arith.constant 32 : i32
    %dma_wait3A_50 = tpu.memref_slice %arg5[%dma_wait3A_48, %dma_wait3A_49] : memref<4x256xi32, #tpu.memory_space<vmem>> -> memref<1x32xi32, #tpu.memory_space<vmem>>
    %dma_wait3A_51 = tpu.memref_squeeze %dma_wait3A_50 : memref<1x32xi32, #tpu.memory_space<vmem>> -> memref<32xi32, #tpu.memory_space<vmem>>
    %dma_wait3A_52 = arith.constant 0 : i32
    %dma_wait3A_53 = arith.constant 0 : i32
    %dma_wait3A_54 = tpu.memref_slice %arg3[%dma_wait3A_52, %dma_wait3A_53] : memref<8192x1024xf32, #tpu.memory_space<hbm>> -> memref<8192x1024xf32, #tpu.memory_space<hbm>>
    tpu.wait_indirect_dma semaphore(%arg10 : memref<!tpu.dma_semaphore, #tpu.memory_space<semaphore_mem>>) src(%dma_wait3A_54 : memref<8192x1024xf32, #tpu.memory_space<hbm>>) dst(%arg7 : memref<32x1024xf32, #tpu.memory_space<vmem>>)
    %add3A_55 = arith.constant 0 : i32
    %add3A_56 = arith.addi %add3A_55, %mul3A_2 : i32
    %add3A_57 = arith.constant 32 : i32
    %add3A_58 = arith.addi %add3A_56, %add3A_57 : i32
    %dma_start3A_59 = arith.constant 0 : i32
    %dma_start3A_60 = tpu.memref_slice %arg4[%add3A_58, %dma_start3A_59] : memref<32768x1024xf32, #tpu.memory_space<hbm>> -> memref<32x1024xf32, #tpu.memory_space<hbm>>
    %dma_start3A_61 = arith.constant 0 : i32
    %dma_start3A_62 = tpu.memref_slice %arg4[%add3A_58, %dma_start3A_61] : memref<32768x1024xf32, #tpu.memory_space<hbm>> -> memref<32x1024xf32, #tpu.memory_space<hbm>>
    tpu.enqueue_dma source(%arg7 : memref<32x1024xf32, #tpu.memory_space<vmem>>) target(%dma_start3A_62 : memref<32x1024xf32, #tpu.memory_space<hbm>>) target_semaphore(%arg13 : memref<!tpu.dma_semaphore, #tpu.memory_space<semaphore_mem>>)
    %dma_wait3A_63 = arith.constant 0 : i32
    %dma_wait3A_64 = tpu.memref_slice %arg4[%add3A_58, %dma_wait3A_63] : memref<32768x1024xf32, #tpu.memory_space<hbm>> -> memref<32x1024xf32, #tpu.memory_space<hbm>>
    %dma_wait3A_65 = arith.constant 0 : i32
    %dma_wait3A_66 = tpu.memref_slice %arg4[%add3A_58, %dma_wait3A_65] : memref<32768x1024xf32, #tpu.memory_space<hbm>> -> memref<32x1024xf32, #tpu.memory_space<hbm>>
    tpu.wait_dma2 semaphore(%arg13 : memref<!tpu.dma_semaphore, #tpu.memory_space<semaphore_mem>>) src(%arg7 : memref<32x1024xf32, #tpu.memory_space<vmem>>) dst(%dma_wait3A_66 : memref<32x1024xf32, #tpu.memory_space<hbm>>)
    %dma_start3A_67 = arith.constant 0 : i32
    %dma_start3A_68 = arith.constant 128 : i32
    %dma_start3A_69 = tpu.memref_slice %arg5[%dma_start3A_67, %dma_start3A_68] : memref<4x256xi32, #tpu.memory_space<vmem>> -> memref<1x32xi32, #tpu.memory_space<vmem>>
    %dma_start3A_70 = tpu.memref_squeeze %dma_start3A_69 : memref<1x32xi32, #tpu.memory_space<vmem>> -> memref<32xi32, #tpu.memory_space<vmem>>
    %dma_start3A_71 = arith.constant 0 : i32
    %dma_start3A_72 = arith.constant 0 : i32
    %dma_start3A_73 = tpu.memref_slice %arg3[%dma_start3A_71, %dma_start3A_72] : memref<8192x1024xf32, #tpu.memory_space<hbm>> -> memref<8192x1024xf32, #tpu.memory_space<hbm>>
    tpu.enqueue_indirect_dma source(%dma_start3A_73 : memref<8192x1024xf32, #tpu.memory_space<hbm>>) target(%arg7 : memref<32x1024xf32, #tpu.memory_space<vmem>>) offsets(%dma_start3A_70 : memref<32xi32, #tpu.memory_space<vmem>>) semaphore(%arg10 : memref<!tpu.dma_semaphore, #tpu.memory_space<semaphore_mem>>)
    %dma_wait3A_74 = arith.constant 0 : i32
    %dma_wait3A_75 = arith.constant 64 : i32
    %dma_wait3A_76 = tpu.memref_slice %arg5[%dma_wait3A_74, %dma_wait3A_75] : memref<4x256xi32, #tpu.memory_space<vmem>> -> memref<1x32xi32, #tpu.memory_space<vmem>>
    %dma_wait3A_77 = tpu.memref_squeeze %dma_wait3A_76 : memref<1x32xi32, #tpu.memory_space<vmem>> -> memref<32xi32, #tpu.memory_space<vmem>>
    %dma_wait3A_78 = arith.constant 0 : i32
    %dma_wait3A_79 = arith.constant 0 : i32
    %dma_wait3A_80 = tpu.memref_slice %arg3[%dma_wait3A_78, %dma_wait3A_79] : memref<8192x1024xf32, #tpu.memory_space<hbm>> -> memref<8192x1024xf32, #tpu.memory_space<hbm>>
    tpu.wait_indirect_dma semaphore(%arg11 : memref<!tpu.dma_semaphore, #tpu.memory_space<semaphore_mem>>) src(%dma_wait3A_80 : memref<8192x1024xf32, #tpu.memory_space<hbm>>) dst(%arg8 : memref<32x1024xf32, #tpu.memory_space<vmem>>)
    %add3A_81 = arith.constant 0 : i32
    %add3A_82 = arith.addi %add3A_81, %mul3A_2 : i32
    %add3A_83 = arith.constant 64 : i32
    %add3A_84 = arith.addi %add3A_82, %add3A_83 : i32
    %dma_start3A_85 = arith.constant 0 : i32
    %dma_start3A_86 = tpu.memref_slice %arg4[%add3A_84, %dma_start3A_85] : memref<32768x1024xf32, #tpu.memory_space<hbm>> -> memref<32x1024xf32, #tpu.memory_space<hbm>>
    %dma_start3A_87 = arith.constant 0 : i32
    %dma_start3A_88 = tpu.memref_slice %arg4[%add3A_84, %dma_start3A_87] : memref<32768x1024xf32, #tpu.memory_space<hbm>> -> memref<32x1024xf32, #tpu.memory_space<hbm>>
    tpu.enqueue_dma source(%arg8 : memref<32x1024xf32, #tpu.memory_space<vmem>>) target(%dma_start3A_88 : memref<32x1024xf32, #tpu.memory_space<hbm>>) target_semaphore(%arg14 : memref<!tpu.dma_semaphore, #tpu.memory_space<semaphore_mem>>)
    %dma_wait3A_89 = arith.constant 0 : i32
    %dma_wait3A_90 = tpu.memref_slice %arg4[%add3A_84, %dma_wait3A_89] : memref<32768x1024xf32, #tpu.memory_space<hbm>> -> memref<32x1024xf32, #tpu.memory_space<hbm>>
    %dma_wait3A_91 = arith.constant 0 : i32
    %dma_wait3A_92 = tpu.memref_slice %arg4[%add3A_84, %dma_wait3A_91] : memref<32768x1024xf32, #tpu.memory_space<hbm>> -> memref<32x1024xf32, #tpu.memory_space<hbm>>
    tpu.wait_dma2 semaphore(%arg14 : memref<!tpu.dma_semaphore, #tpu.memory_space<semaphore_mem>>) src(%arg8 : memref<32x1024xf32, #tpu.memory_space<vmem>>) dst(%dma_wait3A_92 : memref<32x1024xf32, #tpu.memory_space<hbm>>)
    %dma_start3A_93 = arith.constant 0 : i32
    %dma_start3A_94 = arith.constant 160 : i32
    %dma_start3A_95 = tpu.memref_slice %arg5[%dma_start3A_93, %dma_start3A_94] : memref<4x256xi32, #tpu.memory_space<vmem>> -> memref<1x32xi32, #tpu.memory_space<vmem>>
    %dma_start3A_96 = tpu.memref_squeeze %dma_start3A_95 : memref<1x32xi32, #tpu.memory_space<vmem>> -> memref<32xi32, #tpu.memory_space<vmem>>
    %dma_start3A_97 = arith.constant 0 : i32
    %dma_start3A_98 = arith.constant 0 : i32
    %dma_start3A_99 = tpu.memref_slice %arg3[%dma_start3A_97, %dma_start3A_98] : memref<8192x1024xf32, #tpu.memory_space<hbm>> -> memref<8192x1024xf32, #tpu.memory_space<hbm>>
    tpu.enqueue_indirect_dma source(%dma_start3A_99 : memref<8192x1024xf32, #tpu.memory_space<hbm>>) target(%arg8 : memref<32x1024xf32, #tpu.memory_space<vmem>>) offsets(%dma_start3A_96 : memref<32xi32, #tpu.memory_space<vmem>>) semaphore(%arg11 : memref<!tpu.dma_semaphore, #tpu.memory_space<semaphore_mem>>)
    %dma_wait3A_100 = arith.constant 0 : i32
    %dma_wait3A_101 = arith.constant 96 : i32
    %dma_wait3A_102 = tpu.memref_slice %arg5[%dma_wait3A_100, %dma_wait3A_101] : memref<4x256xi32, #tpu.memory_space<vmem>> -> memref<1x32xi32, #tpu.memory_space<vmem>>
    %dma_wait3A_103 = tpu.memref_squeeze %dma_wait3A_102 : memref<1x32xi32, #tpu.memory_space<vmem>> -> memref<32xi32, #tpu.memory_space<vmem>>
    %dma_wait3A_104 = arith.constant 0 : i32
    %dma_wait3A_105 = arith.constant 0 : i32
    %dma_wait3A_106 = tpu.memref_slice %arg3[%dma_wait3A_104, %dma_wait3A_105] : memref<8192x1024xf32, #tpu.memory_space<hbm>> -> memref<8192x1024xf32, #tpu.memory_space<hbm>>
    tpu.wait_indirect_dma semaphore(%arg9 : memref<!tpu.dma_semaphore, #tpu.memory_space<semaphore_mem>>) src(%dma_wait3A_106 : memref<8192x1024xf32, #tpu.memory_space<hbm>>) dst(%arg6 : memref<32x1024xf32, #tpu.memory_space<vmem>>)
    %add3A_107 = arith.constant 0 : i32
    %add3A_108 = arith.addi %add3A_107, %mul3A_2 : i32
    %add3A_109 = arith.constant 96 : i32
    %add3A_110 = arith.addi %add3A_108, %add3A_109 : i32
    %dma_start3A_111 = arith.constant 0 : i32
    %dma_start3A_112 = tpu.memref_slice %arg4[%add3A_110, %dma_start3A_111] : memref<32768x1024xf32, #tpu.memory_space<hbm>> -> memref<32x1024xf32, #tpu.memory_space<hbm>>
    %dma_start3A_113 = arith.constant 0 : i32
    %dma_start3A_114 = tpu.memref_slice %arg4[%add3A_110, %dma_start3A_113] : memref<32768x1024xf32, #tpu.memory_space<hbm>> -> memref<32x1024xf32, #tpu.memory_space<hbm>>
    tpu.enqueue_dma source(%arg6 : memref<32x1024xf32, #tpu.memory_space<vmem>>) target(%dma_start3A_114 : memref<32x1024xf32, #tpu.memory_space<hbm>>) target_semaphore(%arg12 : memref<!tpu.dma_semaphore, #tpu.memory_space<semaphore_mem>>)
    %dma_wait3A_115 = arith.constant 0 : i32
    %dma_wait3A_116 = tpu.memref_slice %arg4[%add3A_110, %dma_wait3A_115] : memref<32768x1024xf32, #tpu.memory_space<hbm>> -> memref<32x1024xf32, #tpu.memory_space<hbm>>
    %dma_wait3A_117 = arith.constant 0 : i32
    %dma_wait3A_118 = tpu.memref_slice %arg4[%add3A_110, %dma_wait3A_117] : memref<32768x1024xf32, #tpu.memory_space<hbm>> -> memref<32x1024xf32, #tpu.memory_space<hbm>>
    tpu.wait_dma2 semaphore(%arg12 : memref<!tpu.dma_semaphore, #tpu.memory_space<semaphore_mem>>) src(%arg6 : memref<32x1024xf32, #tpu.memory_space<vmem>>) dst(%dma_wait3A_118 : memref<32x1024xf32, #tpu.memory_space<hbm>>)
    %dma_start3A_119 = arith.constant 0 : i32
    %dma_start3A_120 = arith.constant 192 : i32
    %dma_start3A_121 = tpu.memref_slice %arg5[%dma_start3A_119, %dma_start3A_120] : memref<4x256xi32, #tpu.memory_space<vmem>> -> memref<1x32xi32, #tpu.memory_space<vmem>>
    %dma_start3A_122 = tpu.memref_squeeze %dma_start3A_121 : memref<1x32xi32, #tpu.memory_space<vmem>> -> memref<32xi32, #tpu.memory_space<vmem>>
    %dma_start3A_123 = arith.constant 0 : i32
    %dma_start3A_124 = arith.constant 0 : i32
    %dma_start3A_125 = tpu.memref_slice %arg3[%dma_start3A_123, %dma_start3A_124] : memref<8192x1024xf32, #tpu.memory_space<hbm>> -> memref<8192x1024xf32, #tpu.memory_space<hbm>>
    tpu.enqueue_indirect_dma source(%dma_start3A_125 : memref<8192x1024xf32, #tpu.memory_space<hbm>>) target(%arg6 : memref<32x1024xf32, #tpu.memory_space<vmem>>) offsets(%dma_start3A_122 : memref<32xi32, #tpu.memory_space<vmem>>) semaphore(%arg9 : memref<!tpu.dma_semaphore, #tpu.memory_space<semaphore_mem>>)
    %dma_wait3A_126 = arith.constant 0 : i32
    %dma_wait3A_127 = arith.constant 128 : i32
    %dma_wait3A_128 = tpu.memref_slice %arg5[%dma_wait3A_126, %dma_wait3A_127] : memref<4x256xi32, #tpu.memory_space<vmem>> -> memref<1x32xi32, #tpu.memory_space<vmem>>
    %dma_wait3A_129 = tpu.memref_squeeze %dma_wait3A_128 : memref<1x32xi32, #tpu.memory_space<vmem>> -> memref<32xi32, #tpu.memory_space<vmem>>
    %dma_wait3A_130 = arith.constant 0 : i32
    %dma_wait3A_131 = arith.constant 0 : i32
    %dma_wait3A_132 = tpu.memref_slice %arg3[%dma_wait3A_130, %dma_wait3A_131] : memref<8192x1024xf32, #tpu.memory_space<hbm>> -> memref<8192x1024xf32, #tpu.memory_space<hbm>>
    tpu.wait_indirect_dma semaphore(%arg10 : memref<!tpu.dma_semaphore, #tpu.memory_space<semaphore_mem>>) src(%dma_wait3A_132 : memref<8192x1024xf32, #tpu.memory_space<hbm>>) dst(%arg7 : memref<32x1024xf32, #tpu.memory_space<vmem>>)
    %add3A_133 = arith.constant 0 : i32
    %add3A_134 = arith.addi %add3A_133, %mul3A_2 : i32
    %add3A_135 = arith.constant 128 : i32
    %add3A_136 = arith.addi %add3A_134, %add3A_135 : i32
    %dma_start3A_137 = arith.constant 0 : i32
    %dma_start3A_138 = tpu.memref_slice %arg4[%add3A_136, %dma_start3A_137] : memref<32768x1024xf32, #tpu.memory_space<hbm>> -> memref<32x1024xf32, #tpu.memory_space<hbm>>
    %dma_start3A_139 = arith.constant 0 : i32
    %dma_start3A_140 = tpu.memref_slice %arg4[%add3A_136, %dma_start3A_139] : memref<32768x1024xf32, #tpu.memory_space<hbm>> -> memref<32x1024xf32, #tpu.memory_space<hbm>>
    tpu.enqueue_dma source(%arg7 : memref<32x1024xf32, #tpu.memory_space<vmem>>) target(%dma_start3A_140 : memref<32x1024xf32, #tpu.memory_space<hbm>>) target_semaphore(%arg13 : memref<!tpu.dma_semaphore, #tpu.memory_space<semaphore_mem>>)
    %dma_wait3A_141 = arith.constant 0 : i32
    %dma_wait3A_142 = tpu.memref_slice %arg4[%add3A_136, %dma_wait3A_141] : memref<32768x1024xf32, #tpu.memory_space<hbm>> -> memref<32x1024xf32, #tpu.memory_space<hbm>>
    %dma_wait3A_143 = arith.constant 0 : i32
    %dma_wait3A_144 = tpu.memref_slice %arg4[%add3A_136, %dma_wait3A_143] : memref<32768x1024xf32, #tpu.memory_space<hbm>> -> memref<32x1024xf32, #tpu.memory_space<hbm>>
    tpu.wait_dma2 semaphore(%arg13 : memref<!tpu.dma_semaphore, #tpu.memory_space<semaphore_mem>>) src(%arg7 : memref<32x1024xf32, #tpu.memory_space<vmem>>) dst(%dma_wait3A_144 : memref<32x1024xf32, #tpu.memory_space<hbm>>)
    %dma_start3A_145 = arith.constant 0 : i32
    %dma_start3A_146 = arith.constant 224 : i32
    %dma_start3A_147 = tpu.memref_slice %arg5[%dma_start3A_145, %dma_start3A_146] : memref<4x256xi32, #tpu.memory_space<vmem>> -> memref<1x32xi32, #tpu.memory_space<vmem>>
    %dma_start3A_148 = tpu.memref_squeeze %dma_start3A_147 : memref<1x32xi32, #tpu.memory_space<vmem>> -> memref<32xi32, #tpu.memory_space<vmem>>
    %dma_start3A_149 = arith.constant 0 : i32
    %dma_start3A_150 = arith.constant 0 : i32
    %dma_start3A_151 = tpu.memref_slice %arg3[%dma_start3A_149, %dma_start3A_150] : memref<8192x1024xf32, #tpu.memory_space<hbm>> -> memref<8192x1024xf32, #tpu.memory_space<hbm>>
    tpu.enqueue_indirect_dma source(%dma_start3A_151 : memref<8192x1024xf32, #tpu.memory_space<hbm>>) target(%arg7 : memref<32x1024xf32, #tpu.memory_space<vmem>>) offsets(%dma_start3A_148 : memref<32xi32, #tpu.memory_space<vmem>>) semaphore(%arg10 : memref<!tpu.dma_semaphore, #tpu.memory_space<semaphore_mem>>)
    %dma_wait3A_152 = arith.constant 0 : i32
    %dma_wait3A_153 = arith.constant 160 : i32
    %dma_wait3A_154 = tpu.memref_slice %arg5[%dma_wait3A_152, %dma_wait3A_153] : memref<4x256xi32, #tpu.memory_space<vmem>> -> memref<1x32xi32, #tpu.memory_space<vmem>>
    %dma_wait3A_155 = tpu.memref_squeeze %dma_wait3A_154 : memref<1x32xi32, #tpu.memory_space<vmem>> -> memref<32xi32, #tpu.memory_space<vmem>>
    %dma_wait3A_156 = arith.constant 0 : i32
    %dma_wait3A_157 = arith.constant 0 : i32
    %dma_wait3A_158 = tpu.memref_slice %arg3[%dma_wait3A_156, %dma_wait3A_157] : memref<8192x1024xf32, #tpu.memory_space<hbm>> -> memref<8192x1024xf32, #tpu.memory_space<hbm>>
    tpu.wait_indirect_dma semaphore(%arg11 : memref<!tpu.dma_semaphore, #tpu.memory_space<semaphore_mem>>) src(%dma_wait3A_158 : memref<8192x1024xf32, #tpu.memory_space<hbm>>) dst(%arg8 : memref<32x1024xf32, #tpu.memory_space<vmem>>)
    %add3A_159 = arith.constant 0 : i32
    %add3A_160 = arith.addi %add3A_159, %mul3A_2 : i32
    %add3A_161 = arith.constant 160 : i32
    %add3A_162 = arith.addi %add3A_160, %add3A_161 : i32
    %dma_start3A_163 = arith.constant 0 : i32
    %dma_start3A_164 = tpu.memref_slice %arg4[%add3A_162, %dma_start3A_163] : memref<32768x1024xf32, #tpu.memory_space<hbm>> -> memref<32x1024xf32, #tpu.memory_space<hbm>>
    %dma_start3A_165 = arith.constant 0 : i32
    %dma_start3A_166 = tpu.memref_slice %arg4[%add3A_162, %dma_start3A_165] : memref<32768x1024xf32, #tpu.memory_space<hbm>> -> memref<32x1024xf32, #tpu.memory_space<hbm>>
    tpu.enqueue_dma source(%arg8 : memref<32x1024xf32, #tpu.memory_space<vmem>>) target(%dma_start3A_166 : memref<32x1024xf32, #tpu.memory_space<hbm>>) target_semaphore(%arg14 : memref<!tpu.dma_semaphore, #tpu.memory_space<semaphore_mem>>)
    %dma_wait3A_167 = arith.constant 0 : i32
    %dma_wait3A_168 = tpu.memref_slice %arg4[%add3A_162, %dma_wait3A_167] : memref<32768x1024xf32, #tpu.memory_space<hbm>> -> memref<32x1024xf32, #tpu.memory_space<hbm>>
    %dma_wait3A_169 = arith.constant 0 : i32
    %dma_wait3A_170 = tpu.memref_slice %arg4[%add3A_162, %dma_wait3A_169] : memref<32768x1024xf32, #tpu.memory_space<hbm>> -> memref<32x1024xf32, #tpu.memory_space<hbm>>
    tpu.wait_dma2 semaphore(%arg14 : memref<!tpu.dma_semaphore, #tpu.memory_space<semaphore_mem>>) src(%arg8 : memref<32x1024xf32, #tpu.memory_space<vmem>>) dst(%dma_wait3A_170 : memref<32x1024xf32, #tpu.memory_space<hbm>>)
    %dma_start3A_171 = arith.constant 1 : i32
    %dma_start3A_172 = arith.constant 0 : i32
    %dma_start3A_173 = tpu.memref_slice %arg5[%dma_start3A_171, %dma_start3A_172] : memref<4x256xi32, #tpu.memory_space<vmem>> -> memref<1x32xi32, #tpu.memory_space<vmem>>
    %dma_start3A_174 = tpu.memref_squeeze %dma_start3A_173 : memref<1x32xi32, #tpu.memory_space<vmem>> -> memref<32xi32, #tpu.memory_space<vmem>>
    %dma_start3A_175 = arith.constant 0 : i32
    %dma_start3A_176 = arith.constant 0 : i32
    %dma_start3A_177 = tpu.memref_slice %arg3[%dma_start3A_175, %dma_start3A_176] : memref<8192x1024xf32, #tpu.memory_space<hbm>> -> memref<8192x1024xf32, #tpu.memory_space<hbm>>
    tpu.enqueue_indirect_dma source(%dma_start3A_177 : memref<8192x1024xf32, #tpu.memory_space<hbm>>) target(%arg8 : memref<32x1024xf32, #tpu.memory_space<vmem>>) offsets(%dma_start3A_174 : memref<32xi32, #tpu.memory_space<vmem>>) semaphore(%arg11 : memref<!tpu.dma_semaphore, #tpu.memory_space<semaphore_mem>>)
    %dma_wait3A_178 = arith.constant 0 : i32
    %dma_wait3A_179 = arith.constant 192 : i32
    %dma_wait3A_180 = tpu.memref_slice %arg5[%dma_wait3A_178, %dma_wait3A_179] : memref<4x256xi32, #tpu.memory_space<vmem>> -> memref<1x32xi32, #tpu.memory_space<vmem>>
    %dma_wait3A_181 = tpu.memref_squeeze %dma_wait3A_180 : memref<1x32xi32, #tpu.memory_space<vmem>> -> memref<32xi32, #tpu.memory_space<vmem>>
    %dma_wait3A_182 = arith.constant 0 : i32
    %dma_wait3A_183 = arith.constant 0 : i32
    %dma_wait3A_184 = tpu.memref_slice %arg3[%dma_wait3A_182, %dma_wait3A_183] : memref<8192x1024xf32, #tpu.memory_space<hbm>> -> memref<8192x1024xf32, #tpu.memory_space<hbm>>
    tpu.wait_indirect_dma semaphore(%arg9 : memref<!tpu.dma_semaphore, #tpu.memory_space<semaphore_mem>>) src(%dma_wait3A_184 : memref<8192x1024xf32, #tpu.memory_space<hbm>>) dst(%arg6 : memref<32x1024xf32, #tpu.memory_space<vmem>>)
    %add3A_185 = arith.constant 0 : i32
    %add3A_186 = arith.addi %add3A_185, %mul3A_2 : i32
    %add3A_187 = arith.constant 192 : i32
    %add3A_188 = arith.addi %add3A_186, %add3A_187 : i32
    %dma_start3A_189 = arith.constant 0 : i32
    %dma_start3A_190 = tpu.memref_slice %arg4[%add3A_188, %dma_start3A_189] : memref<32768x1024xf32, #tpu.memory_space<hbm>> -> memref<32x1024xf32, #tpu.memory_space<hbm>>
    %dma_start3A_191 = arith.constant 0 : i32
    %dma_start3A_192 = tpu.memref_slice %arg4[%add3A_188, %dma_start3A_191] : memref<32768x1024xf32, #tpu.memory_space<hbm>> -> memref<32x1024xf32, #tpu.memory_space<hbm>>
    tpu.enqueue_dma source(%arg6 : memref<32x1024xf32, #tpu.memory_space<vmem>>) target(%dma_start3A_192 : memref<32x1024xf32, #tpu.memory_space<hbm>>) target_semaphore(%arg12 : memref<!tpu.dma_semaphore, #tpu.memory_space<semaphore_mem>>)
    %dma_wait3A_193 = arith.constant 0 : i32
    %dma_wait3A_194 = tpu.memref_slice %arg4[%add3A_188, %dma_wait3A_193] : memref<32768x1024xf32, #tpu.memory_space<hbm>> -> memref<32x1024xf32, #tpu.memory_space<hbm>>
    %dma_wait3A_195 = arith.constant 0 : i32
    %dma_wait3A_196 = tpu.memref_slice %arg4[%add3A_188, %dma_wait3A_195] : memref<32768x1024xf32, #tpu.memory_space<hbm>> -> memref<32x1024xf32, #tpu.memory_space<hbm>>
    tpu.wait_dma2 semaphore(%arg12 : memref<!tpu.dma_semaphore, #tpu.memory_space<semaphore_mem>>) src(%arg6 : memref<32x1024xf32, #tpu.memory_space<vmem>>) dst(%dma_wait3A_196 : memref<32x1024xf32, #tpu.memory_space<hbm>>)
    %dma_start3A_197 = arith.constant 1 : i32
    %dma_start3A_198 = arith.constant 32 : i32
    %dma_start3A_199 = tpu.memref_slice %arg5[%dma_start3A_197, %dma_start3A_198] : memref<4x256xi32, #tpu.memory_space<vmem>> -> memref<1x32xi32, #tpu.memory_space<vmem>>
    %dma_start3A_200 = tpu.memref_squeeze %dma_start3A_199 : memref<1x32xi32, #tpu.memory_space<vmem>> -> memref<32xi32, #tpu.memory_space<vmem>>
    %dma_start3A_201 = arith.constant 0 : i32
    %dma_start3A_202 = arith.constant 0 : i32
    %dma_start3A_203 = tpu.memref_slice %arg3[%dma_start3A_201, %dma_start3A_202] : memref<8192x1024xf32, #tpu.memory_space<hbm>> -> memref<8192x1024xf32, #tpu.memory_space<hbm>>
    tpu.enqueue_indirect_dma source(%dma_start3A_203 : memref<8192x1024xf32, #tpu.memory_space<hbm>>) target(%arg6 : memref<32x1024xf32, #tpu.memory_space<vmem>>) offsets(%dma_start3A_200 : memref<32xi32, #tpu.memory_space<vmem>>) semaphore(%arg9 : memref<!tpu.dma_semaphore, #tpu.memory_space<semaphore_mem>>)
    %dma_wait3A_204 = arith.constant 0 : i32
    %dma_wait3A_205 = arith.constant 224 : i32
    %dma_wait3A_206 = tpu.memref_slice %arg5[%dma_wait3A_204, %dma_wait3A_205] : memref<4x256xi32, #tpu.memory_space<vmem>> -> memref<1x32xi32, #tpu.memory_space<vmem>>
    %dma_wait3A_207 = tpu.memref_squeeze %dma_wait3A_206 : memref<1x32xi32, #tpu.memory_space<vmem>> -> memref<32xi32, #tpu.memory_space<vmem>>
    %dma_wait3A_208 = arith.constant 0 : i32
    %dma_wait3A_209 = arith.constant 0 : i32
    %dma_wait3A_210 = tpu.memref_slice %arg3[%dma_wait3A_208, %dma_wait3A_209] : memref<8192x1024xf32, #tpu.memory_space<hbm>> -> memref<8192x1024xf32, #tpu.memory_space<hbm>>
    tpu.wait_indirect_dma semaphore(%arg10 : memref<!tpu.dma_semaphore, #tpu.memory_space<semaphore_mem>>) src(%dma_wait3A_210 : memref<8192x1024xf32, #tpu.memory_space<hbm>>) dst(%arg7 : memref<32x1024xf32, #tpu.memory_space<vmem>>)
    %add3A_211 = arith.constant 0 : i32
    %add3A_212 = arith.addi %add3A_211, %mul3A_2 : i32
    %add3A_213 = arith.constant 224 : i32
    %add3A_214 = arith.addi %add3A_212, %add3A_213 : i32
    %dma_start3A_215 = arith.constant 0 : i32
    %dma_start3A_216 = tpu.memref_slice %arg4[%add3A_214, %dma_start3A_215] : memref<32768x1024xf32, #tpu.memory_space<hbm>> -> memref<32x1024xf32, #tpu.memory_space<hbm>>
    %dma_start3A_217 = arith.constant 0 : i32
    %dma_start3A_218 = tpu.memref_slice %arg4[%add3A_214, %dma_start3A_217] : memref<32768x1024xf32, #tpu.memory_space<hbm>> -> memref<32x1024xf32, #tpu.memory_space<hbm>>
    tpu.enqueue_dma source(%arg7 : memref<32x1024xf32, #tpu.memory_space<vmem>>) target(%dma_start3A_218 : memref<32x1024xf32, #tpu.memory_space<hbm>>) target_semaphore(%arg13 : memref<!tpu.dma_semaphore, #tpu.memory_space<semaphore_mem>>)
    %dma_wait3A_219 = arith.constant 0 : i32
    %dma_wait3A_220 = tpu.memref_slice %arg4[%add3A_214, %dma_wait3A_219] : memref<32768x1024xf32, #tpu.memory_space<hbm>> -> memref<32x1024xf32, #tpu.memory_space<hbm>>
    %dma_wait3A_221 = arith.constant 0 : i32
    %dma_wait3A_222 = tpu.memref_slice %arg4[%add3A_214, %dma_wait3A_221] : memref<32768x1024xf32, #tpu.memory_space<hbm>> -> memref<32x1024xf32, #tpu.memory_space<hbm>>
    tpu.wait_dma2 semaphore(%arg13 : memref<!tpu.dma_semaphore, #tpu.memory_space<semaphore_mem>>) src(%arg7 : memref<32x1024xf32, #tpu.memory_space<vmem>>) dst(%dma_wait3A_222 : memref<32x1024xf32, #tpu.memory_space<hbm>>)
    %dma_start3A_223 = arith.constant 1 : i32
    %dma_start3A_224 = arith.constant 64 : i32
    %dma_start3A_225 = tpu.memref_slice %arg5[%dma_start3A_223, %dma_start3A_224] : memref<4x256xi32, #tpu.memory_space<vmem>> -> memref<1x32xi32, #tpu.memory_space<vmem>>
    %dma_start3A_226 = tpu.memref_squeeze %dma_start3A_225 : memref<1x32xi32, #tpu.memory_space<vmem>> -> memref<32xi32, #tpu.memory_space<vmem>>
    %dma_start3A_227 = arith.constant 0 : i32
    %dma_start3A_228 = arith.constant 0 : i32
    %dma_start3A_229 = tpu.memref_slice %arg3[%dma_start3A_227, %dma_start3A_228] : memref<8192x1024xf32, #tpu.memory_space<hbm>> -> memref<8192x1024xf32, #tpu.memory_space<hbm>>
    tpu.enqueue_indirect_dma source(%dma_start3A_229 : memref<8192x1024xf32, #tpu.memory_space<hbm>>) target(%arg7 : memref<32x1024xf32, #tpu.memory_space<vmem>>) offsets(%dma_start3A_226 : memref<32xi32, #tpu.memory_space<vmem>>) semaphore(%arg10 : memref<!tpu.dma_semaphore, #tpu.memory_space<semaphore_mem>>)
    %dma_wait3A_230 = arith.constant 1 : i32
    %dma_wait3A_231 = arith.constant 0 : i32
    %dma_wait3A_232 = tpu.memref_slice %arg5[%dma_wait3A_230, %dma_wait3A_231] : memref<4x256xi32, #tpu.memory_space<vmem>> -> memref<1x32xi32, #tpu.memory_space<vmem>>
    %dma_wait3A_233 = tpu.memref_squeeze %dma_wait3A_232 : memref<1x32xi32, #tpu.memory_space<vmem>> -> memref<32xi32, #tpu.memory_space<vmem>>
    %dma_wait3A_234 = arith.constant 0 : i32
    %dma_wait3A_235 = arith.constant 0 : i32
    %dma_wait3A_236 = tpu.memref_slice %arg3[%dma_wait3A_234, %dma_wait3A_235] : memref<8192x1024xf32, #tpu.memory_space<hbm>> -> memref<8192x1024xf32, #tpu.memory_space<hbm>>
    tpu.wait_indirect_dma semaphore(%arg11 : memref<!tpu.dma_semaphore, #tpu.memory_space<semaphore_mem>>) src(%dma_wait3A_236 : memref<8192x1024xf32, #tpu.memory_space<hbm>>) dst(%arg8 : memref<32x1024xf32, #tpu.memory_space<vmem>>)
    %add3A_237 = arith.constant 8192 : i32
    %add3A_238 = arith.addi %add3A_237, %mul3A_2 : i32
    %add3A_239 = arith.constant 0 : i32
    %add3A_240 = arith.addi %add3A_238, %add3A_239 : i32
    %dma_start3A_241 = arith.constant 0 : i32
    %dma_start3A_242 = tpu.memref_slice %arg4[%add3A_240, %dma_start3A_241] : memref<32768x1024xf32, #tpu.memory_space<hbm>> -> memref<32x1024xf32, #tpu.memory_space<hbm>>
    %dma_start3A_243 = arith.constant 0 : i32
    %dma_start3A_244 = tpu.memref_slice %arg4[%add3A_240, %dma_start3A_243] : memref<32768x1024xf32, #tpu.memory_space<hbm>> -> memref<32x1024xf32, #tpu.memory_space<hbm>>
    tpu.enqueue_dma source(%arg8 : memref<32x1024xf32, #tpu.memory_space<vmem>>) target(%dma_start3A_244 : memref<32x1024xf32, #tpu.memory_space<hbm>>) target_semaphore(%arg14 : memref<!tpu.dma_semaphore, #tpu.memory_space<semaphore_mem>>)
    %dma_wait3A_245 = arith.constant 0 : i32
    %dma_wait3A_246 = tpu.memref_slice %arg4[%add3A_240, %dma_wait3A_245] : memref<32768x1024xf32, #tpu.memory_space<hbm>> -> memref<32x1024xf32, #tpu.memory_space<hbm>>
    %dma_wait3A_247 = arith.constant 0 : i32
    %dma_wait3A_248 = tpu.memref_slice %arg4[%add3A_240, %dma_wait3A_247] : memref<32768x1024xf32, #tpu.memory_space<hbm>> -> memref<32x1024xf32, #tpu.memory_space<hbm>>
    tpu.wait_dma2 semaphore(%arg14 : memref<!tpu.dma_semaphore, #tpu.memory_space<semaphore_mem>>) src(%arg8 : memref<32x1024xf32, #tpu.memory_space<vmem>>) dst(%dma_wait3A_248 : memref<32x1024xf32, #tpu.memory_space<hbm>>)
    %dma_start3A_249 = arith.constant 1 : i32
    %dma_start3A_250 = arith.constant 96 : i32
    %dma_start3A_251 = tpu.memref_slice %arg5[%dma_start3A_249, %dma_start3A_250] : memref<4x256xi32, #tpu.memory_space<vmem>> -> memref<1x32xi32, #tpu.memory_space<vmem>>
    %dma_start3A_252 = tpu.memref_squeeze %dma_start3A_251 : memref<1x32xi32, #tpu.memory_space<vmem>> -> memref<32xi32, #tpu.memory_space<vmem>>
    %dma_start3A_253 = arith.constant 0 : i32
    %dma_start3A_254 = arith.constant 0 : i32
    %dma_start3A_255 = tpu.memref_slice %arg3[%dma_start3A_253, %dma_start3A_254] : memref<8192x1024xf32, #tpu.memory_space<hbm>> -> memref<8192x1024xf32, #tpu.memory_space<hbm>>
    tpu.enqueue_indirect_dma source(%dma_start3A_255 : memref<8192x1024xf32, #tpu.memory_space<hbm>>) target(%arg8 : memref<32x1024xf32, #tpu.memory_space<vmem>>) offsets(%dma_start3A_252 : memref<32xi32, #tpu.memory_space<vmem>>) semaphore(%arg11 : memref<!tpu.dma_semaphore, #tpu.memory_space<semaphore_mem>>)
    %dma_wait3A_256 = arith.constant 1 : i32
    %dma_wait3A_257 = arith.constant 32 : i32
    %dma_wait3A_258 = tpu.memref_slice %arg5[%dma_wait3A_256, %dma_wait3A_257] : memref<4x256xi32, #tpu.memory_space<vmem>> -> memref<1x32xi32, #tpu.memory_space<vmem>>
    %dma_wait3A_259 = tpu.memref_squeeze %dma_wait3A_258 : memref<1x32xi32, #tpu.memory_space<vmem>> -> memref<32xi32, #tpu.memory_space<vmem>>
    %dma_wait3A_260 = arith.constant 0 : i32
    %dma_wait3A_261 = arith.constant 0 : i32
    %dma_wait3A_262 = tpu.memref_slice %arg3[%dma_wait3A_260, %dma_wait3A_261] : memref<8192x1024xf32, #tpu.memory_space<hbm>> -> memref<8192x1024xf32, #tpu.memory_space<hbm>>
    tpu.wait_indirect_dma semaphore(%arg9 : memref<!tpu.dma_semaphore, #tpu.memory_space<semaphore_mem>>) src(%dma_wait3A_262 : memref<8192x1024xf32, #tpu.memory_space<hbm>>) dst(%arg6 : memref<32x1024xf32, #tpu.memory_space<vmem>>)
    %add3A_263 = arith.constant 8192 : i32
    %add3A_264 = arith.addi %add3A_263, %mul3A_2 : i32
    %add3A_265 = arith.constant 32 : i32
    %add3A_266 = arith.addi %add3A_264, %add3A_265 : i32
    %dma_start3A_267 = arith.constant 0 : i32
    %dma_start3A_268 = tpu.memref_slice %arg4[%add3A_266, %dma_start3A_267] : memref<32768x1024xf32, #tpu.memory_space<hbm>> -> memref<32x1024xf32, #tpu.memory_space<hbm>>
    %dma_start3A_269 = arith.constant 0 : i32
    %dma_start3A_270 = tpu.memref_slice %arg4[%add3A_266, %dma_start3A_269] : memref<32768x1024xf32, #tpu.memory_space<hbm>> -> memref<32x1024xf32, #tpu.memory_space<hbm>>
    tpu.enqueue_dma source(%arg6 : memref<32x1024xf32, #tpu.memory_space<vmem>>) target(%dma_start3A_270 : memref<32x1024xf32, #tpu.memory_space<hbm>>) target_semaphore(%arg12 : memref<!tpu.dma_semaphore, #tpu.memory_space<semaphore_mem>>)
    %dma_wait3A_271 = arith.constant 0 : i32
    %dma_wait3A_272 = tpu.memref_slice %arg4[%add3A_266, %dma_wait3A_271] : memref<32768x1024xf32, #tpu.memory_space<hbm>> -> memref<32x1024xf32, #tpu.memory_space<hbm>>
    %dma_wait3A_273 = arith.constant 0 : i32
    %dma_wait3A_274 = tpu.memref_slice %arg4[%add3A_266, %dma_wait3A_273] : memref<32768x1024xf32, #tpu.memory_space<hbm>> -> memref<32x1024xf32, #tpu.memory_space<hbm>>
    tpu.wait_dma2 semaphore(%arg12 : memref<!tpu.dma_semaphore, #tpu.memory_space<semaphore_mem>>) src(%arg6 : memref<32x1024xf32, #tpu.memory_space<vmem>>) dst(%dma_wait3A_274 : memref<32x1024xf32, #tpu.memory_space<hbm>>)
    %dma_start3A_275 = arith.constant 1 : i32
    %dma_start3A_276 = arith.constant 128 : i32
    %dma_start3A_277 = tpu.memref_slice %arg5[%dma_start3A_275, %dma_start3A_276] : memref<4x256xi32, #tpu.memory_space<vmem>> -> memref<1x32xi32, #tpu.memory_space<vmem>>
    %dma_start3A_278 = tpu.memref_squeeze %dma_start3A_277 : memref<1x32xi32, #tpu.memory_space<vmem>> -> memref<32xi32, #tpu.memory_space<vmem>>
    %dma_start3A_279 = arith.constant 0 : i32
    %dma_start3A_280 = arith.constant 0 : i32
    %dma_start3A_281 = tpu.memref_slice %arg3[%dma_start3A_279, %dma_start3A_280] : memref<8192x1024xf32, #tpu.memory_space<hbm>> -> memref<8192x1024xf32, #tpu.memory_space<hbm>>
    tpu.enqueue_indirect_dma source(%dma_start3A_281 : memref<8192x1024xf32, #tpu.memory_space<hbm>>) target(%arg6 : memref<32x1024xf32, #tpu.memory_space<vmem>>) offsets(%dma_start3A_278 : memref<32xi32, #tpu.memory_space<vmem>>) semaphore(%arg9 : memref<!tpu.dma_semaphore, #tpu.memory_space<semaphore_mem>>)
    %dma_wait3A_282 = arith.constant 1 : i32
    %dma_wait3A_283 = arith.constant 64 : i32
    %dma_wait3A_284 = tpu.memref_slice %arg5[%dma_wait3A_282, %dma_wait3A_283] : memref<4x256xi32, #tpu.memory_space<vmem>> -> memref<1x32xi32, #tpu.memory_space<vmem>>
    %dma_wait3A_285 = tpu.memref_squeeze %dma_wait3A_284 : memref<1x32xi32, #tpu.memory_space<vmem>> -> memref<32xi32, #tpu.memory_space<vmem>>
    %dma_wait3A_286 = arith.constant 0 : i32
    %dma_wait3A_287 = arith.constant 0 : i32
    %dma_wait3A_288 = tpu.memref_slice %arg3[%dma_wait3A_286, %dma_wait3A_287] : memref<8192x1024xf32, #tpu.memory_space<hbm>> -> memref<8192x1024xf32, #tpu.memory_space<hbm>>
    tpu.wait_indirect_dma semaphore(%arg10 : memref<!tpu.dma_semaphore, #tpu.memory_space<semaphore_mem>>) src(%dma_wait3A_288 : memref<8192x1024xf32, #tpu.memory_space<hbm>>) dst(%arg7 : memref<32x1024xf32, #tpu.memory_space<vmem>>)
    %add3A_289 = arith.constant 8192 : i32
    %add3A_290 = arith.addi %add3A_289, %mul3A_2 : i32
    %add3A_291 = arith.constant 64 : i32
    %add3A_292 = arith.addi %add3A_290, %add3A_291 : i32
    %dma_start3A_293 = arith.constant 0 : i32
    %dma_start3A_294 = tpu.memref_slice %arg4[%add3A_292, %dma_start3A_293] : memref<32768x1024xf32, #tpu.memory_space<hbm>> -> memref<32x1024xf32, #tpu.memory_space<hbm>>
    %dma_start3A_295 = arith.constant 0 : i32
    %dma_start3A_296 = tpu.memref_slice %arg4[%add3A_292, %dma_start3A_295] : memref<32768x1024xf32, #tpu.memory_space<hbm>> -> memref<32x1024xf32, #tpu.memory_space<hbm>>
    tpu.enqueue_dma source(%arg7 : memref<32x1024xf32, #tpu.memory_space<vmem>>) target(%dma_start3A_296 : memref<32x1024xf32, #tpu.memory_space<hbm>>) target_semaphore(%arg13 : memref<!tpu.dma_semaphore, #tpu.memory_space<semaphore_mem>>)
    %dma_wait3A_297 = arith.constant 0 : i32
    %dma_wait3A_298 = tpu.memref_slice %arg4[%add3A_292, %dma_wait3A_297] : memref<32768x1024xf32, #tpu.memory_space<hbm>> -> memref<32x1024xf32, #tpu.memory_space<hbm>>
    %dma_wait3A_299 = arith.constant 0 : i32
    %dma_wait3A_300 = tpu.memref_slice %arg4[%add3A_292, %dma_wait3A_299] : memref<32768x1024xf32, #tpu.memory_space<hbm>> -> memref<32x1024xf32, #tpu.memory_space<hbm>>
    tpu.wait_dma2 semaphore(%arg13 : memref<!tpu.dma_semaphore, #tpu.memory_space<semaphore_mem>>) src(%arg7 : memref<32x1024xf32, #tpu.memory_space<vmem>>) dst(%dma_wait3A_300 : memref<32x1024xf32, #tpu.memory_space<hbm>>)
    %dma_start3A_301 = arith.constant 1 : i32
    %dma_start3A_302 = arith.constant 160 : i32
    %dma_start3A_303 = tpu.memref_slice %arg5[%dma_start3A_301, %dma_start3A_302] : memref<4x256xi32, #tpu.memory_space<vmem>> -> memref<1x32xi32, #tpu.memory_space<vmem>>
    %dma_start3A_304 = tpu.memref_squeeze %dma_start3A_303 : memref<1x32xi32, #tpu.memory_space<vmem>> -> memref<32xi32, #tpu.memory_space<vmem>>
    %dma_start3A_305 = arith.constant 0 : i32
    %dma_start3A_306 = arith.constant 0 : i32
    %dma_start3A_307 = tpu.memref_slice %arg3[%dma_start3A_305, %dma_start3A_306] : memref<8192x1024xf32, #tpu.memory_space<hbm>> -> memref<8192x1024xf32, #tpu.memory_space<hbm>>
    tpu.enqueue_indirect_dma source(%dma_start3A_307 : memref<8192x1024xf32, #tpu.memory_space<hbm>>) target(%arg7 : memref<32x1024xf32, #tpu.memory_space<vmem>>) offsets(%dma_start3A_304 : memref<32xi32, #tpu.memory_space<vmem>>) semaphore(%arg10 : memref<!tpu.dma_semaphore, #tpu.memory_space<semaphore_mem>>)
    %dma_wait3A_308 = arith.constant 1 : i32
    %dma_wait3A_309 = arith.constant 96 : i32
    %dma_wait3A_310 = tpu.memref_slice %arg5[%dma_wait3A_308, %dma_wait3A_309] : memref<4x256xi32, #tpu.memory_space<vmem>> -> memref<1x32xi32, #tpu.memory_space<vmem>>
    %dma_wait3A_311 = tpu.memref_squeeze %dma_wait3A_310 : memref<1x32xi32, #tpu.memory_space<vmem>> -> memref<32xi32, #tpu.memory_space<vmem>>
    %dma_wait3A_312 = arith.constant 0 : i32
    %dma_wait3A_313 = arith.constant 0 : i32
    %dma_wait3A_314 = tpu.memref_slice %arg3[%dma_wait3A_312, %dma_wait3A_313] : memref<8192x1024xf32, #tpu.memory_space<hbm>> -> memref<8192x1024xf32, #tpu.memory_space<hbm>>
    tpu.wait_indirect_dma semaphore(%arg11 : memref<!tpu.dma_semaphore, #tpu.memory_space<semaphore_mem>>) src(%dma_wait3A_314 : memref<8192x1024xf32, #tpu.memory_space<hbm>>) dst(%arg8 : memref<32x1024xf32, #tpu.memory_space<vmem>>)
    %add3A_315 = arith.constant 8192 : i32
    %add3A_316 = arith.addi %add3A_315, %mul3A_2 : i32
    %add3A_317 = arith.constant 96 : i32
    %add3A_318 = arith.addi %add3A_316, %add3A_317 : i32
    %dma_start3A_319 = arith.constant 0 : i32
    %dma_start3A_320 = tpu.memref_slice %arg4[%add3A_318, %dma_start3A_319] : memref<32768x1024xf32, #tpu.memory_space<hbm>> -> memref<32x1024xf32, #tpu.memory_space<hbm>>
    %dma_start3A_321 = arith.constant 0 : i32
    %dma_start3A_322 = tpu.memref_slice %arg4[%add3A_318, %dma_start3A_321] : memref<32768x1024xf32, #tpu.memory_space<hbm>> -> memref<32x1024xf32, #tpu.memory_space<hbm>>
    tpu.enqueue_dma source(%arg8 : memref<32x1024xf32, #tpu.memory_space<vmem>>) target(%dma_start3A_322 : memref<32x1024xf32, #tpu.memory_space<hbm>>) target_semaphore(%arg14 : memref<!tpu.dma_semaphore, #tpu.memory_space<semaphore_mem>>)
    %dma_wait3A_323 = arith.constant 0 : i32
    %dma_wait3A_324 = tpu.memref_slice %arg4[%add3A_318, %dma_wait3A_323] : memref<32768x1024xf32, #tpu.memory_space<hbm>> -> memref<32x1024xf32, #tpu.memory_space<hbm>>
    %dma_wait3A_325 = arith.constant 0 : i32
    %dma_wait3A_326 = tpu.memref_slice %arg4[%add3A_318, %dma_wait3A_325] : memref<32768x1024xf32, #tpu.memory_space<hbm>> -> memref<32x1024xf32, #tpu.memory_space<hbm>>
    tpu.wait_dma2 semaphore(%arg14 : memref<!tpu.dma_semaphore, #tpu.memory_space<semaphore_mem>>) src(%arg8 : memref<32x1024xf32, #tpu.memory_space<vmem>>) dst(%dma_wait3A_326 : memref<32x1024xf32, #tpu.memory_space<hbm>>)
    %dma_start3A_327 = arith.constant 1 : i32
    %dma_start3A_328 = arith.constant 192 : i32
    %dma_start3A_329 = tpu.memref_slice %arg5[%dma_start3A_327, %dma_start3A_328] : memref<4x256xi32, #tpu.memory_space<vmem>> -> memref<1x32xi32, #tpu.memory_space<vmem>>
    %dma_start3A_330 = tpu.memref_squeeze %dma_start3A_329 : memref<1x32xi32, #tpu.memory_space<vmem>> -> memref<32xi32, #tpu.memory_space<vmem>>
    %dma_start3A_331 = arith.constant 0 : i32
    %dma_start3A_332 = arith.constant 0 : i32
    %dma_start3A_333 = tpu.memref_slice %arg3[%dma_start3A_331, %dma_start3A_332] : memref<8192x1024xf32, #tpu.memory_space<hbm>> -> memref<8192x1024xf32, #tpu.memory_space<hbm>>
    tpu.enqueue_indirect_dma source(%dma_start3A_333 : memref<8192x1024xf32, #tpu.memory_space<hbm>>) target(%arg8 : memref<32x1024xf32, #tpu.memory_space<vmem>>) offsets(%dma_start3A_330 : memref<32xi32, #tpu.memory_space<vmem>>) semaphore(%arg11 : memref<!tpu.dma_semaphore, #tpu.memory_space<semaphore_mem>>)
    %dma_wait3A_334 = arith.constant 1 : i32
    %dma_wait3A_335 = arith.constant 128 : i32
    %dma_wait3A_336 = tpu.memref_slice %arg5[%dma_wait3A_334, %dma_wait3A_335] : memref<4x256xi32, #tpu.memory_space<vmem>> -> memref<1x32xi32, #tpu.memory_space<vmem>>
    %dma_wait3A_337 = tpu.memref_squeeze %dma_wait3A_336 : memref<1x32xi32, #tpu.memory_space<vmem>> -> memref<32xi32, #tpu.memory_space<vmem>>
    %dma_wait3A_338 = arith.constant 0 : i32
    %dma_wait3A_339 = arith.constant 0 : i32
    %dma_wait3A_340 = tpu.memref_slice %arg3[%dma_wait3A_338, %dma_wait3A_339] : memref<8192x1024xf32, #tpu.memory_space<hbm>> -> memref<8192x1024xf32, #tpu.memory_space<hbm>>
    tpu.wait_indirect_dma semaphore(%arg9 : memref<!tpu.dma_semaphore, #tpu.memory_space<semaphore_mem>>) src(%dma_wait3A_340 : memref<8192x1024xf32, #tpu.memory_space<hbm>>) dst(%arg6 : memref<32x1024xf32, #tpu.memory_space<vmem>>)
    %add3A_341 = arith.constant 8192 : i32
    %add3A_342 = arith.addi %add3A_341, %mul3A_2 : i32
    %add3A_343 = arith.constant 128 : i32
    %add3A_344 = arith.addi %add3A_342, %add3A_343 : i32
    %dma_start3A_345 = arith.constant 0 : i32
    %dma_start3A_346 = tpu.memref_slice %arg4[%add3A_344, %dma_start3A_345] : memref<32768x1024xf32, #tpu.memory_space<hbm>> -> memref<32x1024xf32, #tpu.memory_space<hbm>>
    %dma_start3A_347 = arith.constant 0 : i32
    %dma_start3A_348 = tpu.memref_slice %arg4[%add3A_344, %dma_start3A_347] : memref<32768x1024xf32, #tpu.memory_space<hbm>> -> memref<32x1024xf32, #tpu.memory_space<hbm>>
    tpu.enqueue_dma source(%arg6 : memref<32x1024xf32, #tpu.memory_space<vmem>>) target(%dma_start3A_348 : memref<32x1024xf32, #tpu.memory_space<hbm>>) target_semaphore(%arg12 : memref<!tpu.dma_semaphore, #tpu.memory_space<semaphore_mem>>)
    %dma_wait3A_349 = arith.constant 0 : i32
    %dma_wait3A_350 = tpu.memref_slice %arg4[%add3A_344, %dma_wait3A_349] : memref<32768x1024xf32, #tpu.memory_space<hbm>> -> memref<32x1024xf32, #tpu.memory_space<hbm>>
    %dma_wait3A_351 = arith.constant 0 : i32
    %dma_wait3A_352 = tpu.memref_slice %arg4[%add3A_344, %dma_wait3A_351] : memref<32768x1024xf32, #tpu.memory_space<hbm>> -> memref<32x1024xf32, #tpu.memory_space<hbm>>
    tpu.wait_dma2 semaphore(%arg12 : memref<!tpu.dma_semaphore, #tpu.memory_space<semaphore_mem>>) src(%arg6 : memref<32x1024xf32, #tpu.memory_space<vmem>>) dst(%dma_wait3A_352 : memref<32x1024xf32, #tpu.memory_space<hbm>>)
    %dma_start3A_353 = arith.constant 1 : i32
    %dma_start3A_354 = arith.constant 224 : i32
    %dma_start3A_355 = tpu.memref_slice %arg5[%dma_start3A_353, %dma_start3A_354] : memref<4x256xi32, #tpu.memory_space<vmem>> -> memref<1x32xi32, #tpu.memory_space<vmem>>
    %dma_start3A_356 = tpu.memref_squeeze %dma_start3A_355 : memref<1x32xi32, #tpu.memory_space<vmem>> -> memref<32xi32, #tpu.memory_space<vmem>>
    %dma_start3A_357 = arith.constant 0 : i32
    %dma_start3A_358 = arith.constant 0 : i32
    %dma_start3A_359 = tpu.memref_slice %arg3[%dma_start3A_357, %dma_start3A_358] : memref<8192x1024xf32, #tpu.memory_space<hbm>> -> memref<8192x1024xf32, #tpu.memory_space<hbm>>
    tpu.enqueue_indirect_dma source(%dma_start3A_359 : memref<8192x1024xf32, #tpu.memory_space<hbm>>) target(%arg6 : memref<32x1024xf32, #tpu.memory_space<vmem>>) offsets(%dma_start3A_356 : memref<32xi32, #tpu.memory_space<vmem>>) semaphore(%arg9 : memref<!tpu.dma_semaphore, #tpu.memory_space<semaphore_mem>>)
    %dma_wait3A_360 = arith.constant 1 : i32
    %dma_wait3A_361 = arith.constant 160 : i32
    %dma_wait3A_362 = tpu.memref_slice %arg5[%dma_wait3A_360, %dma_wait3A_361] : memref<4x256xi32, #tpu.memory_space<vmem>> -> memref<1x32xi32, #tpu.memory_space<vmem>>
    %dma_wait3A_363 = tpu.memref_squeeze %dma_wait3A_362 : memref<1x32xi32, #tpu.memory_space<vmem>> -> memref<32xi32, #tpu.memory_space<vmem>>
    %dma_wait3A_364 = arith.constant 0 : i32
    %dma_wait3A_365 = arith.constant 0 : i32
    %dma_wait3A_366 = tpu.memref_slice %arg3[%dma_wait3A_364, %dma_wait3A_365] : memref<8192x1024xf32, #tpu.memory_space<hbm>> -> memref<8192x1024xf32, #tpu.memory_space<hbm>>
    tpu.wait_indirect_dma semaphore(%arg10 : memref<!tpu.dma_semaphore, #tpu.memory_space<semaphore_mem>>) src(%dma_wait3A_366 : memref<8192x1024xf32, #tpu.memory_space<hbm>>) dst(%arg7 : memref<32x1024xf32, #tpu.memory_space<vmem>>)
    %add3A_367 = arith.constant 8192 : i32
    %add3A_368 = arith.addi %add3A_367, %mul3A_2 : i32
    %add3A_369 = arith.constant 160 : i32
    %add3A_370 = arith.addi %add3A_368, %add3A_369 : i32
    %dma_start3A_371 = arith.constant 0 : i32
    %dma_start3A_372 = tpu.memref_slice %arg4[%add3A_370, %dma_start3A_371] : memref<32768x1024xf32, #tpu.memory_space<hbm>> -> memref<32x1024xf32, #tpu.memory_space<hbm>>
    %dma_start3A_373 = arith.constant 0 : i32
    %dma_start3A_374 = tpu.memref_slice %arg4[%add3A_370, %dma_start3A_373] : memref<32768x1024xf32, #tpu.memory_space<hbm>> -> memref<32x1024xf32, #tpu.memory_space<hbm>>
    tpu.enqueue_dma source(%arg7 : memref<32x1024xf32, #tpu.memory_space<vmem>>) target(%dma_start3A_374 : memref<32x1024xf32, #tpu.memory_space<hbm>>) target_semaphore(%arg13 : memref<!tpu.dma_semaphore, #tpu.memory_space<semaphore_mem>>)
    %dma_wait3A_375 = arith.constant 0 : i32
    %dma_wait3A_376 = tpu.memref_slice %arg4[%add3A_370, %dma_wait3A_375] : memref<32768x1024xf32, #tpu.memory_space<hbm>> -> memref<32x1024xf32, #tpu.memory_space<hbm>>
    %dma_wait3A_377 = arith.constant 0 : i32
    %dma_wait3A_378 = tpu.memref_slice %arg4[%add3A_370, %dma_wait3A_377] : memref<32768x1024xf32, #tpu.memory_space<hbm>> -> memref<32x1024xf32, #tpu.memory_space<hbm>>
    tpu.wait_dma2 semaphore(%arg13 : memref<!tpu.dma_semaphore, #tpu.memory_space<semaphore_mem>>) src(%arg7 : memref<32x1024xf32, #tpu.memory_space<vmem>>) dst(%dma_wait3A_378 : memref<32x1024xf32, #tpu.memory_space<hbm>>)
    %dma_start3A_379 = arith.constant 2 : i32
    %dma_start3A_380 = arith.constant 0 : i32
    %dma_start3A_381 = tpu.memref_slice %arg5[%dma_start3A_379, %dma_start3A_380] : memref<4x256xi32, #tpu.memory_space<vmem>> -> memref<1x32xi32, #tpu.memory_space<vmem>>
    %dma_start3A_382 = tpu.memref_squeeze %dma_start3A_381 : memref<1x32xi32, #tpu.memory_space<vmem>> -> memref<32xi32, #tpu.memory_space<vmem>>
    %dma_start3A_383 = arith.constant 0 : i32
    %dma_start3A_384 = arith.constant 0 : i32
    %dma_start3A_385 = tpu.memref_slice %arg3[%dma_start3A_383, %dma_start3A_384] : memref<8192x1024xf32, #tpu.memory_space<hbm>> -> memref<8192x1024xf32, #tpu.memory_space<hbm>>
    tpu.enqueue_indirect_dma source(%dma_start3A_385 : memref<8192x1024xf32, #tpu.memory_space<hbm>>) target(%arg7 : memref<32x1024xf32, #tpu.memory_space<vmem>>) offsets(%dma_start3A_382 : memref<32xi32, #tpu.memory_space<vmem>>) semaphore(%arg10 : memref<!tpu.dma_semaphore, #tpu.memory_space<semaphore_mem>>)
    %dma_wait3A_386 = arith.constant 1 : i32
    %dma_wait3A_387 = arith.constant 192 : i32
    %dma_wait3A_388 = tpu.memref_slice %arg5[%dma_wait3A_386, %dma_wait3A_387] : memref<4x256xi32, #tpu.memory_space<vmem>> -> memref<1x32xi32, #tpu.memory_space<vmem>>
    %dma_wait3A_389 = tpu.memref_squeeze %dma_wait3A_388 : memref<1x32xi32, #tpu.memory_space<vmem>> -> memref<32xi32, #tpu.memory_space<vmem>>
    %dma_wait3A_390 = arith.constant 0 : i32
    %dma_wait3A_391 = arith.constant 0 : i32
    %dma_wait3A_392 = tpu.memref_slice %arg3[%dma_wait3A_390, %dma_wait3A_391] : memref<8192x1024xf32, #tpu.memory_space<hbm>> -> memref<8192x1024xf32, #tpu.memory_space<hbm>>
    tpu.wait_indirect_dma semaphore(%arg11 : memref<!tpu.dma_semaphore, #tpu.memory_space<semaphore_mem>>) src(%dma_wait3A_392 : memref<8192x1024xf32, #tpu.memory_space<hbm>>) dst(%arg8 : memref<32x1024xf32, #tpu.memory_space<vmem>>)
    %add3A_393 = arith.constant 8192 : i32
    %add3A_394 = arith.addi %add3A_393, %mul3A_2 : i32
    %add3A_395 = arith.constant 192 : i32
    %add3A_396 = arith.addi %add3A_394, %add3A_395 : i32
    %dma_start3A_397 = arith.constant 0 : i32
    %dma_start3A_398 = tpu.memref_slice %arg4[%add3A_396, %dma_start3A_397] : memref<32768x1024xf32, #tpu.memory_space<hbm>> -> memref<32x1024xf32, #tpu.memory_space<hbm>>
    %dma_start3A_399 = arith.constant 0 : i32
    %dma_start3A_400 = tpu.memref_slice %arg4[%add3A_396, %dma_start3A_399] : memref<32768x1024xf32, #tpu.memory_space<hbm>> -> memref<32x1024xf32, #tpu.memory_space<hbm>>
    tpu.enqueue_dma source(%arg8 : memref<32x1024xf32, #tpu.memory_space<vmem>>) target(%dma_start3A_400 : memref<32x1024xf32, #tpu.memory_space<hbm>>) target_semaphore(%arg14 : memref<!tpu.dma_semaphore, #tpu.memory_space<semaphore_mem>>)
    %dma_wait3A_401 = arith.constant 0 : i32
    %dma_wait3A_402 = tpu.memref_slice %arg4[%add3A_396, %dma_wait3A_401] : memref<32768x1024xf32, #tpu.memory_space<hbm>> -> memref<32x1024xf32, #tpu.memory_space<hbm>>
    %dma_wait3A_403 = arith.constant 0 : i32
    %dma_wait3A_404 = tpu.memref_slice %arg4[%add3A_396, %dma_wait3A_403] : memref<32768x1024xf32, #tpu.memory_space<hbm>> -> memref<32x1024xf32, #tpu.memory_space<hbm>>
    tpu.wait_dma2 semaphore(%arg14 : memref<!tpu.dma_semaphore, #tpu.memory_space<semaphore_mem>>) src(%arg8 : memref<32x1024xf32, #tpu.memory_space<vmem>>) dst(%dma_wait3A_404 : memref<32x1024xf32, #tpu.memory_space<hbm>>)
    %dma_start3A_405 = arith.constant 2 : i32
    %dma_start3A_406 = arith.constant 32 : i32
    %dma_start3A_407 = tpu.memref_slice %arg5[%dma_start3A_405, %dma_start3A_406] : memref<4x256xi32, #tpu.memory_space<vmem>> -> memref<1x32xi32, #tpu.memory_space<vmem>>
    %dma_start3A_408 = tpu.memref_squeeze %dma_start3A_407 : memref<1x32xi32, #tpu.memory_space<vmem>> -> memref<32xi32, #tpu.memory_space<vmem>>
    %dma_start3A_409 = arith.constant 0 : i32
    %dma_start3A_410 = arith.constant 0 : i32
    %dma_start3A_411 = tpu.memref_slice %arg3[%dma_start3A_409, %dma_start3A_410] : memref<8192x1024xf32, #tpu.memory_space<hbm>> -> memref<8192x1024xf32, #tpu.memory_space<hbm>>
    tpu.enqueue_indirect_dma source(%dma_start3A_411 : memref<8192x1024xf32, #tpu.memory_space<hbm>>) target(%arg8 : memref<32x1024xf32, #tpu.memory_space<vmem>>) offsets(%dma_start3A_408 : memref<32xi32, #tpu.memory_space<vmem>>) semaphore(%arg11 : memref<!tpu.dma_semaphore, #tpu.memory_space<semaphore_mem>>)
    %dma_wait3A_412 = arith.constant 1 : i32
    %dma_wait3A_413 = arith.constant 224 : i32
    %dma_wait3A_414 = tpu.memref_slice %arg5[%dma_wait3A_412, %dma_wait3A_413] : memref<4x256xi32, #tpu.memory_space<vmem>> -> memref<1x32xi32, #tpu.memory_space<vmem>>
    %dma_wait3A_415 = tpu.memref_squeeze %dma_wait3A_414 : memref<1x32xi32, #tpu.memory_space<vmem>> -> memref<32xi32, #tpu.memory_space<vmem>>
    %dma_wait3A_416 = arith.constant 0 : i32
    %dma_wait3A_417 = arith.constant 0 : i32
    %dma_wait3A_418 = tpu.memref_slice %arg3[%dma_wait3A_416, %dma_wait3A_417] : memref<8192x1024xf32, #tpu.memory_space<hbm>> -> memref<8192x1024xf32, #tpu.memory_space<hbm>>
    tpu.wait_indirect_dma semaphore(%arg9 : memref<!tpu.dma_semaphore, #tpu.memory_space<semaphore_mem>>) src(%dma_wait3A_418 : memref<8192x1024xf32, #tpu.memory_space<hbm>>) dst(%arg6 : memref<32x1024xf32, #tpu.memory_space<vmem>>)
    %add3A_419 = arith.constant 8192 : i32
    %add3A_420 = arith.addi %add3A_419, %mul3A_2 : i32
    %add3A_421 = arith.constant 224 : i32
    %add3A_422 = arith.addi %add3A_420, %add3A_421 : i32
    %dma_start3A_423 = arith.constant 0 : i32
    %dma_start3A_424 = tpu.memref_slice %arg4[%add3A_422, %dma_start3A_423] : memref<32768x1024xf32, #tpu.memory_space<hbm>> -> memref<32x1024xf32, #tpu.memory_space<hbm>>
    %dma_start3A_425 = arith.constant 0 : i32
    %dma_start3A_426 = tpu.memref_slice %arg4[%add3A_422, %dma_start3A_425] : memref<32768x1024xf32, #tpu.memory_space<hbm>> -> memref<32x1024xf32, #tpu.memory_space<hbm>>
    tpu.enqueue_dma source(%arg6 : memref<32x1024xf32, #tpu.memory_space<vmem>>) target(%dma_start3A_426 : memref<32x1024xf32, #tpu.memory_space<hbm>>) target_semaphore(%arg12 : memref<!tpu.dma_semaphore, #tpu.memory_space<semaphore_mem>>)
    %dma_wait3A_427 = arith.constant 0 : i32
    %dma_wait3A_428 = tpu.memref_slice %arg4[%add3A_422, %dma_wait3A_427] : memref<32768x1024xf32, #tpu.memory_space<hbm>> -> memref<32x1024xf32, #tpu.memory_space<hbm>>
    %dma_wait3A_429 = arith.constant 0 : i32
    %dma_wait3A_430 = tpu.memref_slice %arg4[%add3A_422, %dma_wait3A_429] : memref<32768x1024xf32, #tpu.memory_space<hbm>> -> memref<32x1024xf32, #tpu.memory_space<hbm>>
    tpu.wait_dma2 semaphore(%arg12 : memref<!tpu.dma_semaphore, #tpu.memory_space<semaphore_mem>>) src(%arg6 : memref<32x1024xf32, #tpu.memory_space<vmem>>) dst(%dma_wait3A_430 : memref<32x1024xf32, #tpu.memory_space<hbm>>)
    %dma_start3A_431 = arith.constant 2 : i32
    %dma_start3A_432 = arith.constant 64 : i32
    %dma_start3A_433 = tpu.memref_slice %arg5[%dma_start3A_431, %dma_start3A_432] : memref<4x256xi32, #tpu.memory_space<vmem>> -> memref<1x32xi32, #tpu.memory_space<vmem>>
    %dma_start3A_434 = tpu.memref_squeeze %dma_start3A_433 : memref<1x32xi32, #tpu.memory_space<vmem>> -> memref<32xi32, #tpu.memory_space<vmem>>
    %dma_start3A_435 = arith.constant 0 : i32
    %dma_start3A_436 = arith.constant 0 : i32
    %dma_start3A_437 = tpu.memref_slice %arg3[%dma_start3A_435, %dma_start3A_436] : memref<8192x1024xf32, #tpu.memory_space<hbm>> -> memref<8192x1024xf32, #tpu.memory_space<hbm>>
    tpu.enqueue_indirect_dma source(%dma_start3A_437 : memref<8192x1024xf32, #tpu.memory_space<hbm>>) target(%arg6 : memref<32x1024xf32, #tpu.memory_space<vmem>>) offsets(%dma_start3A_434 : memref<32xi32, #tpu.memory_space<vmem>>) semaphore(%arg9 : memref<!tpu.dma_semaphore, #tpu.memory_space<semaphore_mem>>)
    %dma_wait3A_438 = arith.constant 2 : i32
    %dma_wait3A_439 = arith.constant 0 : i32
    %dma_wait3A_440 = tpu.memref_slice %arg5[%dma_wait3A_438, %dma_wait3A_439] : memref<4x256xi32, #tpu.memory_space<vmem>> -> memref<1x32xi32, #tpu.memory_space<vmem>>
    %dma_wait3A_441 = tpu.memref_squeeze %dma_wait3A_440 : memref<1x32xi32, #tpu.memory_space<vmem>> -> memref<32xi32, #tpu.memory_space<vmem>>
    %dma_wait3A_442 = arith.constant 0 : i32
    %dma_wait3A_443 = arith.constant 0 : i32
    %dma_wait3A_444 = tpu.memref_slice %arg3[%dma_wait3A_442, %dma_wait3A_443] : memref<8192x1024xf32, #tpu.memory_space<hbm>> -> memref<8192x1024xf32, #tpu.memory_space<hbm>>
    tpu.wait_indirect_dma semaphore(%arg10 : memref<!tpu.dma_semaphore, #tpu.memory_space<semaphore_mem>>) src(%dma_wait3A_444 : memref<8192x1024xf32, #tpu.memory_space<hbm>>) dst(%arg7 : memref<32x1024xf32, #tpu.memory_space<vmem>>)
    %add3A_445 = arith.constant 16384 : i32
    %add3A_446 = arith.addi %add3A_445, %mul3A_2 : i32
    %add3A_447 = arith.constant 0 : i32
    %add3A_448 = arith.addi %add3A_446, %add3A_447 : i32
    %dma_start3A_449 = arith.constant 0 : i32
    %dma_start3A_450 = tpu.memref_slice %arg4[%add3A_448, %dma_start3A_449] : memref<32768x1024xf32, #tpu.memory_space<hbm>> -> memref<32x1024xf32, #tpu.memory_space<hbm>>
    %dma_start3A_451 = arith.constant 0 : i32
    %dma_start3A_452 = tpu.memref_slice %arg4[%add3A_448, %dma_start3A_451] : memref<32768x1024xf32, #tpu.memory_space<hbm>> -> memref<32x1024xf32, #tpu.memory_space<hbm>>
    tpu.enqueue_dma source(%arg7 : memref<32x1024xf32, #tpu.memory_space<vmem>>) target(%dma_start3A_452 : memref<32x1024xf32, #tpu.memory_space<hbm>>) target_semaphore(%arg13 : memref<!tpu.dma_semaphore, #tpu.memory_space<semaphore_mem>>)
    %dma_wait3A_453 = arith.constant 0 : i32
    %dma_wait3A_454 = tpu.memref_slice %arg4[%add3A_448, %dma_wait3A_453] : memref<32768x1024xf32, #tpu.memory_space<hbm>> -> memref<32x1024xf32, #tpu.memory_space<hbm>>
    %dma_wait3A_455 = arith.constant 0 : i32
    %dma_wait3A_456 = tpu.memref_slice %arg4[%add3A_448, %dma_wait3A_455] : memref<32768x1024xf32, #tpu.memory_space<hbm>> -> memref<32x1024xf32, #tpu.memory_space<hbm>>
    tpu.wait_dma2 semaphore(%arg13 : memref<!tpu.dma_semaphore, #tpu.memory_space<semaphore_mem>>) src(%arg7 : memref<32x1024xf32, #tpu.memory_space<vmem>>) dst(%dma_wait3A_456 : memref<32x1024xf32, #tpu.memory_space<hbm>>)
    %dma_start3A_457 = arith.constant 2 : i32
    %dma_start3A_458 = arith.constant 96 : i32
    %dma_start3A_459 = tpu.memref_slice %arg5[%dma_start3A_457, %dma_start3A_458] : memref<4x256xi32, #tpu.memory_space<vmem>> -> memref<1x32xi32, #tpu.memory_space<vmem>>
    %dma_start3A_460 = tpu.memref_squeeze %dma_start3A_459 : memref<1x32xi32, #tpu.memory_space<vmem>> -> memref<32xi32, #tpu.memory_space<vmem>>
    %dma_start3A_461 = arith.constant 0 : i32
    %dma_start3A_462 = arith.constant 0 : i32
    %dma_start3A_463 = tpu.memref_slice %arg3[%dma_start3A_461, %dma_start3A_462] : memref<8192x1024xf32, #tpu.memory_space<hbm>> -> memref<8192x1024xf32, #tpu.memory_space<hbm>>
    tpu.enqueue_indirect_dma source(%dma_start3A_463 : memref<8192x1024xf32, #tpu.memory_space<hbm>>) target(%arg7 : memref<32x1024xf32, #tpu.memory_space<vmem>>) offsets(%dma_start3A_460 : memref<32xi32, #tpu.memory_space<vmem>>) semaphore(%arg10 : memref<!tpu.dma_semaphore, #tpu.memory_space<semaphore_mem>>)
    %dma_wait3A_464 = arith.constant 2 : i32
    %dma_wait3A_465 = arith.constant 32 : i32
    %dma_wait3A_466 = tpu.memref_slice %arg5[%dma_wait3A_464, %dma_wait3A_465] : memref<4x256xi32, #tpu.memory_space<vmem>> -> memref<1x32xi32, #tpu.memory_space<vmem>>
    %dma_wait3A_467 = tpu.memref_squeeze %dma_wait3A_466 : memref<1x32xi32, #tpu.memory_space<vmem>> -> memref<32xi32, #tpu.memory_space<vmem>>
    %dma_wait3A_468 = arith.constant 0 : i32
    %dma_wait3A_469 = arith.constant 0 : i32
    %dma_wait3A_470 = tpu.memref_slice %arg3[%dma_wait3A_468, %dma_wait3A_469] : memref<8192x1024xf32, #tpu.memory_space<hbm>> -> memref<8192x1024xf32, #tpu.memory_space<hbm>>
    tpu.wait_indirect_dma semaphore(%arg11 : memref<!tpu.dma_semaphore, #tpu.memory_space<semaphore_mem>>) src(%dma_wait3A_470 : memref<8192x1024xf32, #tpu.memory_space<hbm>>) dst(%arg8 : memref<32x1024xf32, #tpu.memory_space<vmem>>)
    %add3A_471 = arith.constant 16384 : i32
    %add3A_472 = arith.addi %add3A_471, %mul3A_2 : i32
    %add3A_473 = arith.constant 32 : i32
    %add3A_474 = arith.addi %add3A_472, %add3A_473 : i32
    %dma_start3A_475 = arith.constant 0 : i32
    %dma_start3A_476 = tpu.memref_slice %arg4[%add3A_474, %dma_start3A_475] : memref<32768x1024xf32, #tpu.memory_space<hbm>> -> memref<32x1024xf32, #tpu.memory_space<hbm>>
    %dma_start3A_477 = arith.constant 0 : i32
    %dma_start3A_478 = tpu.memref_slice %arg4[%add3A_474, %dma_start3A_477] : memref<32768x1024xf32, #tpu.memory_space<hbm>> -> memref<32x1024xf32, #tpu.memory_space<hbm>>
    tpu.enqueue_dma source(%arg8 : memref<32x1024xf32, #tpu.memory_space<vmem>>) target(%dma_start3A_478 : memref<32x1024xf32, #tpu.memory_space<hbm>>) target_semaphore(%arg14 : memref<!tpu.dma_semaphore, #tpu.memory_space<semaphore_mem>>)
    %dma_wait3A_479 = arith.constant 0 : i32
    %dma_wait3A_480 = tpu.memref_slice %arg4[%add3A_474, %dma_wait3A_479] : memref<32768x1024xf32, #tpu.memory_space<hbm>> -> memref<32x1024xf32, #tpu.memory_space<hbm>>
    %dma_wait3A_481 = arith.constant 0 : i32
    %dma_wait3A_482 = tpu.memref_slice %arg4[%add3A_474, %dma_wait3A_481] : memref<32768x1024xf32, #tpu.memory_space<hbm>> -> memref<32x1024xf32, #tpu.memory_space<hbm>>
    tpu.wait_dma2 semaphore(%arg14 : memref<!tpu.dma_semaphore, #tpu.memory_space<semaphore_mem>>) src(%arg8 : memref<32x1024xf32, #tpu.memory_space<vmem>>) dst(%dma_wait3A_482 : memref<32x1024xf32, #tpu.memory_space<hbm>>)
    %dma_start3A_483 = arith.constant 2 : i32
    %dma_start3A_484 = arith.constant 128 : i32
    %dma_start3A_485 = tpu.memref_slice %arg5[%dma_start3A_483, %dma_start3A_484] : memref<4x256xi32, #tpu.memory_space<vmem>> -> memref<1x32xi32, #tpu.memory_space<vmem>>
    %dma_start3A_486 = tpu.memref_squeeze %dma_start3A_485 : memref<1x32xi32, #tpu.memory_space<vmem>> -> memref<32xi32, #tpu.memory_space<vmem>>
    %dma_start3A_487 = arith.constant 0 : i32
    %dma_start3A_488 = arith.constant 0 : i32
    %dma_start3A_489 = tpu.memref_slice %arg3[%dma_start3A_487, %dma_start3A_488] : memref<8192x1024xf32, #tpu.memory_space<hbm>> -> memref<8192x1024xf32, #tpu.memory_space<hbm>>
    tpu.enqueue_indirect_dma source(%dma_start3A_489 : memref<8192x1024xf32, #tpu.memory_space<hbm>>) target(%arg8 : memref<32x1024xf32, #tpu.memory_space<vmem>>) offsets(%dma_start3A_486 : memref<32xi32, #tpu.memory_space<vmem>>) semaphore(%arg11 : memref<!tpu.dma_semaphore, #tpu.memory_space<semaphore_mem>>)
    %dma_wait3A_490 = arith.constant 2 : i32
    %dma_wait3A_491 = arith.constant 64 : i32
    %dma_wait3A_492 = tpu.memref_slice %arg5[%dma_wait3A_490, %dma_wait3A_491] : memref<4x256xi32, #tpu.memory_space<vmem>> -> memref<1x32xi32, #tpu.memory_space<vmem>>
    %dma_wait3A_493 = tpu.memref_squeeze %dma_wait3A_492 : memref<1x32xi32, #tpu.memory_space<vmem>> -> memref<32xi32, #tpu.memory_space<vmem>>
    %dma_wait3A_494 = arith.constant 0 : i32
    %dma_wait3A_495 = arith.constant 0 : i32
    %dma_wait3A_496 = tpu.memref_slice %arg3[%dma_wait3A_494, %dma_wait3A_495] : memref<8192x1024xf32, #tpu.memory_space<hbm>> -> memref<8192x1024xf32, #tpu.memory_space<hbm>>
    tpu.wait_indirect_dma semaphore(%arg9 : memref<!tpu.dma_semaphore, #tpu.memory_space<semaphore_mem>>) src(%dma_wait3A_496 : memref<8192x1024xf32, #tpu.memory_space<hbm>>) dst(%arg6 : memref<32x1024xf32, #tpu.memory_space<vmem>>)
    %add3A_497 = arith.constant 16384 : i32
    %add3A_498 = arith.addi %add3A_497, %mul3A_2 : i32
    %add3A_499 = arith.constant 64 : i32
    %add3A_500 = arith.addi %add3A_498, %add3A_499 : i32
    %dma_start3A_501 = arith.constant 0 : i32
    %dma_start3A_502 = tpu.memref_slice %arg4[%add3A_500, %dma_start3A_501] : memref<32768x1024xf32, #tpu.memory_space<hbm>> -> memref<32x1024xf32, #tpu.memory_space<hbm>>
    %dma_start3A_503 = arith.constant 0 : i32
    %dma_start3A_504 = tpu.memref_slice %arg4[%add3A_500, %dma_start3A_503] : memref<32768x1024xf32, #tpu.memory_space<hbm>> -> memref<32x1024xf32, #tpu.memory_space<hbm>>
    tpu.enqueue_dma source(%arg6 : memref<32x1024xf32, #tpu.memory_space<vmem>>) target(%dma_start3A_504 : memref<32x1024xf32, #tpu.memory_space<hbm>>) target_semaphore(%arg12 : memref<!tpu.dma_semaphore, #tpu.memory_space<semaphore_mem>>)
    %dma_wait3A_505 = arith.constant 0 : i32
    %dma_wait3A_506 = tpu.memref_slice %arg4[%add3A_500, %dma_wait3A_505] : memref<32768x1024xf32, #tpu.memory_space<hbm>> -> memref<32x1024xf32, #tpu.memory_space<hbm>>
    %dma_wait3A_507 = arith.constant 0 : i32
    %dma_wait3A_508 = tpu.memref_slice %arg4[%add3A_500, %dma_wait3A_507] : memref<32768x1024xf32, #tpu.memory_space<hbm>> -> memref<32x1024xf32, #tpu.memory_space<hbm>>
    tpu.wait_dma2 semaphore(%arg12 : memref<!tpu.dma_semaphore, #tpu.memory_space<semaphore_mem>>) src(%arg6 : memref<32x1024xf32, #tpu.memory_space<vmem>>) dst(%dma_wait3A_508 : memref<32x1024xf32, #tpu.memory_space<hbm>>)
    %dma_start3A_509 = arith.constant 2 : i32
    %dma_start3A_510 = arith.constant 160 : i32
    %dma_start3A_511 = tpu.memref_slice %arg5[%dma_start3A_509, %dma_start3A_510] : memref<4x256xi32, #tpu.memory_space<vmem>> -> memref<1x32xi32, #tpu.memory_space<vmem>>
    %dma_start3A_512 = tpu.memref_squeeze %dma_start3A_511 : memref<1x32xi32, #tpu.memory_space<vmem>> -> memref<32xi32, #tpu.memory_space<vmem>>
    %dma_start3A_513 = arith.constant 0 : i32
    %dma_start3A_514 = arith.constant 0 : i32
    %dma_start3A_515 = tpu.memref_slice %arg3[%dma_start3A_513, %dma_start3A_514] : memref<8192x1024xf32, #tpu.memory_space<hbm>> -> memref<8192x1024xf32, #tpu.memory_space<hbm>>
    tpu.enqueue_indirect_dma source(%dma_start3A_515 : memref<8192x1024xf32, #tpu.memory_space<hbm>>) target(%arg6 : memref<32x1024xf32, #tpu.memory_space<vmem>>) offsets(%dma_start3A_512 : memref<32xi32, #tpu.memory_space<vmem>>) semaphore(%arg9 : memref<!tpu.dma_semaphore, #tpu.memory_space<semaphore_mem>>)
    %dma_wait3A_516 = arith.constant 2 : i32
    %dma_wait3A_517 = arith.constant 96 : i32
    %dma_wait3A_518 = tpu.memref_slice %arg5[%dma_wait3A_516, %dma_wait3A_517] : memref<4x256xi32, #tpu.memory_space<vmem>> -> memref<1x32xi32, #tpu.memory_space<vmem>>
    %dma_wait3A_519 = tpu.memref_squeeze %dma_wait3A_518 : memref<1x32xi32, #tpu.memory_space<vmem>> -> memref<32xi32, #tpu.memory_space<vmem>>
    %dma_wait3A_520 = arith.constant 0 : i32
    %dma_wait3A_521 = arith.constant 0 : i32
    %dma_wait3A_522 = tpu.memref_slice %arg3[%dma_wait3A_520, %dma_wait3A_521] : memref<8192x1024xf32, #tpu.memory_space<hbm>> -> memref<8192x1024xf32, #tpu.memory_space<hbm>>
    tpu.wait_indirect_dma semaphore(%arg10 : memref<!tpu.dma_semaphore, #tpu.memory_space<semaphore_mem>>) src(%dma_wait3A_522 : memref<8192x1024xf32, #tpu.memory_space<hbm>>) dst(%arg7 : memref<32x1024xf32, #tpu.memory_space<vmem>>)
    %add3A_523 = arith.constant 16384 : i32
    %add3A_524 = arith.addi %add3A_523, %mul3A_2 : i32
    %add3A_525 = arith.constant 96 : i32
    %add3A_526 = arith.addi %add3A_524, %add3A_525 : i32
    %dma_start3A_527 = arith.constant 0 : i32
    %dma_start3A_528 = tpu.memref_slice %arg4[%add3A_526, %dma_start3A_527] : memref<32768x1024xf32, #tpu.memory_space<hbm>> -> memref<32x1024xf32, #tpu.memory_space<hbm>>
    %dma_start3A_529 = arith.constant 0 : i32
    %dma_start3A_530 = tpu.memref_slice %arg4[%add3A_526, %dma_start3A_529] : memref<32768x1024xf32, #tpu.memory_space<hbm>> -> memref<32x1024xf32, #tpu.memory_space<hbm>>
    tpu.enqueue_dma source(%arg7 : memref<32x1024xf32, #tpu.memory_space<vmem>>) target(%dma_start3A_530 : memref<32x1024xf32, #tpu.memory_space<hbm>>) target_semaphore(%arg13 : memref<!tpu.dma_semaphore, #tpu.memory_space<semaphore_mem>>)
    %dma_wait3A_531 = arith.constant 0 : i32
    %dma_wait3A_532 = tpu.memref_slice %arg4[%add3A_526, %dma_wait3A_531] : memref<32768x1024xf32, #tpu.memory_space<hbm>> -> memref<32x1024xf32, #tpu.memory_space<hbm>>
    %dma_wait3A_533 = arith.constant 0 : i32
    %dma_wait3A_534 = tpu.memref_slice %arg4[%add3A_526, %dma_wait3A_533] : memref<32768x1024xf32, #tpu.memory_space<hbm>> -> memref<32x1024xf32, #tpu.memory_space<hbm>>
    tpu.wait_dma2 semaphore(%arg13 : memref<!tpu.dma_semaphore, #tpu.memory_space<semaphore_mem>>) src(%arg7 : memref<32x1024xf32, #tpu.memory_space<vmem>>) dst(%dma_wait3A_534 : memref<32x1024xf32, #tpu.memory_space<hbm>>)
    %dma_start3A_535 = arith.constant 2 : i32
    %dma_start3A_536 = arith.constant 192 : i32
    %dma_start3A_537 = tpu.memref_slice %arg5[%dma_start3A_535, %dma_start3A_536] : memref<4x256xi32, #tpu.memory_space<vmem>> -> memref<1x32xi32, #tpu.memory_space<vmem>>
    %dma_start3A_538 = tpu.memref_squeeze %dma_start3A_537 : memref<1x32xi32, #tpu.memory_space<vmem>> -> memref<32xi32, #tpu.memory_space<vmem>>
    %dma_start3A_539 = arith.constant 0 : i32
    %dma_start3A_540 = arith.constant 0 : i32
    %dma_start3A_541 = tpu.memref_slice %arg3[%dma_start3A_539, %dma_start3A_540] : memref<8192x1024xf32, #tpu.memory_space<hbm>> -> memref<8192x1024xf32, #tpu.memory_space<hbm>>
    tpu.enqueue_indirect_dma source(%dma_start3A_541 : memref<8192x1024xf32, #tpu.memory_space<hbm>>) target(%arg7 : memref<32x1024xf32, #tpu.memory_space<vmem>>) offsets(%dma_start3A_538 : memref<32xi32, #tpu.memory_space<vmem>>) semaphore(%arg10 : memref<!tpu.dma_semaphore, #tpu.memory_space<semaphore_mem>>)
    %dma_wait3A_542 = arith.constant 2 : i32
    %dma_wait3A_543 = arith.constant 128 : i32
    %dma_wait3A_544 = tpu.memref_slice %arg5[%dma_wait3A_542, %dma_wait3A_543] : memref<4x256xi32, #tpu.memory_space<vmem>> -> memref<1x32xi32, #tpu.memory_space<vmem>>
    %dma_wait3A_545 = tpu.memref_squeeze %dma_wait3A_544 : memref<1x32xi32, #tpu.memory_space<vmem>> -> memref<32xi32, #tpu.memory_space<vmem>>
    %dma_wait3A_546 = arith.constant 0 : i32
    %dma_wait3A_547 = arith.constant 0 : i32
    %dma_wait3A_548 = tpu.memref_slice %arg3[%dma_wait3A_546, %dma_wait3A_547] : memref<8192x1024xf32, #tpu.memory_space<hbm>> -> memref<8192x1024xf32, #tpu.memory_space<hbm>>
    tpu.wait_indirect_dma semaphore(%arg11 : memref<!tpu.dma_semaphore, #tpu.memory_space<semaphore_mem>>) src(%dma_wait3A_548 : memref<8192x1024xf32, #tpu.memory_space<hbm>>) dst(%arg8 : memref<32x1024xf32, #tpu.memory_space<vmem>>)
    %add3A_549 = arith.constant 16384 : i32
    %add3A_550 = arith.addi %add3A_549, %mul3A_2 : i32
    %add3A_551 = arith.constant 128 : i32
    %add3A_552 = arith.addi %add3A_550, %add3A_551 : i32
    %dma_start3A_553 = arith.constant 0 : i32
    %dma_start3A_554 = tpu.memref_slice %arg4[%add3A_552, %dma_start3A_553] : memref<32768x1024xf32, #tpu.memory_space<hbm>> -> memref<32x1024xf32, #tpu.memory_space<hbm>>
    %dma_start3A_555 = arith.constant 0 : i32
    %dma_start3A_556 = tpu.memref_slice %arg4[%add3A_552, %dma_start3A_555] : memref<32768x1024xf32, #tpu.memory_space<hbm>> -> memref<32x1024xf32, #tpu.memory_space<hbm>>
    tpu.enqueue_dma source(%arg8 : memref<32x1024xf32, #tpu.memory_space<vmem>>) target(%dma_start3A_556 : memref<32x1024xf32, #tpu.memory_space<hbm>>) target_semaphore(%arg14 : memref<!tpu.dma_semaphore, #tpu.memory_space<semaphore_mem>>)
    %dma_wait3A_557 = arith.constant 0 : i32
    %dma_wait3A_558 = tpu.memref_slice %arg4[%add3A_552, %dma_wait3A_557] : memref<32768x1024xf32, #tpu.memory_space<hbm>> -> memref<32x1024xf32, #tpu.memory_space<hbm>>
    %dma_wait3A_559 = arith.constant 0 : i32
    %dma_wait3A_560 = tpu.memref_slice %arg4[%add3A_552, %dma_wait3A_559] : memref<32768x1024xf32, #tpu.memory_space<hbm>> -> memref<32x1024xf32, #tpu.memory_space<hbm>>
    tpu.wait_dma2 semaphore(%arg14 : memref<!tpu.dma_semaphore, #tpu.memory_space<semaphore_mem>>) src(%arg8 : memref<32x1024xf32, #tpu.memory_space<vmem>>) dst(%dma_wait3A_560 : memref<32x1024xf32, #tpu.memory_space<hbm>>)
    %dma_start3A_561 = arith.constant 2 : i32
    %dma_start3A_562 = arith.constant 224 : i32
    %dma_start3A_563 = tpu.memref_slice %arg5[%dma_start3A_561, %dma_start3A_562] : memref<4x256xi32, #tpu.memory_space<vmem>> -> memref<1x32xi32, #tpu.memory_space<vmem>>
    %dma_start3A_564 = tpu.memref_squeeze %dma_start3A_563 : memref<1x32xi32, #tpu.memory_space<vmem>> -> memref<32xi32, #tpu.memory_space<vmem>>
    %dma_start3A_565 = arith.constant 0 : i32
    %dma_start3A_566 = arith.constant 0 : i32
    %dma_start3A_567 = tpu.memref_slice %arg3[%dma_start3A_565, %dma_start3A_566] : memref<8192x1024xf32, #tpu.memory_space<hbm>> -> memref<8192x1024xf32, #tpu.memory_space<hbm>>
    tpu.enqueue_indirect_dma source(%dma_start3A_567 : memref<8192x1024xf32, #tpu.memory_space<hbm>>) target(%arg8 : memref<32x1024xf32, #tpu.memory_space<vmem>>) offsets(%dma_start3A_564 : memref<32xi32, #tpu.memory_space<vmem>>) semaphore(%arg11 : memref<!tpu.dma_semaphore, #tpu.memory_space<semaphore_mem>>)
    %dma_wait3A_568 = arith.constant 2 : i32
    %dma_wait3A_569 = arith.constant 160 : i32
    %dma_wait3A_570 = tpu.memref_slice %arg5[%dma_wait3A_568, %dma_wait3A_569] : memref<4x256xi32, #tpu.memory_space<vmem>> -> memref<1x32xi32, #tpu.memory_space<vmem>>
    %dma_wait3A_571 = tpu.memref_squeeze %dma_wait3A_570 : memref<1x32xi32, #tpu.memory_space<vmem>> -> memref<32xi32, #tpu.memory_space<vmem>>
    %dma_wait3A_572 = arith.constant 0 : i32
    %dma_wait3A_573 = arith.constant 0 : i32
    %dma_wait3A_574 = tpu.memref_slice %arg3[%dma_wait3A_572, %dma_wait3A_573] : memref<8192x1024xf32, #tpu.memory_space<hbm>> -> memref<8192x1024xf32, #tpu.memory_space<hbm>>
    tpu.wait_indirect_dma semaphore(%arg9 : memref<!tpu.dma_semaphore, #tpu.memory_space<semaphore_mem>>) src(%dma_wait3A_574 : memref<8192x1024xf32, #tpu.memory_space<hbm>>) dst(%arg6 : memref<32x1024xf32, #tpu.memory_space<vmem>>)
    %add3A_575 = arith.constant 16384 : i32
    %add3A_576 = arith.addi %add3A_575, %mul3A_2 : i32
    %add3A_577 = arith.constant 160 : i32
    %add3A_578 = arith.addi %add3A_576, %add3A_577 : i32
    %dma_start3A_579 = arith.constant 0 : i32
    %dma_start3A_580 = tpu.memref_slice %arg4[%add3A_578, %dma_start3A_579] : memref<32768x1024xf32, #tpu.memory_space<hbm>> -> memref<32x1024xf32, #tpu.memory_space<hbm>>
    %dma_start3A_581 = arith.constant 0 : i32
    %dma_start3A_582 = tpu.memref_slice %arg4[%add3A_578, %dma_start3A_581] : memref<32768x1024xf32, #tpu.memory_space<hbm>> -> memref<32x1024xf32, #tpu.memory_space<hbm>>
    tpu.enqueue_dma source(%arg6 : memref<32x1024xf32, #tpu.memory_space<vmem>>) target(%dma_start3A_582 : memref<32x1024xf32, #tpu.memory_space<hbm>>) target_semaphore(%arg12 : memref<!tpu.dma_semaphore, #tpu.memory_space<semaphore_mem>>)
    %dma_wait3A_583 = arith.constant 0 : i32
    %dma_wait3A_584 = tpu.memref_slice %arg4[%add3A_578, %dma_wait3A_583] : memref<32768x1024xf32, #tpu.memory_space<hbm>> -> memref<32x1024xf32, #tpu.memory_space<hbm>>
    %dma_wait3A_585 = arith.constant 0 : i32
    %dma_wait3A_586 = tpu.memref_slice %arg4[%add3A_578, %dma_wait3A_585] : memref<32768x1024xf32, #tpu.memory_space<hbm>> -> memref<32x1024xf32, #tpu.memory_space<hbm>>
    tpu.wait_dma2 semaphore(%arg12 : memref<!tpu.dma_semaphore, #tpu.memory_space<semaphore_mem>>) src(%arg6 : memref<32x1024xf32, #tpu.memory_space<vmem>>) dst(%dma_wait3A_586 : memref<32x1024xf32, #tpu.memory_space<hbm>>)
    %dma_start3A_587 = arith.constant 3 : i32
    %dma_start3A_588 = arith.constant 0 : i32
    %dma_start3A_589 = tpu.memref_slice %arg5[%dma_start3A_587, %dma_start3A_588] : memref<4x256xi32, #tpu.memory_space<vmem>> -> memref<1x32xi32, #tpu.memory_space<vmem>>
    %dma_start3A_590 = tpu.memref_squeeze %dma_start3A_589 : memref<1x32xi32, #tpu.memory_space<vmem>> -> memref<32xi32, #tpu.memory_space<vmem>>
    %dma_start3A_591 = arith.constant 0 : i32
    %dma_start3A_592 = arith.constant 0 : i32
    %dma_start3A_593 = tpu.memref_slice %arg3[%dma_start3A_591, %dma_start3A_592] : memref<8192x1024xf32, #tpu.memory_space<hbm>> -> memref<8192x1024xf32, #tpu.memory_space<hbm>>
    tpu.enqueue_indirect_dma source(%dma_start3A_593 : memref<8192x1024xf32, #tpu.memory_space<hbm>>) target(%arg6 : memref<32x1024xf32, #tpu.memory_space<vmem>>) offsets(%dma_start3A_590 : memref<32xi32, #tpu.memory_space<vmem>>) semaphore(%arg9 : memref<!tpu.dma_semaphore, #tpu.memory_space<semaphore_mem>>)
    %dma_wait3A_594 = arith.constant 2 : i32
    %dma_wait3A_595 = arith.constant 192 : i32
    %dma_wait3A_596 = tpu.memref_slice %arg5[%dma_wait3A_594, %dma_wait3A_595] : memref<4x256xi32, #tpu.memory_space<vmem>> -> memref<1x32xi32, #tpu.memory_space<vmem>>
    %dma_wait3A_597 = tpu.memref_squeeze %dma_wait3A_596 : memref<1x32xi32, #tpu.memory_space<vmem>> -> memref<32xi32, #tpu.memory_space<vmem>>
    %dma_wait3A_598 = arith.constant 0 : i32
    %dma_wait3A_599 = arith.constant 0 : i32
    %dma_wait3A_600 = tpu.memref_slice %arg3[%dma_wait3A_598, %dma_wait3A_599] : memref<8192x1024xf32, #tpu.memory_space<hbm>> -> memref<8192x1024xf32, #tpu.memory_space<hbm>>
    tpu.wait_indirect_dma semaphore(%arg10 : memref<!tpu.dma_semaphore, #tpu.memory_space<semaphore_mem>>) src(%dma_wait3A_600 : memref<8192x1024xf32, #tpu.memory_space<hbm>>) dst(%arg7 : memref<32x1024xf32, #tpu.memory_space<vmem>>)
    %add3A_601 = arith.constant 16384 : i32
    %add3A_602 = arith.addi %add3A_601, %mul3A_2 : i32
    %add3A_603 = arith.constant 192 : i32
    %add3A_604 = arith.addi %add3A_602, %add3A_603 : i32
    %dma_start3A_605 = arith.constant 0 : i32
    %dma_start3A_606 = tpu.memref_slice %arg4[%add3A_604, %dma_start3A_605] : memref<32768x1024xf32, #tpu.memory_space<hbm>> -> memref<32x1024xf32, #tpu.memory_space<hbm>>
    %dma_start3A_607 = arith.constant 0 : i32
    %dma_start3A_608 = tpu.memref_slice %arg4[%add3A_604, %dma_start3A_607] : memref<32768x1024xf32, #tpu.memory_space<hbm>> -> memref<32x1024xf32, #tpu.memory_space<hbm>>
    tpu.enqueue_dma source(%arg7 : memref<32x1024xf32, #tpu.memory_space<vmem>>) target(%dma_start3A_608 : memref<32x1024xf32, #tpu.memory_space<hbm>>) target_semaphore(%arg13 : memref<!tpu.dma_semaphore, #tpu.memory_space<semaphore_mem>>)
    %dma_wait3A_609 = arith.constant 0 : i32
    %dma_wait3A_610 = tpu.memref_slice %arg4[%add3A_604, %dma_wait3A_609] : memref<32768x1024xf32, #tpu.memory_space<hbm>> -> memref<32x1024xf32, #tpu.memory_space<hbm>>
    %dma_wait3A_611 = arith.constant 0 : i32
    %dma_wait3A_612 = tpu.memref_slice %arg4[%add3A_604, %dma_wait3A_611] : memref<32768x1024xf32, #tpu.memory_space<hbm>> -> memref<32x1024xf32, #tpu.memory_space<hbm>>
    tpu.wait_dma2 semaphore(%arg13 : memref<!tpu.dma_semaphore, #tpu.memory_space<semaphore_mem>>) src(%arg7 : memref<32x1024xf32, #tpu.memory_space<vmem>>) dst(%dma_wait3A_612 : memref<32x1024xf32, #tpu.memory_space<hbm>>)
    %dma_start3A_613 = arith.constant 3 : i32
    %dma_start3A_614 = arith.constant 32 : i32
    %dma_start3A_615 = tpu.memref_slice %arg5[%dma_start3A_613, %dma_start3A_614] : memref<4x256xi32, #tpu.memory_space<vmem>> -> memref<1x32xi32, #tpu.memory_space<vmem>>
    %dma_start3A_616 = tpu.memref_squeeze %dma_start3A_615 : memref<1x32xi32, #tpu.memory_space<vmem>> -> memref<32xi32, #tpu.memory_space<vmem>>
    %dma_start3A_617 = arith.constant 0 : i32
    %dma_start3A_618 = arith.constant 0 : i32
    %dma_start3A_619 = tpu.memref_slice %arg3[%dma_start3A_617, %dma_start3A_618] : memref<8192x1024xf32, #tpu.memory_space<hbm>> -> memref<8192x1024xf32, #tpu.memory_space<hbm>>
    tpu.enqueue_indirect_dma source(%dma_start3A_619 : memref<8192x1024xf32, #tpu.memory_space<hbm>>) target(%arg7 : memref<32x1024xf32, #tpu.memory_space<vmem>>) offsets(%dma_start3A_616 : memref<32xi32, #tpu.memory_space<vmem>>) semaphore(%arg10 : memref<!tpu.dma_semaphore, #tpu.memory_space<semaphore_mem>>)
    %dma_wait3A_620 = arith.constant 2 : i32
    %dma_wait3A_621 = arith.constant 224 : i32
    %dma_wait3A_622 = tpu.memref_slice %arg5[%dma_wait3A_620, %dma_wait3A_621] : memref<4x256xi32, #tpu.memory_space<vmem>> -> memref<1x32xi32, #tpu.memory_space<vmem>>
    %dma_wait3A_623 = tpu.memref_squeeze %dma_wait3A_622 : memref<1x32xi32, #tpu.memory_space<vmem>> -> memref<32xi32, #tpu.memory_space<vmem>>
    %dma_wait3A_624 = arith.constant 0 : i32
    %dma_wait3A_625 = arith.constant 0 : i32
    %dma_wait3A_626 = tpu.memref_slice %arg3[%dma_wait3A_624, %dma_wait3A_625] : memref<8192x1024xf32, #tpu.memory_space<hbm>> -> memref<8192x1024xf32, #tpu.memory_space<hbm>>
    tpu.wait_indirect_dma semaphore(%arg11 : memref<!tpu.dma_semaphore, #tpu.memory_space<semaphore_mem>>) src(%dma_wait3A_626 : memref<8192x1024xf32, #tpu.memory_space<hbm>>) dst(%arg8 : memref<32x1024xf32, #tpu.memory_space<vmem>>)
    %add3A_627 = arith.constant 16384 : i32
    %add3A_628 = arith.addi %add3A_627, %mul3A_2 : i32
    %add3A_629 = arith.constant 224 : i32
    %add3A_630 = arith.addi %add3A_628, %add3A_629 : i32
    %dma_start3A_631 = arith.constant 0 : i32
    %dma_start3A_632 = tpu.memref_slice %arg4[%add3A_630, %dma_start3A_631] : memref<32768x1024xf32, #tpu.memory_space<hbm>> -> memref<32x1024xf32, #tpu.memory_space<hbm>>
    %dma_start3A_633 = arith.constant 0 : i32
    %dma_start3A_634 = tpu.memref_slice %arg4[%add3A_630, %dma_start3A_633] : memref<32768x1024xf32, #tpu.memory_space<hbm>> -> memref<32x1024xf32, #tpu.memory_space<hbm>>
    tpu.enqueue_dma source(%arg8 : memref<32x1024xf32, #tpu.memory_space<vmem>>) target(%dma_start3A_634 : memref<32x1024xf32, #tpu.memory_space<hbm>>) target_semaphore(%arg14 : memref<!tpu.dma_semaphore, #tpu.memory_space<semaphore_mem>>)
    %dma_wait3A_635 = arith.constant 0 : i32
    %dma_wait3A_636 = tpu.memref_slice %arg4[%add3A_630, %dma_wait3A_635] : memref<32768x1024xf32, #tpu.memory_space<hbm>> -> memref<32x1024xf32, #tpu.memory_space<hbm>>
    %dma_wait3A_637 = arith.constant 0 : i32
    %dma_wait3A_638 = tpu.memref_slice %arg4[%add3A_630, %dma_wait3A_637] : memref<32768x1024xf32, #tpu.memory_space<hbm>> -> memref<32x1024xf32, #tpu.memory_space<hbm>>
    tpu.wait_dma2 semaphore(%arg14 : memref<!tpu.dma_semaphore, #tpu.memory_space<semaphore_mem>>) src(%arg8 : memref<32x1024xf32, #tpu.memory_space<vmem>>) dst(%dma_wait3A_638 : memref<32x1024xf32, #tpu.memory_space<hbm>>)
    %dma_start3A_639 = arith.constant 3 : i32
    %dma_start3A_640 = arith.constant 64 : i32
    %dma_start3A_641 = tpu.memref_slice %arg5[%dma_start3A_639, %dma_start3A_640] : memref<4x256xi32, #tpu.memory_space<vmem>> -> memref<1x32xi32, #tpu.memory_space<vmem>>
    %dma_start3A_642 = tpu.memref_squeeze %dma_start3A_641 : memref<1x32xi32, #tpu.memory_space<vmem>> -> memref<32xi32, #tpu.memory_space<vmem>>
    %dma_start3A_643 = arith.constant 0 : i32
    %dma_start3A_644 = arith.constant 0 : i32
    %dma_start3A_645 = tpu.memref_slice %arg3[%dma_start3A_643, %dma_start3A_644] : memref<8192x1024xf32, #tpu.memory_space<hbm>> -> memref<8192x1024xf32, #tpu.memory_space<hbm>>
    tpu.enqueue_indirect_dma source(%dma_start3A_645 : memref<8192x1024xf32, #tpu.memory_space<hbm>>) target(%arg8 : memref<32x1024xf32, #tpu.memory_space<vmem>>) offsets(%dma_start3A_642 : memref<32xi32, #tpu.memory_space<vmem>>) semaphore(%arg11 : memref<!tpu.dma_semaphore, #tpu.memory_space<semaphore_mem>>)
    %dma_wait3A_646 = arith.constant 3 : i32
    %dma_wait3A_647 = arith.constant 0 : i32
    %dma_wait3A_648 = tpu.memref_slice %arg5[%dma_wait3A_646, %dma_wait3A_647] : memref<4x256xi32, #tpu.memory_space<vmem>> -> memref<1x32xi32, #tpu.memory_space<vmem>>
    %dma_wait3A_649 = tpu.memref_squeeze %dma_wait3A_648 : memref<1x32xi32, #tpu.memory_space<vmem>> -> memref<32xi32, #tpu.memory_space<vmem>>
    %dma_wait3A_650 = arith.constant 0 : i32
    %dma_wait3A_651 = arith.constant 0 : i32
    %dma_wait3A_652 = tpu.memref_slice %arg3[%dma_wait3A_650, %dma_wait3A_651] : memref<8192x1024xf32, #tpu.memory_space<hbm>> -> memref<8192x1024xf32, #tpu.memory_space<hbm>>
    tpu.wait_indirect_dma semaphore(%arg9 : memref<!tpu.dma_semaphore, #tpu.memory_space<semaphore_mem>>) src(%dma_wait3A_652 : memref<8192x1024xf32, #tpu.memory_space<hbm>>) dst(%arg6 : memref<32x1024xf32, #tpu.memory_space<vmem>>)
    %add3A_653 = arith.constant 24576 : i32
    %add3A_654 = arith.addi %add3A_653, %mul3A_2 : i32
    %add3A_655 = arith.constant 0 : i32
    %add3A_656 = arith.addi %add3A_654, %add3A_655 : i32
    %dma_start3A_657 = arith.constant 0 : i32
    %dma_start3A_658 = tpu.memref_slice %arg4[%add3A_656, %dma_start3A_657] : memref<32768x1024xf32, #tpu.memory_space<hbm>> -> memref<32x1024xf32, #tpu.memory_space<hbm>>
    %dma_start3A_659 = arith.constant 0 : i32
    %dma_start3A_660 = tpu.memref_slice %arg4[%add3A_656, %dma_start3A_659] : memref<32768x1024xf32, #tpu.memory_space<hbm>> -> memref<32x1024xf32, #tpu.memory_space<hbm>>
    tpu.enqueue_dma source(%arg6 : memref<32x1024xf32, #tpu.memory_space<vmem>>) target(%dma_start3A_660 : memref<32x1024xf32, #tpu.memory_space<hbm>>) target_semaphore(%arg12 : memref<!tpu.dma_semaphore, #tpu.memory_space<semaphore_mem>>)
    %dma_wait3A_661 = arith.constant 0 : i32
    %dma_wait3A_662 = tpu.memref_slice %arg4[%add3A_656, %dma_wait3A_661] : memref<32768x1024xf32, #tpu.memory_space<hbm>> -> memref<32x1024xf32, #tpu.memory_space<hbm>>
    %dma_wait3A_663 = arith.constant 0 : i32
    %dma_wait3A_664 = tpu.memref_slice %arg4[%add3A_656, %dma_wait3A_663] : memref<32768x1024xf32, #tpu.memory_space<hbm>> -> memref<32x1024xf32, #tpu.memory_space<hbm>>
    tpu.wait_dma2 semaphore(%arg12 : memref<!tpu.dma_semaphore, #tpu.memory_space<semaphore_mem>>) src(%arg6 : memref<32x1024xf32, #tpu.memory_space<vmem>>) dst(%dma_wait3A_664 : memref<32x1024xf32, #tpu.memory_space<hbm>>)
    %dma_start3A_665 = arith.constant 3 : i32
    %dma_start3A_666 = arith.constant 96 : i32
    %dma_start3A_667 = tpu.memref_slice %arg5[%dma_start3A_665, %dma_start3A_666] : memref<4x256xi32, #tpu.memory_space<vmem>> -> memref<1x32xi32, #tpu.memory_space<vmem>>
    %dma_start3A_668 = tpu.memref_squeeze %dma_start3A_667 : memref<1x32xi32, #tpu.memory_space<vmem>> -> memref<32xi32, #tpu.memory_space<vmem>>
    %dma_start3A_669 = arith.constant 0 : i32
    %dma_start3A_670 = arith.constant 0 : i32
    %dma_start3A_671 = tpu.memref_slice %arg3[%dma_start3A_669, %dma_start3A_670] : memref<8192x1024xf32, #tpu.memory_space<hbm>> -> memref<8192x1024xf32, #tpu.memory_space<hbm>>
    tpu.enqueue_indirect_dma source(%dma_start3A_671 : memref<8192x1024xf32, #tpu.memory_space<hbm>>) target(%arg6 : memref<32x1024xf32, #tpu.memory_space<vmem>>) offsets(%dma_start3A_668 : memref<32xi32, #tpu.memory_space<vmem>>) semaphore(%arg9 : memref<!tpu.dma_semaphore, #tpu.memory_space<semaphore_mem>>)
    %dma_wait3A_672 = arith.constant 3 : i32
    %dma_wait3A_673 = arith.constant 32 : i32
    %dma_wait3A_674 = tpu.memref_slice %arg5[%dma_wait3A_672, %dma_wait3A_673] : memref<4x256xi32, #tpu.memory_space<vmem>> -> memref<1x32xi32, #tpu.memory_space<vmem>>
    %dma_wait3A_675 = tpu.memref_squeeze %dma_wait3A_674 : memref<1x32xi32, #tpu.memory_space<vmem>> -> memref<32xi32, #tpu.memory_space<vmem>>
    %dma_wait3A_676 = arith.constant 0 : i32
    %dma_wait3A_677 = arith.constant 0 : i32
    %dma_wait3A_678 = tpu.memref_slice %arg3[%dma_wait3A_676, %dma_wait3A_677] : memref<8192x1024xf32, #tpu.memory_space<hbm>> -> memref<8192x1024xf32, #tpu.memory_space<hbm>>
    tpu.wait_indirect_dma semaphore(%arg10 : memref<!tpu.dma_semaphore, #tpu.memory_space<semaphore_mem>>) src(%dma_wait3A_678 : memref<8192x1024xf32, #tpu.memory_space<hbm>>) dst(%arg7 : memref<32x1024xf32, #tpu.memory_space<vmem>>)
    %add3A_679 = arith.constant 24576 : i32
    %add3A_680 = arith.addi %add3A_679, %mul3A_2 : i32
    %add3A_681 = arith.constant 32 : i32
    %add3A_682 = arith.addi %add3A_680, %add3A_681 : i32
    %dma_start3A_683 = arith.constant 0 : i32
    %dma_start3A_684 = tpu.memref_slice %arg4[%add3A_682, %dma_start3A_683] : memref<32768x1024xf32, #tpu.memory_space<hbm>> -> memref<32x1024xf32, #tpu.memory_space<hbm>>
    %dma_start3A_685 = arith.constant 0 : i32
    %dma_start3A_686 = tpu.memref_slice %arg4[%add3A_682, %dma_start3A_685] : memref<32768x1024xf32, #tpu.memory_space<hbm>> -> memref<32x1024xf32, #tpu.memory_space<hbm>>
    tpu.enqueue_dma source(%arg7 : memref<32x1024xf32, #tpu.memory_space<vmem>>) target(%dma_start3A_686 : memref<32x1024xf32, #tpu.memory_space<hbm>>) target_semaphore(%arg13 : memref<!tpu.dma_semaphore, #tpu.memory_space<semaphore_mem>>)
    %dma_wait3A_687 = arith.constant 0 : i32
    %dma_wait3A_688 = tpu.memref_slice %arg4[%add3A_682, %dma_wait3A_687] : memref<32768x1024xf32, #tpu.memory_space<hbm>> -> memref<32x1024xf32, #tpu.memory_space<hbm>>
    %dma_wait3A_689 = arith.constant 0 : i32
    %dma_wait3A_690 = tpu.memref_slice %arg4[%add3A_682, %dma_wait3A_689] : memref<32768x1024xf32, #tpu.memory_space<hbm>> -> memref<32x1024xf32, #tpu.memory_space<hbm>>
    tpu.wait_dma2 semaphore(%arg13 : memref<!tpu.dma_semaphore, #tpu.memory_space<semaphore_mem>>) src(%arg7 : memref<32x1024xf32, #tpu.memory_space<vmem>>) dst(%dma_wait3A_690 : memref<32x1024xf32, #tpu.memory_space<hbm>>)
    %dma_start3A_691 = arith.constant 3 : i32
    %dma_start3A_692 = arith.constant 128 : i32
    %dma_start3A_693 = tpu.memref_slice %arg5[%dma_start3A_691, %dma_start3A_692] : memref<4x256xi32, #tpu.memory_space<vmem>> -> memref<1x32xi32, #tpu.memory_space<vmem>>
    %dma_start3A_694 = tpu.memref_squeeze %dma_start3A_693 : memref<1x32xi32, #tpu.memory_space<vmem>> -> memref<32xi32, #tpu.memory_space<vmem>>
    %dma_start3A_695 = arith.constant 0 : i32
    %dma_start3A_696 = arith.constant 0 : i32
    %dma_start3A_697 = tpu.memref_slice %arg3[%dma_start3A_695, %dma_start3A_696] : memref<8192x1024xf32, #tpu.memory_space<hbm>> -> memref<8192x1024xf32, #tpu.memory_space<hbm>>
    tpu.enqueue_indirect_dma source(%dma_start3A_697 : memref<8192x1024xf32, #tpu.memory_space<hbm>>) target(%arg7 : memref<32x1024xf32, #tpu.memory_space<vmem>>) offsets(%dma_start3A_694 : memref<32xi32, #tpu.memory_space<vmem>>) semaphore(%arg10 : memref<!tpu.dma_semaphore, #tpu.memory_space<semaphore_mem>>)
    %dma_wait3A_698 = arith.constant 3 : i32
    %dma_wait3A_699 = arith.constant 64 : i32
    %dma_wait3A_700 = tpu.memref_slice %arg5[%dma_wait3A_698, %dma_wait3A_699] : memref<4x256xi32, #tpu.memory_space<vmem>> -> memref<1x32xi32, #tpu.memory_space<vmem>>
    %dma_wait3A_701 = tpu.memref_squeeze %dma_wait3A_700 : memref<1x32xi32, #tpu.memory_space<vmem>> -> memref<32xi32, #tpu.memory_space<vmem>>
    %dma_wait3A_702 = arith.constant 0 : i32
    %dma_wait3A_703 = arith.constant 0 : i32
    %dma_wait3A_704 = tpu.memref_slice %arg3[%dma_wait3A_702, %dma_wait3A_703] : memref<8192x1024xf32, #tpu.memory_space<hbm>> -> memref<8192x1024xf32, #tpu.memory_space<hbm>>
    tpu.wait_indirect_dma semaphore(%arg11 : memref<!tpu.dma_semaphore, #tpu.memory_space<semaphore_mem>>) src(%dma_wait3A_704 : memref<8192x1024xf32, #tpu.memory_space<hbm>>) dst(%arg8 : memref<32x1024xf32, #tpu.memory_space<vmem>>)
    %add3A_705 = arith.constant 24576 : i32
    %add3A_706 = arith.addi %add3A_705, %mul3A_2 : i32
    %add3A_707 = arith.constant 64 : i32
    %add3A_708 = arith.addi %add3A_706, %add3A_707 : i32
    %dma_start3A_709 = arith.constant 0 : i32
    %dma_start3A_710 = tpu.memref_slice %arg4[%add3A_708, %dma_start3A_709] : memref<32768x1024xf32, #tpu.memory_space<hbm>> -> memref<32x1024xf32, #tpu.memory_space<hbm>>
    %dma_start3A_711 = arith.constant 0 : i32
    %dma_start3A_712 = tpu.memref_slice %arg4[%add3A_708, %dma_start3A_711] : memref<32768x1024xf32, #tpu.memory_space<hbm>> -> memref<32x1024xf32, #tpu.memory_space<hbm>>
    tpu.enqueue_dma source(%arg8 : memref<32x1024xf32, #tpu.memory_space<vmem>>) target(%dma_start3A_712 : memref<32x1024xf32, #tpu.memory_space<hbm>>) target_semaphore(%arg14 : memref<!tpu.dma_semaphore, #tpu.memory_space<semaphore_mem>>)
    %dma_wait3A_713 = arith.constant 0 : i32
    %dma_wait3A_714 = tpu.memref_slice %arg4[%add3A_708, %dma_wait3A_713] : memref<32768x1024xf32, #tpu.memory_space<hbm>> -> memref<32x1024xf32, #tpu.memory_space<hbm>>
    %dma_wait3A_715 = arith.constant 0 : i32
    %dma_wait3A_716 = tpu.memref_slice %arg4[%add3A_708, %dma_wait3A_715] : memref<32768x1024xf32, #tpu.memory_space<hbm>> -> memref<32x1024xf32, #tpu.memory_space<hbm>>
    tpu.wait_dma2 semaphore(%arg14 : memref<!tpu.dma_semaphore, #tpu.memory_space<semaphore_mem>>) src(%arg8 : memref<32x1024xf32, #tpu.memory_space<vmem>>) dst(%dma_wait3A_716 : memref<32x1024xf32, #tpu.memory_space<hbm>>)
    %dma_start3A_717 = arith.constant 3 : i32
    %dma_start3A_718 = arith.constant 160 : i32
    %dma_start3A_719 = tpu.memref_slice %arg5[%dma_start3A_717, %dma_start3A_718] : memref<4x256xi32, #tpu.memory_space<vmem>> -> memref<1x32xi32, #tpu.memory_space<vmem>>
    %dma_start3A_720 = tpu.memref_squeeze %dma_start3A_719 : memref<1x32xi32, #tpu.memory_space<vmem>> -> memref<32xi32, #tpu.memory_space<vmem>>
    %dma_start3A_721 = arith.constant 0 : i32
    %dma_start3A_722 = arith.constant 0 : i32
    %dma_start3A_723 = tpu.memref_slice %arg3[%dma_start3A_721, %dma_start3A_722] : memref<8192x1024xf32, #tpu.memory_space<hbm>> -> memref<8192x1024xf32, #tpu.memory_space<hbm>>
    tpu.enqueue_indirect_dma source(%dma_start3A_723 : memref<8192x1024xf32, #tpu.memory_space<hbm>>) target(%arg8 : memref<32x1024xf32, #tpu.memory_space<vmem>>) offsets(%dma_start3A_720 : memref<32xi32, #tpu.memory_space<vmem>>) semaphore(%arg11 : memref<!tpu.dma_semaphore, #tpu.memory_space<semaphore_mem>>)
    %dma_wait3A_724 = arith.constant 3 : i32
    %dma_wait3A_725 = arith.constant 96 : i32
    %dma_wait3A_726 = tpu.memref_slice %arg5[%dma_wait3A_724, %dma_wait3A_725] : memref<4x256xi32, #tpu.memory_space<vmem>> -> memref<1x32xi32, #tpu.memory_space<vmem>>
    %dma_wait3A_727 = tpu.memref_squeeze %dma_wait3A_726 : memref<1x32xi32, #tpu.memory_space<vmem>> -> memref<32xi32, #tpu.memory_space<vmem>>
    %dma_wait3A_728 = arith.constant 0 : i32
    %dma_wait3A_729 = arith.constant 0 : i32
    %dma_wait3A_730 = tpu.memref_slice %arg3[%dma_wait3A_728, %dma_wait3A_729] : memref<8192x1024xf32, #tpu.memory_space<hbm>> -> memref<8192x1024xf32, #tpu.memory_space<hbm>>
    tpu.wait_indirect_dma semaphore(%arg9 : memref<!tpu.dma_semaphore, #tpu.memory_space<semaphore_mem>>) src(%dma_wait3A_730 : memref<8192x1024xf32, #tpu.memory_space<hbm>>) dst(%arg6 : memref<32x1024xf32, #tpu.memory_space<vmem>>)
    %add3A_731 = arith.constant 24576 : i32
    %add3A_732 = arith.addi %add3A_731, %mul3A_2 : i32
    %add3A_733 = arith.constant 96 : i32
    %add3A_734 = arith.addi %add3A_732, %add3A_733 : i32
    %dma_start3A_735 = arith.constant 0 : i32
    %dma_start3A_736 = tpu.memref_slice %arg4[%add3A_734, %dma_start3A_735] : memref<32768x1024xf32, #tpu.memory_space<hbm>> -> memref<32x1024xf32, #tpu.memory_space<hbm>>
    %dma_start3A_737 = arith.constant 0 : i32
    %dma_start3A_738 = tpu.memref_slice %arg4[%add3A_734, %dma_start3A_737] : memref<32768x1024xf32, #tpu.memory_space<hbm>> -> memref<32x1024xf32, #tpu.memory_space<hbm>>
    tpu.enqueue_dma source(%arg6 : memref<32x1024xf32, #tpu.memory_space<vmem>>) target(%dma_start3A_738 : memref<32x1024xf32, #tpu.memory_space<hbm>>) target_semaphore(%arg12 : memref<!tpu.dma_semaphore, #tpu.memory_space<semaphore_mem>>)
    %dma_wait3A_739 = arith.constant 0 : i32
    %dma_wait3A_740 = tpu.memref_slice %arg4[%add3A_734, %dma_wait3A_739] : memref<32768x1024xf32, #tpu.memory_space<hbm>> -> memref<32x1024xf32, #tpu.memory_space<hbm>>
    %dma_wait3A_741 = arith.constant 0 : i32
    %dma_wait3A_742 = tpu.memref_slice %arg4[%add3A_734, %dma_wait3A_741] : memref<32768x1024xf32, #tpu.memory_space<hbm>> -> memref<32x1024xf32, #tpu.memory_space<hbm>>
    tpu.wait_dma2 semaphore(%arg12 : memref<!tpu.dma_semaphore, #tpu.memory_space<semaphore_mem>>) src(%arg6 : memref<32x1024xf32, #tpu.memory_space<vmem>>) dst(%dma_wait3A_742 : memref<32x1024xf32, #tpu.memory_space<hbm>>)
    %dma_start3A_743 = arith.constant 3 : i32
    %dma_start3A_744 = arith.constant 192 : i32
    %dma_start3A_745 = tpu.memref_slice %arg5[%dma_start3A_743, %dma_start3A_744] : memref<4x256xi32, #tpu.memory_space<vmem>> -> memref<1x32xi32, #tpu.memory_space<vmem>>
    %dma_start3A_746 = tpu.memref_squeeze %dma_start3A_745 : memref<1x32xi32, #tpu.memory_space<vmem>> -> memref<32xi32, #tpu.memory_space<vmem>>
    %dma_start3A_747 = arith.constant 0 : i32
    %dma_start3A_748 = arith.constant 0 : i32
    %dma_start3A_749 = tpu.memref_slice %arg3[%dma_start3A_747, %dma_start3A_748] : memref<8192x1024xf32, #tpu.memory_space<hbm>> -> memref<8192x1024xf32, #tpu.memory_space<hbm>>
    tpu.enqueue_indirect_dma source(%dma_start3A_749 : memref<8192x1024xf32, #tpu.memory_space<hbm>>) target(%arg6 : memref<32x1024xf32, #tpu.memory_space<vmem>>) offsets(%dma_start3A_746 : memref<32xi32, #tpu.memory_space<vmem>>) semaphore(%arg9 : memref<!tpu.dma_semaphore, #tpu.memory_space<semaphore_mem>>)
    %dma_wait3A_750 = arith.constant 3 : i32
    %dma_wait3A_751 = arith.constant 128 : i32
    %dma_wait3A_752 = tpu.memref_slice %arg5[%dma_wait3A_750, %dma_wait3A_751] : memref<4x256xi32, #tpu.memory_space<vmem>> -> memref<1x32xi32, #tpu.memory_space<vmem>>
    %dma_wait3A_753 = tpu.memref_squeeze %dma_wait3A_752 : memref<1x32xi32, #tpu.memory_space<vmem>> -> memref<32xi32, #tpu.memory_space<vmem>>
    %dma_wait3A_754 = arith.constant 0 : i32
    %dma_wait3A_755 = arith.constant 0 : i32
    %dma_wait3A_756 = tpu.memref_slice %arg3[%dma_wait3A_754, %dma_wait3A_755] : memref<8192x1024xf32, #tpu.memory_space<hbm>> -> memref<8192x1024xf32, #tpu.memory_space<hbm>>
    tpu.wait_indirect_dma semaphore(%arg10 : memref<!tpu.dma_semaphore, #tpu.memory_space<semaphore_mem>>) src(%dma_wait3A_756 : memref<8192x1024xf32, #tpu.memory_space<hbm>>) dst(%arg7 : memref<32x1024xf32, #tpu.memory_space<vmem>>)
    %add3A_757 = arith.constant 24576 : i32
    %add3A_758 = arith.addi %add3A_757, %mul3A_2 : i32
    %add3A_759 = arith.constant 128 : i32
    %add3A_760 = arith.addi %add3A_758, %add3A_759 : i32
    %dma_start3A_761 = arith.constant 0 : i32
    %dma_start3A_762 = tpu.memref_slice %arg4[%add3A_760, %dma_start3A_761] : memref<32768x1024xf32, #tpu.memory_space<hbm>> -> memref<32x1024xf32, #tpu.memory_space<hbm>>
    %dma_start3A_763 = arith.constant 0 : i32
    %dma_start3A_764 = tpu.memref_slice %arg4[%add3A_760, %dma_start3A_763] : memref<32768x1024xf32, #tpu.memory_space<hbm>> -> memref<32x1024xf32, #tpu.memory_space<hbm>>
    tpu.enqueue_dma source(%arg7 : memref<32x1024xf32, #tpu.memory_space<vmem>>) target(%dma_start3A_764 : memref<32x1024xf32, #tpu.memory_space<hbm>>) target_semaphore(%arg13 : memref<!tpu.dma_semaphore, #tpu.memory_space<semaphore_mem>>)
    %dma_wait3A_765 = arith.constant 0 : i32
    %dma_wait3A_766 = tpu.memref_slice %arg4[%add3A_760, %dma_wait3A_765] : memref<32768x1024xf32, #tpu.memory_space<hbm>> -> memref<32x1024xf32, #tpu.memory_space<hbm>>
    %dma_wait3A_767 = arith.constant 0 : i32
    %dma_wait3A_768 = tpu.memref_slice %arg4[%add3A_760, %dma_wait3A_767] : memref<32768x1024xf32, #tpu.memory_space<hbm>> -> memref<32x1024xf32, #tpu.memory_space<hbm>>
    tpu.wait_dma2 semaphore(%arg13 : memref<!tpu.dma_semaphore, #tpu.memory_space<semaphore_mem>>) src(%arg7 : memref<32x1024xf32, #tpu.memory_space<vmem>>) dst(%dma_wait3A_768 : memref<32x1024xf32, #tpu.memory_space<hbm>>)
    %dma_start3A_769 = arith.constant 3 : i32
    %dma_start3A_770 = arith.constant 224 : i32
    %dma_start3A_771 = tpu.memref_slice %arg5[%dma_start3A_769, %dma_start3A_770] : memref<4x256xi32, #tpu.memory_space<vmem>> -> memref<1x32xi32, #tpu.memory_space<vmem>>
    %dma_start3A_772 = tpu.memref_squeeze %dma_start3A_771 : memref<1x32xi32, #tpu.memory_space<vmem>> -> memref<32xi32, #tpu.memory_space<vmem>>
    %dma_start3A_773 = arith.constant 0 : i32
    %dma_start3A_774 = arith.constant 0 : i32
    %dma_start3A_775 = tpu.memref_slice %arg3[%dma_start3A_773, %dma_start3A_774] : memref<8192x1024xf32, #tpu.memory_space<hbm>> -> memref<8192x1024xf32, #tpu.memory_space<hbm>>
    tpu.enqueue_indirect_dma source(%dma_start3A_775 : memref<8192x1024xf32, #tpu.memory_space<hbm>>) target(%arg7 : memref<32x1024xf32, #tpu.memory_space<vmem>>) offsets(%dma_start3A_772 : memref<32xi32, #tpu.memory_space<vmem>>) semaphore(%arg10 : memref<!tpu.dma_semaphore, #tpu.memory_space<semaphore_mem>>)
    %dma_wait3A_776 = arith.constant 3 : i32
    %dma_wait3A_777 = arith.constant 160 : i32
    %dma_wait3A_778 = tpu.memref_slice %arg5[%dma_wait3A_776, %dma_wait3A_777] : memref<4x256xi32, #tpu.memory_space<vmem>> -> memref<1x32xi32, #tpu.memory_space<vmem>>
    %dma_wait3A_779 = tpu.memref_squeeze %dma_wait3A_778 : memref<1x32xi32, #tpu.memory_space<vmem>> -> memref<32xi32, #tpu.memory_space<vmem>>
    %dma_wait3A_780 = arith.constant 0 : i32
    %dma_wait3A_781 = arith.constant 0 : i32
    %dma_wait3A_782 = tpu.memref_slice %arg3[%dma_wait3A_780, %dma_wait3A_781] : memref<8192x1024xf32, #tpu.memory_space<hbm>> -> memref<8192x1024xf32, #tpu.memory_space<hbm>>
    tpu.wait_indirect_dma semaphore(%arg11 : memref<!tpu.dma_semaphore, #tpu.memory_space<semaphore_mem>>) src(%dma_wait3A_782 : memref<8192x1024xf32, #tpu.memory_space<hbm>>) dst(%arg8 : memref<32x1024xf32, #tpu.memory_space<vmem>>)
    %add3A_783 = arith.constant 24576 : i32
    %add3A_784 = arith.addi %add3A_783, %mul3A_2 : i32
    %add3A_785 = arith.constant 160 : i32
    %add3A_786 = arith.addi %add3A_784, %add3A_785 : i32
    %dma_start3A_787 = arith.constant 0 : i32
    %dma_start3A_788 = tpu.memref_slice %arg4[%add3A_786, %dma_start3A_787] : memref<32768x1024xf32, #tpu.memory_space<hbm>> -> memref<32x1024xf32, #tpu.memory_space<hbm>>
    %dma_start3A_789 = arith.constant 0 : i32
    %dma_start3A_790 = tpu.memref_slice %arg4[%add3A_786, %dma_start3A_789] : memref<32768x1024xf32, #tpu.memory_space<hbm>> -> memref<32x1024xf32, #tpu.memory_space<hbm>>
    tpu.enqueue_dma source(%arg8 : memref<32x1024xf32, #tpu.memory_space<vmem>>) target(%dma_start3A_790 : memref<32x1024xf32, #tpu.memory_space<hbm>>) target_semaphore(%arg14 : memref<!tpu.dma_semaphore, #tpu.memory_space<semaphore_mem>>)
    %dma_wait3A_791 = arith.constant 3 : i32
    %dma_wait3A_792 = arith.constant 192 : i32
    %dma_wait3A_793 = tpu.memref_slice %arg5[%dma_wait3A_791, %dma_wait3A_792] : memref<4x256xi32, #tpu.memory_space<vmem>> -> memref<1x32xi32, #tpu.memory_space<vmem>>
    %dma_wait3A_794 = tpu.memref_squeeze %dma_wait3A_793 : memref<1x32xi32, #tpu.memory_space<vmem>> -> memref<32xi32, #tpu.memory_space<vmem>>
    %dma_wait3A_795 = arith.constant 0 : i32
    %dma_wait3A_796 = arith.constant 0 : i32
    %dma_wait3A_797 = tpu.memref_slice %arg3[%dma_wait3A_795, %dma_wait3A_796] : memref<8192x1024xf32, #tpu.memory_space<hbm>> -> memref<8192x1024xf32, #tpu.memory_space<hbm>>
    tpu.wait_indirect_dma semaphore(%arg9 : memref<!tpu.dma_semaphore, #tpu.memory_space<semaphore_mem>>) src(%dma_wait3A_797 : memref<8192x1024xf32, #tpu.memory_space<hbm>>) dst(%arg6 : memref<32x1024xf32, #tpu.memory_space<vmem>>)
    %add3A_798 = arith.constant 24576 : i32
    %add3A_799 = arith.addi %add3A_798, %mul3A_2 : i32
    %add3A_800 = arith.constant 192 : i32
    %add3A_801 = arith.addi %add3A_799, %add3A_800 : i32
    %dma_start3A_802 = arith.constant 0 : i32
    %dma_start3A_803 = tpu.memref_slice %arg4[%add3A_801, %dma_start3A_802] : memref<32768x1024xf32, #tpu.memory_space<hbm>> -> memref<32x1024xf32, #tpu.memory_space<hbm>>
    %dma_start3A_804 = arith.constant 0 : i32
    %dma_start3A_805 = tpu.memref_slice %arg4[%add3A_801, %dma_start3A_804] : memref<32768x1024xf32, #tpu.memory_space<hbm>> -> memref<32x1024xf32, #tpu.memory_space<hbm>>
    tpu.enqueue_dma source(%arg6 : memref<32x1024xf32, #tpu.memory_space<vmem>>) target(%dma_start3A_805 : memref<32x1024xf32, #tpu.memory_space<hbm>>) target_semaphore(%arg12 : memref<!tpu.dma_semaphore, #tpu.memory_space<semaphore_mem>>)
    %dma_wait3A_806 = arith.constant 3 : i32
    %dma_wait3A_807 = arith.constant 224 : i32
    %dma_wait3A_808 = tpu.memref_slice %arg5[%dma_wait3A_806, %dma_wait3A_807] : memref<4x256xi32, #tpu.memory_space<vmem>> -> memref<1x32xi32, #tpu.memory_space<vmem>>
    %dma_wait3A_809 = tpu.memref_squeeze %dma_wait3A_808 : memref<1x32xi32, #tpu.memory_space<vmem>> -> memref<32xi32, #tpu.memory_space<vmem>>
    %dma_wait3A_810 = arith.constant 0 : i32
    %dma_wait3A_811 = arith.constant 0 : i32
    %dma_wait3A_812 = tpu.memref_slice %arg3[%dma_wait3A_810, %dma_wait3A_811] : memref<8192x1024xf32, #tpu.memory_space<hbm>> -> memref<8192x1024xf32, #tpu.memory_space<hbm>>
    tpu.wait_indirect_dma semaphore(%arg10 : memref<!tpu.dma_semaphore, #tpu.memory_space<semaphore_mem>>) src(%dma_wait3A_812 : memref<8192x1024xf32, #tpu.memory_space<hbm>>) dst(%arg7 : memref<32x1024xf32, #tpu.memory_space<vmem>>)
    %add3A_813 = arith.constant 24576 : i32
    %add3A_814 = arith.addi %add3A_813, %mul3A_2 : i32
    %add3A_815 = arith.constant 224 : i32
    %add3A_816 = arith.addi %add3A_814, %add3A_815 : i32
    %dma_start3A_817 = arith.constant 0 : i32
    %dma_start3A_818 = tpu.memref_slice %arg4[%add3A_816, %dma_start3A_817] : memref<32768x1024xf32, #tpu.memory_space<hbm>> -> memref<32x1024xf32, #tpu.memory_space<hbm>>
    %dma_start3A_819 = arith.constant 0 : i32
    %dma_start3A_820 = tpu.memref_slice %arg4[%add3A_816, %dma_start3A_819] : memref<32768x1024xf32, #tpu.memory_space<hbm>> -> memref<32x1024xf32, #tpu.memory_space<hbm>>
    tpu.enqueue_dma source(%arg7 : memref<32x1024xf32, #tpu.memory_space<vmem>>) target(%dma_start3A_820 : memref<32x1024xf32, #tpu.memory_space<hbm>>) target_semaphore(%arg13 : memref<!tpu.dma_semaphore, #tpu.memory_space<semaphore_mem>>)
    %dma_wait3A_821 = arith.constant 0 : i32
    %dma_wait3A_822 = tpu.memref_slice %arg4[%add3A_786, %dma_wait3A_821] : memref<32768x1024xf32, #tpu.memory_space<hbm>> -> memref<32x1024xf32, #tpu.memory_space<hbm>>
    %dma_wait3A_823 = arith.constant 0 : i32
    %dma_wait3A_824 = tpu.memref_slice %arg4[%add3A_786, %dma_wait3A_823] : memref<32768x1024xf32, #tpu.memory_space<hbm>> -> memref<32x1024xf32, #tpu.memory_space<hbm>>
    tpu.wait_dma2 semaphore(%arg14 : memref<!tpu.dma_semaphore, #tpu.memory_space<semaphore_mem>>) src(%arg8 : memref<32x1024xf32, #tpu.memory_space<vmem>>) dst(%dma_wait3A_824 : memref<32x1024xf32, #tpu.memory_space<hbm>>)
    %dma_wait3A_825 = arith.constant 0 : i32
    %dma_wait3A_826 = tpu.memref_slice %arg4[%add3A_801, %dma_wait3A_825] : memref<32768x1024xf32, #tpu.memory_space<hbm>> -> memref<32x1024xf32, #tpu.memory_space<hbm>>
    %dma_wait3A_827 = arith.constant 0 : i32
    %dma_wait3A_828 = tpu.memref_slice %arg4[%add3A_801, %dma_wait3A_827] : memref<32768x1024xf32, #tpu.memory_space<hbm>> -> memref<32x1024xf32, #tpu.memory_space<hbm>>
    tpu.wait_dma2 semaphore(%arg12 : memref<!tpu.dma_semaphore, #tpu.memory_space<semaphore_mem>>) src(%arg6 : memref<32x1024xf32, #tpu.memory_space<vmem>>) dst(%dma_wait3A_828 : memref<32x1024xf32, #tpu.memory_space<hbm>>)
    %dma_wait3A_829 = arith.constant 0 : i32
    %dma_wait3A_830 = tpu.memref_slice %arg4[%add3A_816, %dma_wait3A_829] : memref<32768x1024xf32, #tpu.memory_space<hbm>> -> memref<32x1024xf32, #tpu.memory_space<hbm>>
    %dma_wait3A_831 = arith.constant 0 : i32
    %dma_wait3A_832 = tpu.memref_slice %arg4[%add3A_816, %dma_wait3A_831] : memref<32768x1024xf32, #tpu.memory_space<hbm>> -> memref<32x1024xf32, #tpu.memory_space<hbm>>
    tpu.wait_dma2 semaphore(%arg13 : memref<!tpu.dma_semaphore, #tpu.memory_space<semaphore_mem>>) src(%arg7 : memref<32x1024xf32, #tpu.memory_space<vmem>>) dst(%dma_wait3A_832 : memref<32x1024xf32, #tpu.memory_space<hbm>>)
    return
  }
}

</mosaic_0001>

<sc_bundles>
// kernel: _lookup.3.cloned.1.call-start
scs
__scs_entry_jumppad:
0x0: {  	(pc) =	sbr.rel $0x88, $3  }
0x1: {  	(tag) =	ssettag $0x0;
	lr =	simm.s32 $0x1  }
0x2: {  	[smem:$0x3F9F] =	sst lr;
	_ =	strace $0xD0000000  }
0x3: {  	_ = 	snop  }
0x4: {  	_ = 	snop  }
0x5: {  	_ = 	snop  }
0x6: {  	_ = 	snop  }
0x7: {  	_ = 	snop  }
__scs_overlays_trampoline_lowered:
0x8: {  	[smem:$0x3FAE] =	sst s0  }
0x9: {  	[smem:$0x3FAF] =	sst s1  }
0xa: {  	[smem:$0x3FB0] =	sst s2  }
0xb: {  	[smem:$0x3FB1] =	sst s3  }
0xc: {  	[smem:$0x3FB2] =	sst s4  }
0xd: {  	[smem:$0x3FB3] =	sst s5  }
0xe: {  	[smem:$0x3FB4] =	sst s6  }
0xf: {  	[smem:$0x3FB5] =	sst s7  }
0x10: {  	[smem:$0x3FB6] =	sst s8  }
0x11: {  	[smem:$0x3FB7] =	sst s9;
	s0 =	simm.s32 @!p0 $0x0  }
0x12: {  	s1 =	sld [smem:$0x3F9D];
	s0 =	simm.s32 @p0 $0x1  }
0x13: {  	[smem:$0x3FB8] =	sst s0;
	s0 =	simm.s32 @!p1 $0x0  }
0x14: {  	s2 =	sld [smem:$0x3F9C];
	s0 =	simm.s32 @p1 $0x1  }
0x15: {  	[smem:$0x3FB9] =	sst s0;
	s0 =	simm.s32 @!p2 $0x0  }
0x16: {  	s3 =	sld [smem:$0x3FDB];
	s0 =	simm.s32 @p2 $0x1  }
0x17: {  	s4 =	simm.s32 $0x1BF5;
	[smem:$0x3FBB] =	sst s0  }
0x18: {  	s0 =	sld [smem:$0x3F9E];
	_ =	swait.ge [sflag:s4], $0x0  }
0x19: {  	s7 =	sld [smem:$0x3F9F]  }
0x1a: {  	s8 =	sadd.s32 $0xFFFFE003, lr  }
0x1b: {  	s9 =	sadd.s32 $0xFFFFFEF7, lr;
	s5 =	simm.s32 $0xFFFFFFFF;
	p2 =	slt.u32 s8, $0xFFFFF086  }
0x1c: {  	p1 =	slt.u32 s9, $0xF7A;
	s5 =	simm.s32 @!p2 $0x0  }
0x1d: {  	s5 =	simm.s32 @p1 $0x1;
	p0 =	seq.s32 s7, s2  }
0x1e: {  	s7 =	smul.u32 @!p0 $0xF7A, s2;
	p2 =	seq.s32 @!p0 s5, $0x0  }
0x1f: {  	s9 =	smul.u32 $0xF7A, s1;
	s8 =	simm.s32 @!p0 $0x1BF5;
	p2 =	por !p2, p0  }
0x20: {  	[sflag:s8] =	ssyncset.s32 @!p0 $0xFFFFF086;
	s6 =	sadd.s32 @!p0 s3, s7;
	s7 =	simm.s32 @!p0 $0x108  }
0x21: {  	s3 =	sadd.s32 s3, s9;
	s6 =	sadd.s32 @!p0 $0x88, s6;
	s7 =	simm.s32 @p2 $0x1082  }
0x22: {  	[simem:s7], [sflag:s8] =	dma.local @!p0 [hbm:s6], $0xF7A  }
0x23: {  	s9 =	sor.u32 $0xD0000000, s2;
	s6 =	simm.s32 $0x108;
	_ =	swait.ge @!p0 [sflag:s8], $0x0  }
0x24: {  	s3 =	sadd.s32 $0x88, s3;
	s6 =	simm.s32 @!p1 $0x1082;
	[sflag:s4] =	ssyncset.s32 $0xFFFFF086  }
0x25: {  	[simem:s6], [sflag:s4] =	dma.local [hbm:s3], $0xF7A  }
0x26: {  	[smem:$0x3F9F] =	sst s1;
	(tag) =	ssettag s2;
	_ =	strace s9  }
0x27: {  	s1 =	sld [smem:$0x3FAF]  }
0x28: {  	s2 =	sld [smem:$0x3FB0]  }
0x29: {  	s4 =	sld [smem:$0x3FB2]  }
0x2a: {  	p0 =	seq.s32 s5, $0x0;
	s5 =	sld [smem:$0x3FB3]  }
0x2b: {  	s6 =	sld [smem:$0x3FB4]  }
0x2c: {  	s7 =	sld [smem:$0x3FB5]  }
0x2d: {  	s3 =	simm.s32 $0x108;
	s8 =	sld [smem:$0x3FB6]  }
0x2e: {  	s3 =	simm.s32 @!p0 $0x1082;
	s9 =	sld [smem:$0x3FB7]  }
0x2f: {  	lr =	sadd.s32 s0, s3;
	s0 =	sld [smem:$0x3FAE]  }
0x30: {  	s3 =	sld [smem:$0x3FB1]  }
0x31: {  	[smem:$0x3FBA] =	sst s10  }
0x32: {  	s10 =	sld [smem:$0x3FB8];
	_ =	sdelay $0x3  }
0x33: {  	p0 =	seq.s32 s10, $0x1;
	s10 =	sld [smem:$0x3FBA];
	_ =	sdelay $0x3  }
0x34: {  	[smem:$0x3FBA] =	sst s10  }
0x35: {  	s10 =	sld [smem:$0x3FB9];
	_ =	sdelay $0x3  }
0x36: {  	p1 =	seq.s32 s10, $0x1;
	s10 =	sld [smem:$0x3FBA];
	_ =	sdelay $0x3  }
0x37: {  	[smem:$0x3FBA] =	sst s10  }
0x38: {  	s10 =	sld [smem:$0x3FBB]  }
0x39: {  	_ = 	snop;
	(pc) =	sbr.ind lr, $3  }
0x3a: {  	_ = 	snop  }
0x3b: {  	_ = 	snop  }
0x3c: {  	p2 =	seq.s32 s10, $0x1;
	s10 =	sld [smem:$0x3FBA]  }
0x3d: {  	_ =	shalt  }
0x3e: {  	_ =	shalt  }
0x3f: {  	_ =	shalt  }
0x40: {  	_ =	shalt  }
0x41: {  	_ =	shalt  }
0x42: {  	_ =	shalt  }
0x43: {  	_ =	shalt  }
0x44: {  	_ =	shalt  }
0x45: {  	_ =	shalt  }
0x46: {  	_ =	shalt  }
0x47: {  	_ =	shalt  }
0x48: {  	_ =	shalt  }
0x49: {  	_ =	shalt  }
0x4a: {  	_ =	shalt  }
0x4b: {  	_ =	shalt  }
0x4c: {  	_ =	shalt  }
0x4d: {  	_ =	shalt  }
0x4e: {  	_ =	shalt  }
0x4f: {  	_ =	shalt  }
0x50: {  	_ =	shalt  }
0x51: {  	_ =	shalt  }
0x52: {  	_ =	shalt  }
0x53: {  	_ =	shalt  }
0x54: {  	_ =	shalt  }
0x55: {  	_ =	shalt  }
0x56: {  	_ =	shalt  }
0x57: {  	_ =	shalt  }
0x58: {  	_ =	shalt  }
0x59: {  	_ =	shalt  }
0x5a: {  	_ =	shalt  }
0x5b: {  	_ =	shalt  }
0x5c: {  	_ =	shalt  }
0x5d: {  	_ =	shalt  }
0x5e: {  	_ =	shalt  }
0x5f: {  	_ =	shalt  }
0x60: {  	_ =	shalt  }
0x61: {  	_ =	shalt  }
0x62: {  	_ =	shalt  }
0x63: {  	_ =	shalt  }
0x64: {  	_ =	shalt  }
0x65: {  	_ =	shalt  }
0x66: {  	_ =	shalt  }
0x67: {  	_ =	shalt  }
0x68: {  	_ =	shalt  }
0x69: {  	_ =	shalt  }
0x6a: {  	_ =	shalt  }
0x6b: {  	_ =	shalt  }
0x6c: {  	_ =	shalt  }
0x6d: {  	_ =	shalt  }
0x6e: {  	_ =	shalt  }
0x6f: {  	_ =	shalt  }
0x70: {  	_ =	shalt  }
0x71: {  	_ =	shalt  }
0x72: {  	_ =	shalt  }
0x73: {  	_ =	shalt  }
0x74: {  	_ =	shalt  }
0x75: {  	_ =	shalt  }
0x76: {  	_ =	shalt  }
0x77: {  	_ =	shalt  }
0x78: {  	_ =	shalt  }
0x79: {  	_ =	shalt  }
0x7a: {  	_ =	shalt  }
0x7b: {  	_ =	shalt  }
0x7c: {  	_ =	shalt  }
0x7d: {  	_ =	shalt  }
0x7e: {  	_ =	shalt  }
0x7f: {  	_ =	shalt  }
0x80: {  	_ =	shalt  }
0x81: {  	_ =	shalt  }
0x82: {  	_ =	shalt  }
0x83: {  	_ =	shalt  }
0x84: {  	_ =	shalt  }
0x85: {  	_ =	shalt  }
0x86: {  	_ =	shalt  }
0x87: {  	_ =	shalt  }
.Lfunc_end0:
.L_simem_size_0:
called_computation_lowered:
.L_overlay_start_0:
0x88: {  	s2 =	sld [smem:$0x3FD9]  }
0x89: {  	s3 =	sld [smem:$0x3FFE];
	_ =	sdelay $0x1  }
0x8a: {  	s1 =	srdreg.scid  }
0x8b: {  	s0 =	sand.u32 $0x1, s1  }
0x8c: {  	s18 =	sshll.u32 s0, $0xA;
	s2 =	sadd.s32 s3, s2  }
0x8d: {  	s2 =	sadd.s32 s2, s18  }
0x8e: {  	[smem:$0x3FC6] =	sst s2  }
0x8f: {  	_ = 	snop  }
0x90: {  	s2 =	sld [smem:$0x3FC9]  }
0x91: {  	s19 =	sld [smem:$0x3FC8]  }
0x92: {  	s4 =	sld [smem:$0x3FD0];
	(tm) =	ssettm $0x1  }
0x93: {  	s5 =	sld [smem:$0x3FFB];
	_ =	sdelay $0x3  }
0x94: {  	_ =	strace s5  }
0x95: {  	s5 =	sld [smem:$0x3FFC];
	_ =	sdelay $0x3  }
0x96: {  	_ =	strace s5  }
0x97: {  	s5 =	sld [smem:$0x3FFD];
	_ =	sdelay $0x3  }
0x98: {  	_ =	strace s5  }
0x99: {  	_ =	strace $0x8FFFFFFF  }
0x9a: {  	s20 =	sld [smem:$0x3FDB];
	_ =	sdelay $0x1  }
0x9b: {  	s6 =	simm.s32 $_scs_section_size  }
0x9c: {  	s7 =	simm.s32 $_size__tile_overlayer_lowered;
	s8 =	simm.s32 $_tile_overlayer_lowered  }
0x9d: {  	s23 =	simm.s32 $0x1BFF;
	s22 =	sshll.u32 s8, $0x1;
	s5 =	sadd.s32 s6, s20  }
0x9e: {  	s9 =	simm.s32 $0x0;
	s21 =	sshll.u32 s7, $0x1;
	s7 =	sadd.s32 s22, s5  }
0x9f: {  	[timem:s9], [sflag:s23] =	dma.local [hbm:s7], s21  }
0xa0: {  	_ =	swait.ge [sflag:s23], s21  }
0xa1: {  	s6 =	ssub.s32 $0x0, s21;
	[sflag:s23] =	ssyncset.done $0x0  }
0xa2: {  	[sflag:s23] =	ssyncadd.s32 s6;
	_ =	sdelay $0x1  }
0xa3: {  	s24 =	simm.s32 $0x1B8B  }
0xa4: {  	_ =	swait.ge [sflag:s24], $0x1  }
0xa5: {  	[sflag:s24] =	ssyncset.done $0x0  }
0xa6: {  	s25 =	simm.s32 $0x1B8E;
	[sflag:s24] =	ssyncadd.s32 $0xFFFFFFFF  }
0xa7: {  	s26 =	simm.s32 $execute0_lowered;
	[smem:$0x3FD2] =	sst s25  }
0xa8: {  	s6 =	sshll.u32 s26, $0x1;
	_ =	strace $0x80000046;
	[dreg:$0x1] =	wrdreg $0xFFFFFFFF  }
0xa9: {  	s28 =	simm.s32 $_size_execute0_lowered;
	s5 =	sadd.s32 s5, s6;
	[dreg:$0x0] =	wrdreg $0x0  }
0xaa: {  	s6 =	sshll.u32 s28, $0x1;
	[dreg:$0x2] =	wrdreg s5  }
0xab: {  	[dreg:$0x3] =	wrdreg s6  }
0xac: {  	[dreg:$0x4] =	wrdreg $0xC0  }
0xad: {  	_ =	task [dreg:s9], $0x5FFFF  }
0xae: {  	[dreg:$0x1] =	wrdreg $0xFFFFFFFF  }
0xaf: {  	[dreg:$0x0] =	wrdreg $0x60  }
0xb0: {  	[dreg:$0x2] =	wrdreg s2  }
0xb1: {  	[dreg:$0x3] =	wrdreg s19  }
0xb2: {  	[dreg:$0x4] =	wrdreg s4  }
0xb3: {  	[dreg:$0x5] =	wrdreg $0x9  }
0xb4: {  	_ =	task.clear_ibuf [dreg:s9], $0x6FFFF;
	_ =	strace $0x90000046  }
0xb5: {  	s29 =	simm.s32 $0x9;
	_ =	strace $0x80000048  }
0xb6: {  	_ =	swait.ge [sflag:s29], $0x1  }
0xb7: {  	[sflag:s29] =	ssyncadd.s32 $0xFFFFFFFF  }
0xb8: {  	_ =	strace $0x90000048  }
0xb9: {  	_ =	sfence  }
0xba: {  	s30 =	sld [smem:$0x0];
	_ =	sdelay $0x2  }
0xbb: {  	s31 =	sshll.u32 s1, $0xD;
	s1 =	sshrl.u32 s1, $0x2  }
0xbc: {  	s3 =	sand.u32 $0x4000, s31;
	s1 =	sadd.s32 s1, s30  }
0xbd: {  	s0 =	sor.u32 s3, s0;
	s1 =	sshll.u32 s1, $0x11  }
0xbe: {  	s0 =	sor.u32 s1, s0  }
0xbf: {  	s0 =	sadd.s32 $0x8F2B, s0  }
0xc0: {  	[sflag:s0] =	ssyncadd.remote.s32 $0x1  }
0xc1: {  	_ =	sfence.sel $0xFFFF  }
0xc2: {  	[dreg:$0x0] =	wrdreg $0xFFFFFFFF;
	(pc) =	sbr.abs _section_cstart, $3  }
0xc3: {  	[dreg:$0x1] =	wrdreg $0xFFFFFFFF  }
0xc4: {  	_ =	task.clear_ibuf [dreg:s9], $0x2FFFF;
	_ =	strace $0x9FFFFFFF  }
0xc5: {  	(tm) =	ssettm $0x7FFFFFFF  }
tec
execute0_lowered:
.L_overlay_start_1:
0x0: {  	(tag) =	ssettag $0x1  }
0x1: {  	s0 =	srdreg.scid  }
0x2: {  	s3 =	stileid.u32;
	s0 =	sand.u32 $0x1, s0  }
0x3: {  	s1 =	rddreg [dreg:$0x0];
	s5 =	sshll.u32 s3, $0x9;
	s6 =	sshll.u32 s0, $0x8  }
0x4: {  	s2 =	rddreg [dreg:$0x1];
	s5 =	sor.u32 s6, s5  }
0x5: {  	s4 =	rddreg [dreg:$0x2];
	s3 =	simm.s32 $0x0;
	s6 =	sshrl.u32 s5, $0x1  }
0x6: {  	[smem:$0x7FF] =	sst s3;
	s5 =	sshll.u32 s5, $0x7;
	s1 =	sadd.s32 s1, s6  }
0x7: {  	_ =	strace $0x80000047;
	s8 =	sadd.s32 s4, s5;
	[dreg:$0x4] =	wrdreg s1  }
0x8: {  	s25 =	sadd.s32 $0x1000, s8;
	[smem:$0x7FC] =	sst s8  }
0x9: {  	s26 =	sadd.s32 $0x2000, s8;
	[dreg:$0x5] =	wrdreg s25  }
0xa: {  	s28 =	sadd.s32 $0x3000, s8;
	[dreg:$0x6] =	wrdreg s26  }
0xb: {  	s29 =	sadd.s32 $0x4000, s8;
	[dreg:$0x7] =	wrdreg s28  }
0xc: {  	s30 =	sadd.s32 $0x5000, s8;
	[dreg:$0x8] =	wrdreg s29  }
0xd: {  	s31 =	sadd.s32 $0x6000, s8;
	[dreg:$0x9] =	wrdreg s30  }
0xe: {  	s4 =	sadd.s32 $0x7000, s8;
	[dreg:$0xa] =	wrdreg s31  }
0xf: {  	s5 =	sadd.s32 $0x100000, s8;
	[dreg:$0xb] =	wrdreg s4  }
0x10: {  	s6 =	sadd.s32 $0x101000, s8;
	[dreg:$0xc] =	wrdreg s5  }
0x11: {  	s7 =	sadd.s32 $0x102000, s8;
	[dreg:$0xd] =	wrdreg s6  }
0x12: {  	s9 =	sadd.s32 $0x103000, s8;
	[dreg:$0xe] =	wrdreg s7  }
0x13: {  	s10 =	sadd.s32 $0x104000, s8;
	[dreg:$0xf] =	wrdreg s9  }
0x14: {  	s11 =	sadd.s32 $0x105000, s8;
	[dreg:$0x10] =	wrdreg s10  }
0x15: {  	s12 =	sadd.s32 $0x106000, s8;
	[dreg:$0x11] =	wrdreg s11  }
0x16: {  	s13 =	sadd.s32 $0x107000, s8;
	[dreg:$0x12] =	wrdreg s12  }
0x17: {  	s14 =	sadd.s32 $0x200000, s8;
	[dreg:$0x13] =	wrdreg s13  }
0x18: {  	s15 =	sadd.s32 $0x201000, s8;
	[dreg:$0x14] =	wrdreg s14  }
0x19: {  	s16 =	sadd.s32 $0x202000, s8;
	[dreg:$0x15] =	wrdreg s15  }
0x1a: {  	s17 =	sadd.s32 $0x203000, s8;
	[dreg:$0x16] =	wrdreg s16  }
0x1b: {  	s18 =	sadd.s32 $0x204000, s8;
	[dreg:$0x17] =	wrdreg s17  }
0x1c: {  	s19 =	sadd.s32 $0x205000, s8;
	[dreg:$0x18] =	wrdreg s18  }
0x1d: {  	s20 =	sadd.s32 $0x206000, s8;
	[dreg:$0x19] =	wrdreg s19  }
0x1e: {  	s21 =	sadd.s32 $0x207000, s8;
	[dreg:$0x1a] =	wrdreg s20  }
0x1f: {  	s22 =	sadd.s32 $0x300000, s8;
	[dreg:$0x1b] =	wrdreg s21  }
0x20: {  	s23 =	sadd.s32 $0x301000, s8;
	[dreg:$0x1c] =	wrdreg s22  }
0x21: {  	s0 =	ssub.s32 $0x2, s0;
	s24 =	sadd.s32 $0x302000, s8;
	[dreg:$0x1d] =	wrdreg s23  }
0x22: {  	s25 =	sshrl.u32 s0, $0x1;
	[dreg:$0x1e] =	wrdreg s24  }
0x23: {  	s26 =	sadd.s32 $0x303000, s8;
	s28 =	sadd.s32 $0x304000, s8;
	s5 =	sadd.s32 $0x100, s2  }
0x24: {  	s29 =	sadd.s32 $0x305000, s8;
	s6 =	sadd.s32 $0x200, s2;
	s30 =	sadd.s32 $0x306000, s8  }
0x25: {  	s7 =	sadd.s32 $0x300, s2;
	s31 =	sadd.s32 $0x307000, s8;
	[dreg:$0x1f] =	wrdreg s26  }
0x26: {  	s19 =	simm.s32 $0x1;
	s20 =	simm.s32 $0x4;
	[smem:$0x7F9] =	sst s28  }
0x27: {  	v2 =	vlaneseq.u32;
	s21 =	simm.s32 $0x2;
	s22 =	simm.s32 $0x5;
	[smem:$0x7FA] =	sst s29  }
0x28: {  	vm0 =	vmmov $0xffff;
	v1 =	vshrl.u32 v2, $0x3;
	s23 =	simm.s32 $0x3;
	s0 =	ssub.s32 s0, s25;
	[smem:$0x7FB] =	sst s30  }
0x29: {  	v0 =	vand.u32 $0x7, v2;
	v2 =	vor.u32 $0x8, v2;
	v1 =	vmul.u32 $0x8, v1;
	s24 =	simm.s32 $0x6;
	[smem:$0x7FD] =	sst s31;
	s0 =	smax.u32 s0, $0x1  }
.LBB2_1:
0x2a: {  	[smem:$0x7F8] =	sst s0  }
0x2b: {  	s25 =	rddreg [dreg:$0x4];
	s30 =	simm.s32 $0x7  }
0x2c: {  	[tilespmem:s3], [sflag:$0x7] =	stream.linear.gather [hbm4b:s25+s3], $0x400, $0x38;
	[tilespmem:$0x18400] =	vst v63  }
0x2d: {  	_ =	swait.ge [sflag:s30], $0x400  }
0x2e: {  	[sflag:s30] =	ssyncset.done $0x0  }
0x2f: {  	[sflag:s30] =	ssyncadd.s32 $0xFFFFFC00  }
0x30: {  	v3 =	vld [tilespmem:$0x0];
	_ =	sdelay $0x4  }
0x31: {  	v4 =	vshll.u32 v3, $0x3  }
0x32: {  	v3 =	vand.u32 $0x7, v3;
	v4 =	vand.u32 $0xFFFFFFC0, v4  }
0x33: {  	v3 =	vor.u32 v3, v4  }
0x34: {  	v4 =	vperm.xlane v3, v0;
	_ =	sdelay $0x1  }
0x35: {  	v4 =	vadd.s32 v1, v4;
	_ =	sdelay $0x3  }
0x36: {  	s31 =	simm.s32 $0x400  }
0x37: {  	[tilespmem:s31], [sflag:$0x1] =	stream.indirect_vreg.gather [hbm4b:s2+s3], $0x80, v4, vm0, $0xb8;
	[tilespmem:$0x18400] =	vst v63  }
0x38: {  	s1 =	simm.s32 $0xC00;
	v3 =	vperm.xlane v3, v2  }
0x39: {  	[tilespmem:s1], [sflag:$0x1] =	stream.indirect_vreg.gather [hbm4b:s5+s3], $0x80, v4, vm0, $0xb8;
	[tilespmem:$0x18400] =	vst v63  }
0x3a: {  	s4 =	simm.s32 $0x1400;
	v3 =	vadd.s32 v1, v3  }
0x3b: {  	[tilespmem:s4], [sflag:$0x1] =	stream.indirect_vreg.gather [hbm4b:s6+s3], $0x80, v4, vm0, $0xb8;
	[tilespmem:$0x18400] =	vst v63  }
0x3c: {  	s8 =	simm.s32 $0x1C00  }
0x3d: {  	[tilespmem:s8], [sflag:$0x1] =	stream.indirect_vreg.gather [hbm4b:s7+s3], $0x80, v4, vm0, $0xb8;
	[tilespmem:$0x18400] =	vst v63  }
0x3e: {  	s9 =	simm.s32 $0x2400  }
0x3f: {  	[tilespmem:s9], [sflag:$0x1] =	stream.indirect_vreg.gather [hbm4b:s2+s3], $0x80, v3, vm0, $0xb8;
	[tilespmem:$0x18400] =	vst v63  }
0x40: {  	s10 =	simm.s32 $0x2C00  }
0x41: {  	[tilespmem:s10], [sflag:$0x1] =	stream.indirect_vreg.gather [hbm4b:s5+s3], $0x80, v3, vm0, $0xb8;
	[tilespmem:$0x18400] =	vst v63  }
0x42: {  	s11 =	simm.s32 $0x3400  }
0x43: {  	[tilespmem:s11], [sflag:$0x1] =	stream.indirect_vreg.gather [hbm4b:s6+s3], $0x80, v3, vm0, $0xb8;
	[tilespmem:$0x18400] =	vst v63  }
0x44: {  	s12 =	simm.s32 $0x3C00  }
0x45: {  	[tilespmem:s12], [sflag:$0x1] =	stream.indirect_vreg.gather [hbm4b:s7+s3], $0x80, v3, vm0, $0xb8;
	[tilespmem:$0x18400] =	vst v63  }
0x46: {  	v3 =	vld [tilespmem:$0x10];
	_ =	sdelay $0x4  }
0x47: {  	v57 =	vshll.u32 v3, $0x3  }
0x48: {  	v3 =	vand.u32 $0x7, v3;
	v4 =	vand.u32 $0xFFFFFFC0, v57  }
0x49: {  	v3 =	vor.u32 v3, v4  }
0x4a: {  	v4 =	vperm.xlane v3, v0;
	_ =	sdelay $0x1  }
0x4b: {  	v4 =	vadd.s32 v1, v4;
	_ =	sdelay $0x3  }
0x4c: {  	s13 =	simm.s32 $0x4400  }
0x4d: {  	[tilespmem:s13], [sflag:$0x1] =	stream.indirect_vreg.gather [hbm4b:s2+s3], $0x80, v4, vm0, $0xb8;
	[tilespmem:$0x18400] =	vst v63  }
0x4e: {  	s14 =	simm.s32 $0x4C00;
	v3 =	vperm.xlane v3, v2  }
0x4f: {  	[tilespmem:s14], [sflag:$0x1] =	stream.indirect_vreg.gather [hbm4b:s5+s3], $0x80, v4, vm0, $0xb8;
	[tilespmem:$0x18400] =	vst v63  }
0x50: {  	s15 =	simm.s32 $0x5400;
	v3 =	vadd.s32 v1, v3  }
0x51: {  	[tilespmem:s15], [sflag:$0x1] =	stream.indirect_vreg.gather [hbm4b:s6+s3], $0x80, v4, vm0, $0xb8;
	[tilespmem:$0x18400] =	vst v63  }
0x52: {  	s16 =	simm.s32 $0x5C00  }
0x53: {  	[tilespmem:s16], [sflag:$0x1] =	stream.indirect_vreg.gather [hbm4b:s7+s3], $0x80, v4, vm0, $0xb8;
	[tilespmem:$0x18400] =	vst v63  }
0x54: {  	s17 =	simm.s32 $0x6400  }
0x55: {  	[tilespmem:s17], [sflag:$0x1] =	stream.indirect_vreg.gather [hbm4b:s2+s3], $0x80, v3, vm0, $0xb8;
	[tilespmem:$0x18400] =	vst v63  }
0x56: {  	s18 =	simm.s32 $0x6C00  }
0x57: {  	[tilespmem:s18], [sflag:$0x1] =	stream.indirect_vreg.gather [hbm4b:s5+s3], $0x80, v3, vm0, $0xb8;
	[tilespmem:$0x18400] =	vst v63  }
0x58: {  	s25 =	simm.s32 $0x7400  }
0x59: {  	[tilespmem:s25], [sflag:$0x1] =	stream.indirect_vreg.gather [hbm4b:s6+s3], $0x80, v3, vm0, $0xb8;
	[tilespmem:$0x18400] =	vst v63  }
0x5a: {  	s26 =	simm.s32 $0x7C00  }
0x5b: {  	[tilespmem:s26], [sflag:$0x1] =	stream.indirect_vreg.gather [hbm4b:s7+s3], $0x80, v3, vm0, $0xb8;
	[tilespmem:$0x18400] =	vst v63  }
0x5c: {  	v3 =	vld [tilespmem:$0x20];
	_ =	sdelay $0x4  }
0x5d: {  	v58 =	vshll.u32 v3, $0x3  }
0x5e: {  	v3 =	vand.u32 $0x7, v3;
	v4 =	vand.u32 $0xFFFFFFC0, v58  }
0x5f: {  	v3 =	vor.u32 v3, v4  }
0x60: {  	v4 =	vperm.xlane v3, v0;
	_ =	sdelay $0x1  }
0x61: {  	v4 =	vadd.s32 v1, v4;
	_ =	sdelay $0x3  }
0x62: {  	s28 =	simm.s32 $0x8400  }
0x63: {  	[tilespmem:s28], [sflag:$0x2] =	stream.indirect_vreg.gather [hbm4b:s2+s3], $0x80, v4, vm0, $0xb8;
	[tilespmem:$0x18400] =	vst v63  }
0x64: {  	s29 =	simm.s32 $0x8C00;
	v3 =	vperm.xlane v3, v2  }
0x65: {  	[tilespmem:s29], [sflag:$0x2] =	stream.indirect_vreg.gather [hbm4b:s5+s3], $0x80, v4, vm0, $0xb8;
	[tilespmem:$0x18400] =	vst v63  }
0x66: {  	s30 =	simm.s32 $0x9400;
	v3 =	vadd.s32 v1, v3  }
0x67: {  	[tilespmem:s30], [sflag:$0x2] =	stream.indirect_vreg.gather [hbm4b:s6+s3], $0x80, v4, vm0, $0xb8;
	[tilespmem:$0x18400] =	vst v63  }
0x68: {  	s4 =	simm.s32 $0x9C00  }
0x69: {  	[tilespmem:s4], [sflag:$0x2] =	stream.indirect_vreg.gather [hbm4b:s7+s3], $0x80, v4, vm0, $0xb8;
	[tilespmem:$0x18400] =	vst v63  }
0x6a: {  	s8 =	simm.s32 $0xA400  }
0x6b: {  	[tilespmem:s8], [sflag:$0x2] =	stream.indirect_vreg.gather [hbm4b:s2+s3], $0x80, v3, vm0, $0xb8;
	[tilespmem:$0x18400] =	vst v63  }
0x6c: {  	s13 =	simm.s32 $0xAC00  }
0x6d: {  	[tilespmem:s13], [sflag:$0x2] =	stream.indirect_vreg.gather [hbm4b:s5+s3], $0x80, v3, vm0, $0xb8;
	[tilespmem:$0x18400] =	vst v63  }
0x6e: {  	s14 =	simm.s32 $0xB400  }
0x6f: {  	[tilespmem:s14], [sflag:$0x2] =	stream.indirect_vreg.gather [hbm4b:s6+s3], $0x80, v3, vm0, $0xb8;
	[tilespmem:$0x18400] =	vst v63  }
0x70: {  	s16 =	simm.s32 $0xBC00  }
0x71: {  	[tilespmem:s16], [sflag:$0x2] =	stream.indirect_vreg.gather [hbm4b:s7+s3], $0x80, v3, vm0, $0xb8;
	[tilespmem:$0x18400] =	vst v63  }
0x72: {  	v3 =	vld [tilespmem:$0x30];
	_ =	sdelay $0x4  }
0x73: {  	v59 =	vshll.u32 v3, $0x3  }
0x74: {  	v3 =	vand.u32 $0x7, v3;
	v4 =	vand.u32 $0xFFFFFFC0, v59  }
0x75: {  	v3 =	vor.u32 v3, v4  }
0x76: {  	v4 =	vperm.xlane v3, v0;
	_ =	sdelay $0x1  }
0x77: {  	v4 =	vadd.s32 v1, v4;
	_ =	sdelay $0x3  }
0x78: {  	s17 =	simm.s32 $0xC400  }
0x79: {  	[tilespmem:s17], [sflag:$0x2] =	stream.indirect_vreg.gather [hbm4b:s2+s3], $0x80, v4, vm0, $0xb8;
	[tilespmem:$0x18400] =	vst v63  }
0x7a: {  	s18 =	simm.s32 $0xCC00;
	v3 =	vperm.xlane v3, v2  }
0x7b: {  	[tilespmem:s18], [sflag:$0x2] =	stream.indirect_vreg.gather [hbm4b:s5+s3], $0x80, v4, vm0, $0xb8;
	[tilespmem:$0x18400] =	vst v63  }
0x7c: {  	s25 =	simm.s32 $0xD400;
	v3 =	vadd.s32 v1, v3  }
0x7d: {  	[tilespmem:s25], [sflag:$0x2] =	stream.indirect_vreg.gather [hbm4b:s6+s3], $0x80, v4, vm0, $0xb8;
	[tilespmem:$0x18400] =	vst v63  }
0x7e: {  	s26 =	simm.s32 $0xDC00  }
0x7f: {  	[tilespmem:s26], [sflag:$0x2] =	stream.indirect_vreg.gather [hbm4b:s7+s3], $0x80, v4, vm0, $0xb8;
	[tilespmem:$0x18400] =	vst v63  }
0x80: {  	s29 =	simm.s32 $0xE400  }
0x81: {  	[tilespmem:s29], [sflag:$0x2] =	stream.indirect_vreg.gather [hbm4b:s2+s3], $0x80, v3, vm0, $0xb8;
	[tilespmem:$0x18400] =	vst v63  }
0x82: {  	s30 =	simm.s32 $0xEC00  }
0x83: {  	[tilespmem:s30], [sflag:$0x2] =	stream.indirect_vreg.gather [hbm4b:s5+s3], $0x80, v3, vm0, $0xb8;
	[tilespmem:$0x18400] =	vst v63  }
0x84: {  	s4 =	simm.s32 $0xF400  }
0x85: {  	[tilespmem:s4], [sflag:$0x2] =	stream.indirect_vreg.gather [hbm4b:s6+s3], $0x80, v3, vm0, $0xb8;
	[tilespmem:$0x18400] =	vst v63  }
0x86: {  	s8 =	simm.s32 $0xFC00  }
0x87: {  	[tilespmem:s8], [sflag:$0x2] =	stream.indirect_vreg.gather [hbm4b:s7+s3], $0x80, v3, vm0, $0xb8;
	[tilespmem:$0x18400] =	vst v63  }
0x88: {  	v3 =	vld [tilespmem:$0x40];
	_ =	sdelay $0x4  }
0x89: {  	v60 =	vshll.u32 v3, $0x3  }
0x8a: {  	v3 =	vand.u32 $0x7, v3;
	v4 =	vand.u32 $0xFFFFFFC0, v60  }
0x8b: {  	v3 =	vor.u32 v3, v4  }
0x8c: {  	v4 =	vperm.xlane v3, v0;
	_ =	sdelay $0x1  }
0x8d: {  	v4 =	vadd.s32 v1, v4;
	_ =	sdelay $0x3  }
0x8e: {  	s13 =	simm.s32 $0x10400  }
0x8f: {  	[tilespmem:s13], [sflag:$0x3] =	stream.indirect_vreg.gather [hbm4b:s2+s3], $0x80, v4, vm0, $0xb8;
	[tilespmem:$0x18400] =	vst v63  }
0x90: {  	s14 =	simm.s32 $0x10C00;
	v3 =	vperm.xlane v3, v2  }
0x91: {  	[tilespmem:s14], [sflag:$0x3] =	stream.indirect_vreg.gather [hbm4b:s5+s3], $0x80, v4, vm0, $0xb8;
	[tilespmem:$0x18400] =	vst v63  }
0x92: {  	s18 =	simm.s32 $0x11400;
	v3 =	vadd.s32 v1, v3  }
0x93: {  	[tilespmem:s18], [sflag:$0x3] =	stream.indirect_vreg.gather [hbm4b:s6+s3], $0x80, v4, vm0, $0xb8;
	[tilespmem:$0x18400] =	vst v63  }
0x94: {  	s25 =	simm.s32 $0x11C00  }
0x95: {  	[tilespmem:s25], [sflag:$0x3] =	stream.indirect_vreg.gather [hbm4b:s7+s3], $0x80, v4, vm0, $0xb8;
	[tilespmem:$0x18400] =	vst v63  }
0x96: {  	s26 =	simm.s32 $0x12400  }
0x97: {  	[tilespmem:s26], [sflag:$0x3] =	stream.indirect_vreg.gather [hbm4b:s2+s3], $0x80, v3, vm0, $0xb8;
	[tilespmem:$0x18400] =	vst v63  }
0x98: {  	s4 =	simm.s32 $0x12C00  }
0x99: {  	[tilespmem:s4], [sflag:$0x3] =	stream.indirect_vreg.gather [hbm4b:s5+s3], $0x80, v3, vm0, $0xb8;
	[tilespmem:$0x18400] =	vst v63  }
0x9a: {  	s8 =	simm.s32 $0x13400  }
0x9b: {  	[tilespmem:s8], [sflag:$0x3] =	stream.indirect_vreg.gather [hbm4b:s6+s3], $0x80, v3, vm0, $0xb8;
	[tilespmem:$0x18400] =	vst v63  }
0x9c: {  	s13 =	simm.s32 $0x13C00  }
0x9d: {  	[tilespmem:s13], [sflag:$0x3] =	stream.indirect_vreg.gather [hbm4b:s7+s3], $0x80, v3, vm0, $0xb8;
	[tilespmem:$0x18400] =	vst v63  }
0x9e: {  	v3 =	vld [tilespmem:$0x50];
	_ =	sdelay $0x4  }
0x9f: {  	v61 =	vshll.u32 v3, $0x3  }
0xa0: {  	v3 =	vand.u32 $0x7, v3;
	v4 =	vand.u32 $0xFFFFFFC0, v61  }
0xa1: {  	v3 =	vor.u32 v3, v4  }
0xa2: {  	v4 =	vperm.xlane v3, v0;
	_ =	sdelay $0x1  }
0xa3: {  	v4 =	vadd.s32 v1, v4;
	_ =	sdelay $0x3  }
0xa4: {  	s14 =	simm.s32 $0x14400  }
0xa5: {  	[tilespmem:s14], [sflag:$0x3] =	stream.indirect_vreg.gather [hbm4b:s2+s3], $0x80, v4, vm0, $0xb8;
	[tilespmem:$0x18400] =	vst v63  }
0xa6: {  	s18 =	simm.s32 $0x14C00;
	v3 =	vperm.xlane v3, v2  }
0xa7: {  	[tilespmem:s18], [sflag:$0x3] =	stream.indirect_vreg.gather [hbm4b:s5+s3], $0x80, v4, vm0, $0xb8;
	[tilespmem:$0x18400] =	vst v63  }
0xa8: {  	s25 =	simm.s32 $0x15400;
	v3 =	vadd.s32 v1, v3  }
0xa9: {  	[tilespmem:s25], [sflag:$0x3] =	stream.indirect_vreg.gather [hbm4b:s6+s3], $0x80, v4, vm0, $0xb8;
	[tilespmem:$0x18400] =	vst v63  }
0xaa: {  	s26 =	simm.s32 $0x15C00  }
0xab: {  	[tilespmem:s26], [sflag:$0x3] =	stream.indirect_vreg.gather [hbm4b:s7+s3], $0x80, v4, vm0, $0xb8;
	[tilespmem:$0x18400] =	vst v63  }
0xac: {  	s4 =	simm.s32 $0x16400  }
0xad: {  	[tilespmem:s4], [sflag:$0x3] =	stream.indirect_vreg.gather [hbm4b:s2+s3], $0x80, v3, vm0, $0xb8;
	[tilespmem:$0x18400] =	vst v63  }
0xae: {  	s8 =	simm.s32 $0x16C00  }
0xaf: {  	[tilespmem:s8], [sflag:$0x3] =	stream.indirect_vreg.gather [hbm4b:s5+s3], $0x80, v3, vm0, $0xb8;
	[tilespmem:$0x18400] =	vst v63  }
0xb0: {  	s13 =	simm.s32 $0x17400  }
0xb1: {  	[tilespmem:s13], [sflag:$0x3] =	stream.indirect_vreg.gather [hbm4b:s6+s3], $0x80, v3, vm0, $0xb8;
	[tilespmem:$0x18400] =	vst v63  }
0xb2: {  	s14 =	simm.s32 $0x17C00  }
0xb3: {  	[tilespmem:s14], [sflag:$0x3] =	stream.indirect_vreg.gather [hbm4b:s7+s3], $0x80, v3, vm0, $0xb8;
	[tilespmem:$0x18400] =	vst v63  }
0xb4: {  	_ =	swait.ge [sflag:s19], $0x8000  }
0xb5: {  	s18 =	sld [smem:$0x7FC]  }
0xb6: {  	[sflag:s19] =	ssyncset.done $0x0  }
0xb7: {  	s26 =	simm.s32 $0x400;
	[sflag:s19] =	ssyncadd.s32 $0xFFFF8000  }
0xb8: {  	[hbm4b:s18+s3] =	stream.linear.scatter [tilespmem:s26], [sflag:$0x4], $0x8000, $0x38;
	[tilespmem:$0x18400] =	vst v63  }
0xb9: {  	_ =	swait.ge [sflag:s20], $0x8000  }
0xba: {  	[sflag:s20] =	ssyncset.done $0x0  }
0xbb: {  	[sflag:s20] =	ssyncadd.s32 $0xFFFF8000  }
0xbc: {  	v3 =	vld [tilespmem:$0x60];
	_ =	sdelay $0x4  }
0xbd: {  	v62 =	vshll.u32 v3, $0x3  }
0xbe: {  	v3 =	vand.u32 $0x7, v3;
	v4 =	vand.u32 $0xFFFFFFC0, v62  }
0xbf: {  	v3 =	vor.u32 v3, v4  }
0xc0: {  	v4 =	vperm.xlane v3, v0;
	_ =	sdelay $0x1  }
0xc1: {  	v4 =	vadd.s32 v1, v4;
	_ =	sdelay $0x4  }
0xc2: {  	[tilespmem:s26], [sflag:$0x1] =	stream.indirect_vreg.gather [hbm4b:s2+s3], $0x80, v4, vm0, $0xb8;
	[tilespmem:$0x18400] =	vst v63  }
0xc3: {  	s1 =	simm.s32 $0xC00;
	v3 =	vperm.xlane v3, v2  }
0xc4: {  	[tilespmem:s1], [sflag:$0x1] =	stream.indirect_vreg.gather [hbm4b:s5+s3], $0x80, v4, vm0, $0xb8;
	[tilespmem:$0x18400] =	vst v63  }
0xc5: {  	s31 =	simm.s32 $0x1400;
	v3 =	vadd.s32 v1, v3  }
0xc6: {  	[tilespmem:s31], [sflag:$0x1] =	stream.indirect_vreg.gather [hbm4b:s6+s3], $0x80, v4, vm0, $0xb8;
	[tilespmem:$0x18400] =	vst v63  }
0xc7: {  	s31 =	simm.s32 $0x1C00  }
0xc8: {  	[tilespmem:s31], [sflag:$0x1] =	stream.indirect_vreg.gather [hbm4b:s7+s3], $0x80, v4, vm0, $0xb8;
	[tilespmem:$0x18400] =	vst v63  }
0xc9: {  	s1 =	simm.s32 $0x2400  }
0xca: {  	[tilespmem:s1], [sflag:$0x1] =	stream.indirect_vreg.gather [hbm4b:s2+s3], $0x80, v3, vm0, $0xb8;
	[tilespmem:$0x18400] =	vst v63  }
0xcb: {  	s4 =	simm.s32 $0x2C00  }
0xcc: {  	[tilespmem:s4], [sflag:$0x1] =	stream.indirect_vreg.gather [hbm4b:s5+s3], $0x80, v3, vm0, $0xb8;
	[tilespmem:$0x18400] =	vst v63  }
0xcd: {  	s8 =	simm.s32 $0x3400  }
0xce: {  	[tilespmem:s8], [sflag:$0x1] =	stream.indirect_vreg.gather [hbm4b:s6+s3], $0x80, v3, vm0, $0xb8;
	[tilespmem:$0x18400] =	vst v63  }
0xcf: {  	s9 =	simm.s32 $0x3C00  }
0xd0: {  	[tilespmem:s9], [sflag:$0x1] =	stream.indirect_vreg.gather [hbm4b:s7+s3], $0x80, v3, vm0, $0xb8;
	[tilespmem:$0x18400] =	vst v63  }
0xd1: {  	v3 =	vld [tilespmem:$0x70];
	_ =	sdelay $0x4  }
0xd2: {  	v63 =	vshll.u32 v3, $0x3  }
0xd3: {  	v3 =	vand.u32 $0x7, v3;
	v4 =	vand.u32 $0xFFFFFFC0, v63  }
0xd4: {  	v3 =	vor.u32 v3, v4  }
0xd5: {  	v4 =	vperm.xlane v3, v0;
	_ =	sdelay $0x1  }
0xd6: {  	v4 =	vadd.s32 v1, v4;
	_ =	sdelay $0x3  }
0xd7: {  	s11 =	simm.s32 $0x4400  }
0xd8: {  	[tilespmem:s11], [sflag:$0x1] =	stream.indirect_vreg.gather [hbm4b:s2+s3], $0x80, v4, vm0, $0xb8;
	[tilespmem:$0x18400] =	vst v63  }
0xd9: {  	s12 =	simm.s32 $0x4C00;
	v3 =	vperm.xlane v3, v2  }
0xda: {  	[tilespmem:s12], [sflag:$0x1] =	stream.indirect_vreg.gather [hbm4b:s5+s3], $0x80, v4, vm0, $0xb8;
	[tilespmem:$0x18400] =	vst v63  }
0xdb: {  	s9 =	simm.s32 $0x5400;
	v3 =	vadd.s32 v1, v3  }
0xdc: {  	[tilespmem:s9], [sflag:$0x1] =	stream.indirect_vreg.gather [hbm4b:s6+s3], $0x80, v4, vm0, $0xb8;
	[tilespmem:$0x18400] =	vst v63  }
0xdd: {  	s18 =	simm.s32 $0x5C00  }
0xde: {  	[tilespmem:s18], [sflag:$0x1] =	stream.indirect_vreg.gather [hbm4b:s7+s3], $0x80, v4, vm0, $0xb8;
	[tilespmem:$0x18400] =	vst v63  }
0xdf: {  	s11 =	simm.s32 $0x6400  }
0xe0: {  	[tilespmem:s11], [sflag:$0x1] =	stream.indirect_vreg.gather [hbm4b:s2+s3], $0x80, v3, vm0, $0xb8;
	[tilespmem:$0x18400] =	vst v63  }
0xe1: {  	s12 =	simm.s32 $0x6C00  }
0xe2: {  	[tilespmem:s12], [sflag:$0x1] =	stream.indirect_vreg.gather [hbm4b:s5+s3], $0x80, v3, vm0, $0xb8;
	[tilespmem:$0x18400] =	vst v63  }
0xe3: {  	s13 =	simm.s32 $0x7400  }
0xe4: {  	[tilespmem:s13], [sflag:$0x1] =	stream.indirect_vreg.gather [hbm4b:s6+s3], $0x80, v3, vm0, $0xb8;
	[tilespmem:$0x18400] =	vst v63  }
0xe5: {  	s14 =	simm.s32 $0x7C00  }
0xe6: {  	[tilespmem:s14], [sflag:$0x1] =	stream.indirect_vreg.gather [hbm4b:s7+s3], $0x80, v3, vm0, $0xb8;
	[tilespmem:$0x18400] =	vst v63  }
0xe7: {  	_ =	swait.ge [sflag:s21], $0x8000  }
0xe8: {  	[sflag:s21] =	ssyncset.done $0x0  }
0xe9: {  	s10 =	simm.s32 $0x8400;
	s0 =	rddreg [dreg:$0x5];
	[sflag:s21] =	ssyncadd.s32 $0xFFFF8000  }
0xea: {  	[hbm4b:s0+s3] =	stream.linear.scatter [tilespmem:s10], [sflag:$0x5], $0x8000, $0x38;
	[tilespmem:$0x18400] =	vst v63  }
0xeb: {  	_ =	swait.ge [sflag:s22], $0x8000  }
0xec: {  	[sflag:s22] =	ssyncset.done $0x0  }
0xed: {  	[sflag:s22] =	ssyncadd.s32 $0xFFFF8000  }
0xee: {  	v3 =	vld [tilespmem:$0x200];
	_ =	sdelay $0x4  }
0xef: {  	v8 =	vshll.u32 v3, $0x3  }
0xf0: {  	v3 =	vand.u32 $0x7, v3;
	v4 =	vand.u32 $0xFFFFFFC0, v8  }
0xf1: {  	v3 =	vor.u32 v3, v4  }
0xf2: {  	v4 =	vperm.xlane v3, v0;
	_ =	sdelay $0x1  }
0xf3: {  	v4 =	vadd.s32 v1, v4;
	_ =	sdelay $0x4  }
0xf4: {  	[tilespmem:s10], [sflag:$0x2] =	stream.indirect_vreg.gather [hbm4b:s2+s3], $0x80, v4, vm0, $0xb8;
	[tilespmem:$0x18400] =	vst v63  }
0xf5: {  	s15 =	simm.s32 $0x8C00;
	v3 =	vperm.xlane v3, v2  }
0xf6: {  	[tilespmem:s15], [sflag:$0x2] =	stream.indirect_vreg.gather [hbm4b:s5+s3], $0x80, v4, vm0, $0xb8;
	[tilespmem:$0x18400] =	vst v63  }
0xf7: {  	s26 =	simm.s32 $0x9400;
	v3 =	vadd.s32 v1, v3  }
0xf8: {  	[tilespmem:s26], [sflag:$0x2] =	stream.indirect_vreg.gather [hbm4b:s6+s3], $0x80, v4, vm0, $0xb8;
	[tilespmem:$0x18400] =	vst v63  }
0xf9: {  	s15 =	simm.s32 $0x9C00  }
0xfa: {  	[tilespmem:s15], [sflag:$0x2] =	stream.indirect_vreg.gather [hbm4b:s7+s3], $0x80, v4, vm0, $0xb8;
	[tilespmem:$0x18400] =	vst v63  }
0xfb: {  	s25 =	simm.s32 $0xA400  }
0xfc: {  	[tilespmem:s25], [sflag:$0x2] =	stream.indirect_vreg.gather [hbm4b:s2+s3], $0x80, v3, vm0, $0xb8;
	[tilespmem:$0x18400] =	vst v63  }
0xfd: {  	s10 =	simm.s32 $0xAC00  }
0xfe: {  	[tilespmem:s10], [sflag:$0x2] =	stream.indirect_vreg.gather [hbm4b:s5+s3], $0x80, v3, vm0, $0xb8;
	[tilespmem:$0x18400] =	vst v63  }
0xff: {  	s15 =	simm.s32 $0xB400  }
0x100: {  	[tilespmem:s15], [sflag:$0x2] =	stream.indirect_vreg.gather [hbm4b:s6+s3], $0x80, v3, vm0, $0xb8;
	[tilespmem:$0x18400] =	vst v63  }
0x101: {  	s16 =	simm.s32 $0xBC00  }
0x102: {  	[tilespmem:s16], [sflag:$0x2] =	stream.indirect_vreg.gather [hbm4b:s7+s3], $0x80, v3, vm0, $0xb8;
	[tilespmem:$0x18400] =	vst v63  }
0x103: {  	v3 =	vld [tilespmem:$0x210];
	_ =	sdelay $0x4  }
0x104: {  	v9 =	vshll.u32 v3, $0x3  }
0x105: {  	v3 =	vand.u32 $0x7, v3;
	v4 =	vand.u32 $0xFFFFFFC0, v9  }
0x106: {  	v3 =	vor.u32 v3, v4  }
0x107: {  	v4 =	vperm.xlane v3, v0;
	_ =	sdelay $0x1  }
0x108: {  	v4 =	vadd.s32 v1, v4;
	_ =	sdelay $0x3  }
0x109: {  	s17 =	simm.s32 $0xC400  }
0x10a: {  	[tilespmem:s17], [sflag:$0x2] =	stream.indirect_vreg.gather [hbm4b:s2+s3], $0x80, v4, vm0, $0xb8;
	[tilespmem:$0x18400] =	vst v63  }
0x10b: {  	s28 =	simm.s32 $0xCC00;
	v3 =	vperm.xlane v3, v2  }
0x10c: {  	[tilespmem:s28], [sflag:$0x2] =	stream.indirect_vreg.gather [hbm4b:s5+s3], $0x80, v4, vm0, $0xb8;
	[tilespmem:$0x18400] =	vst v63  }
0x10d: {  	v3 =	vadd.s32 v1, v3;
	s17 =	simm.s32 $0xD400  }
0x10e: {  	[tilespmem:s17], [sflag:$0x2] =	stream.indirect_vreg.gather [hbm4b:s6+s3], $0x80, v4, vm0, $0xb8;
	[tilespmem:$0x18400] =	vst v63  }
0x10f: {  	s25 =	simm.s32 $0xDC00  }
0x110: {  	[tilespmem:s25], [sflag:$0x2] =	stream.indirect_vreg.gather [hbm4b:s7+s3], $0x80, v4, vm0, $0xb8;
	[tilespmem:$0x18400] =	vst v63  }
0x111: {  	s28 =	simm.s32 $0xE400  }
0x112: {  	[tilespmem:s28], [sflag:$0x2] =	stream.indirect_vreg.gather [hbm4b:s2+s3], $0x80, v3, vm0, $0xb8;
	[tilespmem:$0x18400] =	vst v63  }
0x113: {  	s10 =	simm.s32 $0xEC00  }
0x114: {  	[tilespmem:s10], [sflag:$0x2] =	stream.indirect_vreg.gather [hbm4b:s5+s3], $0x80, v3, vm0, $0xb8;
	[tilespmem:$0x18400] =	vst v63  }
0x115: {  	s15 =	simm.s32 $0xF400  }
0x116: {  	[tilespmem:s15], [sflag:$0x2] =	stream.indirect_vreg.gather [hbm4b:s6+s3], $0x80, v3, vm0, $0xb8;
	[tilespmem:$0x18400] =	vst v63  }
0x117: {  	s29 =	simm.s32 $0xFC00  }
0x118: {  	[tilespmem:s29], [sflag:$0x2] =	stream.indirect_vreg.gather [hbm4b:s7+s3], $0x80, v3, vm0, $0xb8;
	[tilespmem:$0x18400] =	vst v63  }
0x119: {  	_ =	swait.ge [sflag:s23], $0x8000  }
0x11a: {  	[sflag:s23] =	ssyncset.done $0x0  }
0x11b: {  	s17 =	simm.s32 $0x10400;
	s16 =	rddreg [dreg:$0x6];
	[sflag:s23] =	ssyncadd.s32 $0xFFFF8000  }
0x11c: {  	[hbm4b:s16+s3] =	stream.linear.scatter [tilespmem:s17], [sflag:$0x6], $0x8000, $0x38;
	[tilespmem:$0x18400] =	vst v63  }
0x11d: {  	_ =	swait.ge [sflag:s24], $0x8000  }
0x11e: {  	[sflag:s24] =	ssyncset.done $0x0  }
0x11f: {  	[sflag:s24] =	ssyncadd.s32 $0xFFFF8000  }
0x120: {  	v3 =	vld [tilespmem:$0x220];
	_ =	sdelay $0x4  }
0x121: {  	v10 =	vshll.u32 v3, $0x3  }
0x122: {  	v3 =	vand.u32 $0x7, v3;
	v4 =	vand.u32 $0xFFFFFFC0, v10  }
0x123: {  	v3 =	vor.u32 v3, v4  }
0x124: {  	v4 =	vperm.xlane v3, v0;
	_ =	sdelay $0x1  }
0x125: {  	v4 =	vadd.s32 v1, v4;
	_ =	sdelay $0x4  }
0x126: {  	[tilespmem:s17], [sflag:$0x3] =	stream.indirect_vreg.gather [hbm4b:s2+s3], $0x80, v4, vm0, $0xb8;
	[tilespmem:$0x18400] =	vst v63  }
0x127: {  	s30 =	simm.s32 $0x10C00;
	v3 =	vperm.xlane v3, v2  }
0x128: {  	[tilespmem:s30], [sflag:$0x3] =	stream.indirect_vreg.gather [hbm4b:s5+s3], $0x80, v4, vm0, $0xb8;
	[tilespmem:$0x18400] =	vst v63  }
0x129: {  	s15 =	simm.s32 $0x11400;
	v3 =	vadd.s32 v1, v3  }
0x12a: {  	[tilespmem:s15], [sflag:$0x3] =	stream.indirect_vreg.gather [hbm4b:s6+s3], $0x80, v4, vm0, $0xb8;
	[tilespmem:$0x18400] =	vst v63  }
0x12b: {  	s16 =	simm.s32 $0x11C00  }
0x12c: {  	[tilespmem:s16], [sflag:$0x3] =	stream.indirect_vreg.gather [hbm4b:s7+s3], $0x80, v4, vm0, $0xb8;
	[tilespmem:$0x18400] =	vst v63  }
0x12d: {  	s17 =	simm.s32 $0x12400  }
0x12e: {  	[tilespmem:s17], [sflag:$0x3] =	stream.indirect_vreg.gather [hbm4b:s2+s3], $0x80, v3, vm0, $0xb8;
	[tilespmem:$0x18400] =	vst v63  }
0x12f: {  	s28 =	simm.s32 $0x12C00  }
0x130: {  	[tilespmem:s28], [sflag:$0x3] =	stream.indirect_vreg.gather [hbm4b:s5+s3], $0x80, v3, vm0, $0xb8;
	[tilespmem:$0x18400] =	vst v63  }
0x131: {  	s29 =	simm.s32 $0x13400  }
0x132: {  	[tilespmem:s29], [sflag:$0x3] =	stream.indirect_vreg.gather [hbm4b:s6+s3], $0x80, v3, vm0, $0xb8;
	[tilespmem:$0x18400] =	vst v63  }
0x133: {  	s25 =	simm.s32 $0x13C00  }
0x134: {  	[tilespmem:s25], [sflag:$0x3] =	stream.indirect_vreg.gather [hbm4b:s7+s3], $0x80, v3, vm0, $0xb8;
	[tilespmem:$0x18400] =	vst v63  }
0x135: {  	v3 =	vld [tilespmem:$0x230];
	_ =	sdelay $0x4  }
0x136: {  	v11 =	vshll.u32 v3, $0x3  }
0x137: {  	v3 =	vand.u32 $0x7, v3;
	v4 =	vand.u32 $0xFFFFFFC0, v11  }
0x138: {  	v3 =	vor.u32 v3, v4  }
0x139: {  	v4 =	vperm.xlane v3, v0;
	_ =	sdelay $0x1  }
0x13a: {  	v4 =	vadd.s32 v1, v4;
	_ =	sdelay $0x3  }
0x13b: {  	s30 =	simm.s32 $0x14400  }
0x13c: {  	[tilespmem:s30], [sflag:$0x3] =	stream.indirect_vreg.gather [hbm4b:s2+s3], $0x80, v4, vm0, $0xb8;
	[tilespmem:$0x18400] =	vst v63  }
0x13d: {  	s10 =	simm.s32 $0x14C00;
	v3 =	vperm.xlane v3, v2  }
0x13e: {  	[tilespmem:s10], [sflag:$0x3] =	stream.indirect_vreg.gather [hbm4b:s5+s3], $0x80, v4, vm0, $0xb8;
	[tilespmem:$0x18400] =	vst v63  }
0x13f: {  	v3 =	vadd.s32 v1, v3;
	s30 =	simm.s32 $0x15400  }
0x140: {  	[tilespmem:s30], [sflag:$0x3] =	stream.indirect_vreg.gather [hbm4b:s6+s3], $0x80, v4, vm0, $0xb8;
	[tilespmem:$0x18400] =	vst v63  }
0x141: {  	s10 =	simm.s32 $0x15C00  }
0x142: {  	[tilespmem:s10], [sflag:$0x3] =	stream.indirect_vreg.gather [hbm4b:s7+s3], $0x80, v4, vm0, $0xb8;
	[tilespmem:$0x18400] =	vst v63  }
0x143: {  	s25 =	simm.s32 $0x16400  }
0x144: {  	[tilespmem:s25], [sflag:$0x3] =	stream.indirect_vreg.gather [hbm4b:s2+s3], $0x80, v3, vm0, $0xb8;
	[tilespmem:$0x18400] =	vst v63  }
0x145: {  	s25 =	simm.s32 $0x16C00  }
0x146: {  	[tilespmem:s25], [sflag:$0x3] =	stream.indirect_vreg.gather [hbm4b:s5+s3], $0x80, v3, vm0, $0xb8;
	[tilespmem:$0x18400] =	vst v63  }
0x147: {  	s25 =	simm.s32 $0x17400  }
0x148: {  	[tilespmem:s25], [sflag:$0x3] =	stream.indirect_vreg.gather [hbm4b:s6+s3], $0x80, v3, vm0, $0xb8;
	[tilespmem:$0x18400] =	vst v63  }
0x149: {  	s25 =	simm.s32 $0x17C00  }
0x14a: {  	[tilespmem:s25], [sflag:$0x3] =	stream.indirect_vreg.gather [hbm4b:s7+s3], $0x80, v3, vm0, $0xb8;
	[tilespmem:$0x18400] =	vst v63  }
0x14b: {  	_ =	swait.ge [sflag:s19], $0x8000  }
0x14c: {  	[sflag:s19] =	ssyncset.done $0x0  }
0x14d: {  	s0 =	simm.s32 $0x400;
	s25 =	rddreg [dreg:$0x7];
	[sflag:s19] =	ssyncadd.s32 $0xFFFF8000  }
0x14e: {  	[hbm4b:s25+s3] =	stream.linear.scatter [tilespmem:s0], [sflag:$0x4], $0x8000, $0x38;
	[tilespmem:$0x18400] =	vst v63  }
0x14f: {  	_ =	swait.ge [sflag:s20], $0x8000  }
0x150: {  	[sflag:s20] =	ssyncset.done $0x0  }
0x151: {  	[sflag:s20] =	ssyncadd.s32 $0xFFFF8000  }
0x152: {  	v3 =	vld [tilespmem:$0x240];
	_ =	sdelay $0x4  }
0x153: {  	v12 =	vshll.u32 v3, $0x3  }
0x154: {  	v3 =	vand.u32 $0x7, v3;
	v4 =	vand.u32 $0xFFFFFFC0, v12  }
0x155: {  	v3 =	vor.u32 v3, v4  }
0x156: {  	v4 =	vperm.xlane v3, v0;
	_ =	sdelay $0x1  }
0x157: {  	v4 =	vadd.s32 v1, v4;
	_ =	sdelay $0x4  }
0x158: {  	[tilespmem:s0], [sflag:$0x1] =	stream.indirect_vreg.gather [hbm4b:s2+s3], $0x80, v4, vm0, $0xb8;
	[tilespmem:$0x18400] =	vst v63  }
0x159: {  	s25 =	simm.s32 $0xC00;
	v3 =	vperm.xlane v3, v2  }
0x15a: {  	[tilespmem:s25], [sflag:$0x1] =	stream.indirect_vreg.gather [hbm4b:s5+s3], $0x80, v4, vm0, $0xb8;
	[tilespmem:$0x18400] =	vst v63  }
0x15b: {  	v3 =	vadd.s32 v1, v3;
	s25 =	simm.s32 $0x1400  }
0x15c: {  	[tilespmem:s25], [sflag:$0x1] =	stream.indirect_vreg.gather [hbm4b:s6+s3], $0x80, v4, vm0, $0xb8;
	[tilespmem:$0x18400] =	vst v63  }
0x15d: {  	_ = 	snop  }
0x15e: {  	[tilespmem:s31], [sflag:$0x1] =	stream.indirect_vreg.gather [hbm4b:s7+s3], $0x80, v4, vm0, $0xb8;
	[tilespmem:$0x18400] =	vst v63  }
0x15f: {  	_ = 	snop  }
0x160: {  	[tilespmem:s1], [sflag:$0x1] =	stream.indirect_vreg.gather [hbm4b:s2+s3], $0x80, v3, vm0, $0xb8;
	[tilespmem:$0x18400] =	vst v63  }
0x161: {  	_ = 	snop  }
0x162: {  	[tilespmem:s4], [sflag:$0x1] =	stream.indirect_vreg.gather [hbm4b:s5+s3], $0x80, v3, vm0, $0xb8;
	[tilespmem:$0x18400] =	vst v63  }
0x163: {  	_ = 	snop  }
0x164: {  	[tilespmem:s8], [sflag:$0x1] =	stream.indirect_vreg.gather [hbm4b:s6+s3], $0x80, v3, vm0, $0xb8;
	[tilespmem:$0x18400] =	vst v63  }
0x165: {  	s31 =	simm.s32 $0x3C00  }
0x166: {  	[tilespmem:s31], [sflag:$0x1] =	stream.indirect_vreg.gather [hbm4b:s7+s3], $0x80, v3, vm0, $0xb8;
	[tilespmem:$0x18400] =	vst v63  }
0x167: {  	v3 =	vld [tilespmem:$0x250];
	_ =	sdelay $0x4  }
0x168: {  	v13 =	vshll.u32 v3, $0x3  }
0x169: {  	v3 =	vand.u32 $0x7, v3;
	v4 =	vand.u32 $0xFFFFFFC0, v13  }
0x16a: {  	v3 =	vor.u32 v3, v4  }
0x16b: {  	v4 =	vperm.xlane v3, v0;
	_ =	sdelay $0x1  }
0x16c: {  	v4 =	vadd.s32 v1, v4;
	_ =	sdelay $0x3  }
0x16d: {  	s1 =	simm.s32 $0x4400  }
0x16e: {  	[tilespmem:s1], [sflag:$0x1] =	stream.indirect_vreg.gather [hbm4b:s2+s3], $0x80, v4, vm0, $0xb8;
	[tilespmem:$0x18400] =	vst v63  }
0x16f: {  	s4 =	simm.s32 $0x4C00;
	v3 =	vperm.xlane v3, v2  }
0x170: {  	[tilespmem:s4], [sflag:$0x1] =	stream.indirect_vreg.gather [hbm4b:s5+s3], $0x80, v4, vm0, $0xb8;
	[tilespmem:$0x18400] =	vst v63  }
0x171: {  	v3 =	vadd.s32 v1, v3  }
0x172: {  	[tilespmem:s9], [sflag:$0x1] =	stream.indirect_vreg.gather [hbm4b:s6+s3], $0x80, v4, vm0, $0xb8;
	[tilespmem:$0x18400] =	vst v63  }
0x173: {  	_ = 	snop  }
0x174: {  	[tilespmem:s18], [sflag:$0x1] =	stream.indirect_vreg.gather [hbm4b:s7+s3], $0x80, v4, vm0, $0xb8;
	[tilespmem:$0x18400] =	vst v63  }
0x175: {  	_ = 	snop  }
0x176: {  	[tilespmem:s11], [sflag:$0x1] =	stream.indirect_vreg.gather [hbm4b:s2+s3], $0x80, v3, vm0, $0xb8;
	[tilespmem:$0x18400] =	vst v63  }
0x177: {  	_ = 	snop  }
0x178: {  	[tilespmem:s12], [sflag:$0x1] =	stream.indirect_vreg.gather [hbm4b:s5+s3], $0x80, v3, vm0, $0xb8;
	[tilespmem:$0x18400] =	vst v63  }
0x179: {  	_ = 	snop  }
0x17a: {  	[tilespmem:s13], [sflag:$0x1] =	stream.indirect_vreg.gather [hbm4b:s6+s3], $0x80, v3, vm0, $0xb8;
	[tilespmem:$0x18400] =	vst v63  }
0x17b: {  	_ = 	snop  }
0x17c: {  	[tilespmem:s14], [sflag:$0x1] =	stream.indirect_vreg.gather [hbm4b:s7+s3], $0x80, v3, vm0, $0xb8;
	[tilespmem:$0x18400] =	vst v63  }
0x17d: {  	_ =	swait.ge [sflag:s21], $0x8000  }
0x17e: {  	[sflag:s21] =	ssyncset.done $0x0  }
0x17f: {  	s18 =	simm.s32 $0x8400;
	s14 =	rddreg [dreg:$0x8];
	[sflag:s21] =	ssyncadd.s32 $0xFFFF8000  }
0x180: {  	[hbm4b:s14+s3] =	stream.linear.scatter [tilespmem:s18], [sflag:$0x5], $0x8000, $0x38;
	[tilespmem:$0x18400] =	vst v63  }
0x181: {  	_ =	swait.ge [sflag:s22], $0x8000  }
0x182: {  	[sflag:s22] =	ssyncset.done $0x0  }
0x183: {  	[sflag:s22] =	ssyncadd.s32 $0xFFFF8000  }
0x184: {  	v3 =	vld [tilespmem:$0x260];
	_ =	sdelay $0x4  }
0x185: {  	v14 =	vshll.u32 v3, $0x3  }
0x186: {  	v3 =	vand.u32 $0x7, v3;
	v4 =	vand.u32 $0xFFFFFFC0, v14  }
0x187: {  	v3 =	vor.u32 v3, v4  }
0x188: {  	v4 =	vperm.xlane v3, v0;
	_ =	sdelay $0x1  }
0x189: {  	v4 =	vadd.s32 v1, v4;
	_ =	sdelay $0x4  }
0x18a: {  	[tilespmem:s18], [sflag:$0x2] =	stream.indirect_vreg.gather [hbm4b:s2+s3], $0x80, v4, vm0, $0xb8;
	[tilespmem:$0x18400] =	vst v63  }
0x18b: {  	s25 =	simm.s32 $0x8C00;
	v3 =	vperm.xlane v3, v2  }
0x18c: {  	[tilespmem:s25], [sflag:$0x2] =	stream.indirect_vreg.gather [hbm4b:s5+s3], $0x80, v4, vm0, $0xb8;
	[tilespmem:$0x18400] =	vst v63  }
0x18d: {  	v3 =	vadd.s32 v1, v3  }
0x18e: {  	[tilespmem:s26], [sflag:$0x2] =	stream.indirect_vreg.gather [hbm4b:s6+s3], $0x80, v4, vm0, $0xb8;
	[tilespmem:$0x18400] =	vst v63  }
0x18f: {  	s31 =	simm.s32 $0x9C00  }
0x190: {  	[tilespmem:s31], [sflag:$0x2] =	stream.indirect_vreg.gather [hbm4b:s7+s3], $0x80, v4, vm0, $0xb8;
	[tilespmem:$0x18400] =	vst v63  }
0x191: {  	s1 =	simm.s32 $0xA400  }
0x192: {  	[tilespmem:s1], [sflag:$0x2] =	stream.indirect_vreg.gather [hbm4b:s2+s3], $0x80, v3, vm0, $0xb8;
	[tilespmem:$0x18400] =	vst v63  }
0x193: {  	s9 =	simm.s32 $0xAC00  }
0x194: {  	[tilespmem:s9], [sflag:$0x2] =	stream.indirect_vreg.gather [hbm4b:s5+s3], $0x80, v3, vm0, $0xb8;
	[tilespmem:$0x18400] =	vst v63  }
0x195: {  	s11 =	simm.s32 $0xB400  }
0x196: {  	[tilespmem:s11], [sflag:$0x2] =	stream.indirect_vreg.gather [hbm4b:s6+s3], $0x80, v3, vm0, $0xb8;
	[tilespmem:$0x18400] =	vst v63  }
0x197: {  	s12 =	simm.s32 $0xBC00  }
0x198: {  	[tilespmem:s12], [sflag:$0x2] =	stream.indirect_vreg.gather [hbm4b:s7+s3], $0x80, v3, vm0, $0xb8;
	[tilespmem:$0x18400] =	vst v63  }
0x199: {  	v3 =	vld [tilespmem:$0x270];
	_ =	sdelay $0x4  }
0x19a: {  	v15 =	vshll.u32 v3, $0x3  }
0x19b: {  	v3 =	vand.u32 $0x7, v3;
	v4 =	vand.u32 $0xFFFFFFC0, v15  }
0x19c: {  	v3 =	vor.u32 v3, v4  }
0x19d: {  	v4 =	vperm.xlane v3, v0;
	_ =	sdelay $0x1  }
0x19e: {  	v4 =	vadd.s32 v1, v4;
	_ =	sdelay $0x3  }
0x19f: {  	s13 =	simm.s32 $0xC400  }
0x1a0: {  	[tilespmem:s13], [sflag:$0x2] =	stream.indirect_vreg.gather [hbm4b:s2+s3], $0x80, v4, vm0, $0xb8;
	[tilespmem:$0x18400] =	vst v63  }
0x1a1: {  	s18 =	simm.s32 $0xCC00;
	v3 =	vperm.xlane v3, v2  }
0x1a2: {  	[tilespmem:s18], [sflag:$0x2] =	stream.indirect_vreg.gather [hbm4b:s5+s3], $0x80, v4, vm0, $0xb8;
	[tilespmem:$0x18400] =	vst v63  }
0x1a3: {  	s25 =	simm.s32 $0xD400;
	v3 =	vadd.s32 v1, v3  }
0x1a4: {  	[tilespmem:s25], [sflag:$0x2] =	stream.indirect_vreg.gather [hbm4b:s6+s3], $0x80, v4, vm0, $0xb8;
	[tilespmem:$0x18400] =	vst v63  }
0x1a5: {  	s26 =	simm.s32 $0xDC00  }
0x1a6: {  	[tilespmem:s26], [sflag:$0x2] =	stream.indirect_vreg.gather [hbm4b:s7+s3], $0x80, v4, vm0, $0xb8;
	[tilespmem:$0x18400] =	vst v63  }
0x1a7: {  	s1 =	simm.s32 $0xE400  }
0x1a8: {  	[tilespmem:s1], [sflag:$0x2] =	stream.indirect_vreg.gather [hbm4b:s2+s3], $0x80, v3, vm0, $0xb8;
	[tilespmem:$0x18400] =	vst v63  }
0x1a9: {  	s9 =	simm.s32 $0xEC00  }
0x1aa: {  	[tilespmem:s9], [sflag:$0x2] =	stream.indirect_vreg.gather [hbm4b:s5+s3], $0x80, v3, vm0, $0xb8;
	[tilespmem:$0x18400] =	vst v63  }
0x1ab: {  	s11 =	simm.s32 $0xF400  }
0x1ac: {  	[tilespmem:s11], [sflag:$0x2] =	stream.indirect_vreg.gather [hbm4b:s6+s3], $0x80, v3, vm0, $0xb8;
	[tilespmem:$0x18400] =	vst v63  }
0x1ad: {  	s12 =	simm.s32 $0xFC00  }
0x1ae: {  	[tilespmem:s12], [sflag:$0x2] =	stream.indirect_vreg.gather [hbm4b:s7+s3], $0x80, v3, vm0, $0xb8;
	[tilespmem:$0x18400] =	vst v63  }
0x1af: {  	_ =	swait.ge [sflag:s23], $0x8000  }
0x1b0: {  	[sflag:s23] =	ssyncset.done $0x0  }
0x1b1: {  	s18 =	simm.s32 $0x10400;
	s13 =	rddreg [dreg:$0x9];
	[sflag:s23] =	ssyncadd.s32 $0xFFFF8000  }
0x1b2: {  	[hbm4b:s13+s3] =	stream.linear.scatter [tilespmem:s18], [sflag:$0x6], $0x8000, $0x38;
	[tilespmem:$0x18400] =	vst v63  }
0x1b3: {  	_ =	swait.ge [sflag:s24], $0x8000  }
0x1b4: {  	[sflag:s24] =	ssyncset.done $0x0  }
0x1b5: {  	[sflag:s24] =	ssyncadd.s32 $0xFFFF8000  }
0x1b6: {  	v3 =	vld [tilespmem:$0x80];
	_ =	sdelay $0x4  }
0x1b7: {  	v16 =	vshll.u32 v3, $0x3  }
0x1b8: {  	v3 =	vand.u32 $0x7, v3;
	v4 =	vand.u32 $0xFFFFFFC0, v16  }
0x1b9: {  	v3 =	vor.u32 v3, v4  }
0x1ba: {  	v4 =	vperm.xlane v3, v0;
	_ =	sdelay $0x1  }
0x1bb: {  	v4 =	vadd.s32 v1, v4;
	_ =	sdelay $0x4  }
0x1bc: {  	[tilespmem:s18], [sflag:$0x3] =	stream.indirect_vreg.gather [hbm4b:s2+s3], $0x80, v4, vm0, $0xb8;
	[tilespmem:$0x18400] =	vst v63  }
0x1bd: {  	s26 =	simm.s32 $0x10C00;
	v3 =	vperm.xlane v3, v2  }
0x1be: {  	[tilespmem:s26], [sflag:$0x3] =	stream.indirect_vreg.gather [hbm4b:s5+s3], $0x80, v4, vm0, $0xb8;
	[tilespmem:$0x18400] =	vst v63  }
0x1bf: {  	v3 =	vadd.s32 v1, v3  }
0x1c0: {  	[tilespmem:s15], [sflag:$0x3] =	stream.indirect_vreg.gather [hbm4b:s6+s3], $0x80, v4, vm0, $0xb8;
	[tilespmem:$0x18400] =	vst v63  }
0x1c1: {  	_ = 	snop  }
0x1c2: {  	[tilespmem:s16], [sflag:$0x3] =	stream.indirect_vreg.gather [hbm4b:s7+s3], $0x80, v4, vm0, $0xb8;
	[tilespmem:$0x18400] =	vst v63  }
0x1c3: {  	_ = 	snop  }
0x1c4: {  	[tilespmem:s17], [sflag:$0x3] =	stream.indirect_vreg.gather [hbm4b:s2+s3], $0x80, v3, vm0, $0xb8;
	[tilespmem:$0x18400] =	vst v63  }
0x1c5: {  	_ = 	snop  }
0x1c6: {  	[tilespmem:s28], [sflag:$0x3] =	stream.indirect_vreg.gather [hbm4b:s5+s3], $0x80, v3, vm0, $0xb8;
	[tilespmem:$0x18400] =	vst v63  }
0x1c7: {  	_ = 	snop  }
0x1c8: {  	[tilespmem:s29], [sflag:$0x3] =	stream.indirect_vreg.gather [hbm4b:s6+s3], $0x80, v3, vm0, $0xb8;
	[tilespmem:$0x18400] =	vst v63  }
0x1c9: {  	s29 =	simm.s32 $0x13C00  }
0x1ca: {  	[tilespmem:s29], [sflag:$0x3] =	stream.indirect_vreg.gather [hbm4b:s7+s3], $0x80, v3, vm0, $0xb8;
	[tilespmem:$0x18400] =	vst v63  }
0x1cb: {  	v3 =	vld [tilespmem:$0x90];
	_ =	sdelay $0x4  }
0x1cc: {  	v17 =	vshll.u32 v3, $0x3  }
0x1cd: {  	v3 =	vand.u32 $0x7, v3;
	v4 =	vand.u32 $0xFFFFFFC0, v17  }
0x1ce: {  	v3 =	vor.u32 v3, v4  }
0x1cf: {  	v4 =	vperm.xlane v3, v0;
	_ =	sdelay $0x1  }
0x1d0: {  	v4 =	vadd.s32 v1, v4;
	_ =	sdelay $0x3  }
0x1d1: {  	s1 =	simm.s32 $0x14400  }
0x1d2: {  	[tilespmem:s1], [sflag:$0x3] =	stream.indirect_vreg.gather [hbm4b:s2+s3], $0x80, v4, vm0, $0xb8;
	[tilespmem:$0x18400] =	vst v63  }
0x1d3: {  	s9 =	simm.s32 $0x14C00;
	v3 =	vperm.xlane v3, v2  }
0x1d4: {  	[tilespmem:s9], [sflag:$0x3] =	stream.indirect_vreg.gather [hbm4b:s5+s3], $0x80, v4, vm0, $0xb8;
	[tilespmem:$0x18400] =	vst v63  }
0x1d5: {  	v3 =	vadd.s32 v1, v3  }
0x1d6: {  	[tilespmem:s30], [sflag:$0x3] =	stream.indirect_vreg.gather [hbm4b:s6+s3], $0x80, v4, vm0, $0xb8;
	[tilespmem:$0x18400] =	vst v63  }
0x1d7: {  	_ = 	snop  }
0x1d8: {  	[tilespmem:s10], [sflag:$0x3] =	stream.indirect_vreg.gather [hbm4b:s7+s3], $0x80, v4, vm0, $0xb8;
	[tilespmem:$0x18400] =	vst v63  }
0x1d9: {  	s11 =	simm.s32 $0x16400  }
0x1da: {  	[tilespmem:s11], [sflag:$0x3] =	stream.indirect_vreg.gather [hbm4b:s2+s3], $0x80, v3, vm0, $0xb8;
	[tilespmem:$0x18400] =	vst v63  }
0x1db: {  	s12 =	simm.s32 $0x16C00  }
0x1dc: {  	[tilespmem:s12], [sflag:$0x3] =	stream.indirect_vreg.gather [hbm4b:s5+s3], $0x80, v3, vm0, $0xb8;
	[tilespmem:$0x18400] =	vst v63  }
0x1dd: {  	s13 =	simm.s32 $0x17400  }
0x1de: {  	[tilespmem:s13], [sflag:$0x3] =	stream.indirect_vreg.gather [hbm4b:s6+s3], $0x80, v3, vm0, $0xb8;
	[tilespmem:$0x18400] =	vst v63  }
0x1df: {  	s15 =	simm.s32 $0x17C00  }
0x1e0: {  	[tilespmem:s15], [sflag:$0x3] =	stream.indirect_vreg.gather [hbm4b:s7+s3], $0x80, v3, vm0, $0xb8;
	[tilespmem:$0x18400] =	vst v63  }
0x1e1: {  	_ =	swait.ge [sflag:s19], $0x8000  }
0x1e2: {  	[sflag:s19] =	ssyncset.done $0x0  }
0x1e3: {  	s17 =	simm.s32 $0x400;
	s16 =	rddreg [dreg:$0xa];
	[sflag:s19] =	ssyncadd.s32 $0xFFFF8000  }
0x1e4: {  	[hbm4b:s16+s3] =	stream.linear.scatter [tilespmem:s17], [sflag:$0x4], $0x8000, $0x38;
	[tilespmem:$0x18400] =	vst v63  }
0x1e5: {  	_ =	swait.ge [sflag:s20], $0x8000  }
0x1e6: {  	[sflag:s20] =	ssyncset.done $0x0  }
0x1e7: {  	[sflag:s20] =	ssyncadd.s32 $0xFFFF8000  }
0x1e8: {  	v3 =	vld [tilespmem:$0xA0];
	_ =	sdelay $0x4  }
0x1e9: {  	v18 =	vshll.u32 v3, $0x3  }
0x1ea: {  	v3 =	vand.u32 $0x7, v3;
	v4 =	vand.u32 $0xFFFFFFC0, v18  }
0x1eb: {  	v3 =	vor.u32 v3, v4  }
0x1ec: {  	v4 =	vperm.xlane v3, v0;
	_ =	sdelay $0x1  }
0x1ed: {  	v4 =	vadd.s32 v1, v4;
	_ =	sdelay $0x4  }
0x1ee: {  	[tilespmem:s17], [sflag:$0x1] =	stream.indirect_vreg.gather [hbm4b:s2+s3], $0x80, v4, vm0, $0xb8;
	[tilespmem:$0x18400] =	vst v63  }
0x1ef: {  	s18 =	simm.s32 $0xC00;
	v3 =	vperm.xlane v3, v2  }
0x1f0: {  	[tilespmem:s18], [sflag:$0x1] =	stream.indirect_vreg.gather [hbm4b:s5+s3], $0x80, v4, vm0, $0xb8;
	[tilespmem:$0x18400] =	vst v63  }
0x1f1: {  	s25 =	simm.s32 $0x1400;
	v3 =	vadd.s32 v1, v3  }
0x1f2: {  	[tilespmem:s25], [sflag:$0x1] =	stream.indirect_vreg.gather [hbm4b:s6+s3], $0x80, v4, vm0, $0xb8;
	[tilespmem:$0x18400] =	vst v63  }
0x1f3: {  	s9 =	simm.s32 $0x1C00  }
0x1f4: {  	[tilespmem:s9], [sflag:$0x1] =	stream.indirect_vreg.gather [hbm4b:s7+s3], $0x80, v4, vm0, $0xb8;
	[tilespmem:$0x18400] =	vst v63  }
0x1f5: {  	s10 =	simm.s32 $0x2400  }
0x1f6: {  	[tilespmem:s10], [sflag:$0x1] =	stream.indirect_vreg.gather [hbm4b:s2+s3], $0x80, v3, vm0, $0xb8;
	[tilespmem:$0x18400] =	vst v63  }
0x1f7: {  	s11 =	simm.s32 $0x2C00  }
0x1f8: {  	[tilespmem:s11], [sflag:$0x1] =	stream.indirect_vreg.gather [hbm4b:s5+s3], $0x80, v3, vm0, $0xb8;
	[tilespmem:$0x18400] =	vst v63  }
0x1f9: {  	s8 =	simm.s32 $0x3400  }
0x1fa: {  	[tilespmem:s8], [sflag:$0x1] =	stream.indirect_vreg.gather [hbm4b:s6+s3], $0x80, v3, vm0, $0xb8;
	[tilespmem:$0x18400] =	vst v63  }
0x1fb: {  	s1 =	simm.s32 $0x3C00  }
0x1fc: {  	[tilespmem:s1], [sflag:$0x1] =	stream.indirect_vreg.gather [hbm4b:s7+s3], $0x80, v3, vm0, $0xb8;
	[tilespmem:$0x18400] =	vst v63  }
0x1fd: {  	v3 =	vld [tilespmem:$0xB0];
	_ =	sdelay $0x4  }
0x1fe: {  	v19 =	vshll.u32 v3, $0x3  }
0x1ff: {  	v3 =	vand.u32 $0x7, v3;
	v4 =	vand.u32 $0xFFFFFFC0, v19  }
0x200: {  	v3 =	vor.u32 v3, v4  }
0x201: {  	v4 =	vperm.xlane v3, v0;
	_ =	sdelay $0x1  }
0x202: {  	v4 =	vadd.s32 v1, v4;
	_ =	sdelay $0x3  }
0x203: {  	s26 =	simm.s32 $0x4400  }
0x204: {  	[tilespmem:s26], [sflag:$0x1] =	stream.indirect_vreg.gather [hbm4b:s2+s3], $0x80, v4, vm0, $0xb8;
	[tilespmem:$0x18400] =	vst v63  }
0x205: {  	s28 =	simm.s32 $0x4C00;
	v3 =	vperm.xlane v3, v2  }
0x206: {  	[tilespmem:s28], [sflag:$0x1] =	stream.indirect_vreg.gather [hbm4b:s5+s3], $0x80, v4, vm0, $0xb8;
	[tilespmem:$0x18400] =	vst v63  }
0x207: {  	s12 =	simm.s32 $0x5400;
	v3 =	vadd.s32 v1, v3  }
0x208: {  	[tilespmem:s12], [sflag:$0x1] =	stream.indirect_vreg.gather [hbm4b:s6+s3], $0x80, v4, vm0, $0xb8;
	[tilespmem:$0x18400] =	vst v63  }
0x209: {  	s13 =	simm.s32 $0x5C00  }
0x20a: {  	[tilespmem:s13], [sflag:$0x1] =	stream.indirect_vreg.gather [hbm4b:s7+s3], $0x80, v4, vm0, $0xb8;
	[tilespmem:$0x18400] =	vst v63  }
0x20b: {  	s15 =	simm.s32 $0x6400  }
0x20c: {  	[tilespmem:s15], [sflag:$0x1] =	stream.indirect_vreg.gather [hbm4b:s2+s3], $0x80, v3, vm0, $0xb8;
	[tilespmem:$0x18400] =	vst v63  }
0x20d: {  	s16 =	simm.s32 $0x6C00  }
0x20e: {  	[tilespmem:s16], [sflag:$0x1] =	stream.indirect_vreg.gather [hbm4b:s5+s3], $0x80, v3, vm0, $0xb8;
	[tilespmem:$0x18400] =	vst v63  }
0x20f: {  	s17 =	simm.s32 $0x7400  }
0x210: {  	[tilespmem:s17], [sflag:$0x1] =	stream.indirect_vreg.gather [hbm4b:s6+s3], $0x80, v3, vm0, $0xb8;
	[tilespmem:$0x18400] =	vst v63  }
0x211: {  	s18 =	simm.s32 $0x7C00  }
0x212: {  	[tilespmem:s18], [sflag:$0x1] =	stream.indirect_vreg.gather [hbm4b:s7+s3], $0x80, v3, vm0, $0xb8;
	[tilespmem:$0x18400] =	vst v63  }
0x213: {  	_ =	swait.ge [sflag:s21], $0x8000  }
0x214: {  	[sflag:s21] =	ssyncset.done $0x0  }
0x215: {  	s30 =	simm.s32 $0x8400;
	s29 =	rddreg [dreg:$0xb];
	[sflag:s21] =	ssyncadd.s32 $0xFFFF8000  }
0x216: {  	[hbm4b:s29+s3] =	stream.linear.scatter [tilespmem:s30], [sflag:$0x5], $0x8000, $0x38;
	[tilespmem:$0x18400] =	vst v63  }
0x217: {  	_ =	swait.ge [sflag:s22], $0x8000  }
0x218: {  	[sflag:s22] =	ssyncset.done $0x0  }
0x219: {  	[sflag:s22] =	ssyncadd.s32 $0xFFFF8000  }
0x21a: {  	v3 =	vld [tilespmem:$0xC0];
	_ =	sdelay $0x4  }
0x21b: {  	v20 =	vshll.u32 v3, $0x3  }
0x21c: {  	v3 =	vand.u32 $0x7, v3;
	v4 =	vand.u32 $0xFFFFFFC0, v20  }
0x21d: {  	v3 =	vor.u32 v3, v4  }
0x21e: {  	v4 =	vperm.xlane v3, v0;
	_ =	sdelay $0x1  }
0x21f: {  	v4 =	vadd.s32 v1, v4;
	_ =	sdelay $0x4  }
0x220: {  	[tilespmem:s30], [sflag:$0x2] =	stream.indirect_vreg.gather [hbm4b:s2+s3], $0x80, v4, vm0, $0xb8;
	[tilespmem:$0x18400] =	vst v63  }
0x221: {  	s4 =	simm.s32 $0x8C00;
	v3 =	vperm.xlane v3, v2  }
0x222: {  	[tilespmem:s4], [sflag:$0x2] =	stream.indirect_vreg.gather [hbm4b:s5+s3], $0x80, v4, vm0, $0xb8;
	[tilespmem:$0x18400] =	vst v63  }
0x223: {  	s8 =	simm.s32 $0x9400;
	v3 =	vadd.s32 v1, v3  }
0x224: {  	[tilespmem:s8], [sflag:$0x2] =	stream.indirect_vreg.gather [hbm4b:s6+s3], $0x80, v4, vm0, $0xb8;
	[tilespmem:$0x18400] =	vst v63  }
0x225: {  	s26 =	simm.s32 $0x9C00  }
0x226: {  	[tilespmem:s26], [sflag:$0x2] =	stream.indirect_vreg.gather [hbm4b:s7+s3], $0x80, v4, vm0, $0xb8;
	[tilespmem:$0x18400] =	vst v63  }
0x227: {  	s28 =	simm.s32 $0xA400  }
0x228: {  	[tilespmem:s28], [sflag:$0x2] =	stream.indirect_vreg.gather [hbm4b:s2+s3], $0x80, v3, vm0, $0xb8;
	[tilespmem:$0x18400] =	vst v63  }
0x229: {  	s29 =	simm.s32 $0xAC00  }
0x22a: {  	[tilespmem:s29], [sflag:$0x2] =	stream.indirect_vreg.gather [hbm4b:s5+s3], $0x80, v3, vm0, $0xb8;
	[tilespmem:$0x18400] =	vst v63  }
0x22b: {  	s30 =	simm.s32 $0xB400  }
0x22c: {  	[tilespmem:s30], [sflag:$0x2] =	stream.indirect_vreg.gather [hbm4b:s6+s3], $0x80, v3, vm0, $0xb8;
	[tilespmem:$0x18400] =	vst v63  }
0x22d: {  	s14 =	simm.s32 $0xBC00  }
0x22e: {  	[tilespmem:s14], [sflag:$0x2] =	stream.indirect_vreg.gather [hbm4b:s7+s3], $0x80, v3, vm0, $0xb8;
	[tilespmem:$0x18400] =	vst v63  }
0x22f: {  	v3 =	vld [tilespmem:$0xD0];
	_ =	sdelay $0x4  }
0x230: {  	v21 =	vshll.u32 v3, $0x3  }
0x231: {  	v3 =	vand.u32 $0x7, v3;
	v4 =	vand.u32 $0xFFFFFFC0, v21  }
0x232: {  	v3 =	vor.u32 v3, v4  }
0x233: {  	v4 =	vperm.xlane v3, v0;
	_ =	sdelay $0x1  }
0x234: {  	v4 =	vadd.s32 v1, v4;
	_ =	sdelay $0x3  }
0x235: {  	s31 =	simm.s32 $0xC400  }
0x236: {  	[tilespmem:s31], [sflag:$0x2] =	stream.indirect_vreg.gather [hbm4b:s2+s3], $0x80, v4, vm0, $0xb8;
	[tilespmem:$0x18400] =	vst v63  }
0x237: {  	v3 =	vperm.xlane v3, v2;
	s31 =	simm.s32 $0xCC00  }
0x238: {  	[tilespmem:s31], [sflag:$0x2] =	stream.indirect_vreg.gather [hbm4b:s5+s3], $0x80, v4, vm0, $0xb8;
	[tilespmem:$0x18400] =	vst v63  }
0x239: {  	v3 =	vadd.s32 v1, v3;
	s31 =	simm.s32 $0xD400  }
0x23a: {  	[tilespmem:s31], [sflag:$0x2] =	stream.indirect_vreg.gather [hbm4b:s6+s3], $0x80, v4, vm0, $0xb8;
	[tilespmem:$0x18400] =	vst v63  }
0x23b: {  	s4 =	simm.s32 $0xDC00  }
0x23c: {  	[tilespmem:s4], [sflag:$0x2] =	stream.indirect_vreg.gather [hbm4b:s7+s3], $0x80, v4, vm0, $0xb8;
	[tilespmem:$0x18400] =	vst v63  }
0x23d: {  	s14 =	simm.s32 $0xE400  }
0x23e: {  	[tilespmem:s14], [sflag:$0x2] =	stream.indirect_vreg.gather [hbm4b:s2+s3], $0x80, v3, vm0, $0xb8;
	[tilespmem:$0x18400] =	vst v63  }
0x23f: {  	s4 =	simm.s32 $0xEC00  }
0x240: {  	[tilespmem:s4], [sflag:$0x2] =	stream.indirect_vreg.gather [hbm4b:s5+s3], $0x80, v3, vm0, $0xb8;
	[tilespmem:$0x18400] =	vst v63  }
0x241: {  	s14 =	simm.s32 $0xF400  }
0x242: {  	[tilespmem:s14], [sflag:$0x2] =	stream.indirect_vreg.gather [hbm4b:s6+s3], $0x80, v3, vm0, $0xb8;
	[tilespmem:$0x18400] =	vst v63  }
0x243: {  	s25 =	simm.s32 $0xFC00  }
0x244: {  	[tilespmem:s25], [sflag:$0x2] =	stream.indirect_vreg.gather [hbm4b:s7+s3], $0x80, v3, vm0, $0xb8;
	[tilespmem:$0x18400] =	vst v63  }
0x245: {  	_ =	swait.ge [sflag:s23], $0x8000  }
0x246: {  	[sflag:s23] =	ssyncset.done $0x0  }
0x247: {  	s0 =	simm.s32 $0x10400;
	s25 =	rddreg [dreg:$0xc];
	[sflag:s23] =	ssyncadd.s32 $0xFFFF8000  }
0x248: {  	[hbm4b:s25+s3] =	stream.linear.scatter [tilespmem:s0], [sflag:$0x6], $0x8000, $0x38;
	[tilespmem:$0x18400] =	vst v63  }
0x249: {  	_ =	swait.ge [sflag:s24], $0x8000  }
0x24a: {  	[sflag:s24] =	ssyncset.done $0x0  }
0x24b: {  	[sflag:s24] =	ssyncadd.s32 $0xFFFF8000  }
0x24c: {  	v3 =	vld [tilespmem:$0xE0];
	_ =	sdelay $0x4  }
0x24d: {  	v22 =	vshll.u32 v3, $0x3  }
0x24e: {  	v3 =	vand.u32 $0x7, v3;
	v4 =	vand.u32 $0xFFFFFFC0, v22  }
0x24f: {  	v3 =	vor.u32 v3, v4  }
0x250: {  	v4 =	vperm.xlane v3, v0;
	_ =	sdelay $0x1  }
0x251: {  	v4 =	vadd.s32 v1, v4;
	_ =	sdelay $0x4  }
0x252: {  	[tilespmem:s0], [sflag:$0x3] =	stream.indirect_vreg.gather [hbm4b:s2+s3], $0x80, v4, vm0, $0xb8;
	[tilespmem:$0x18400] =	vst v63  }
0x253: {  	s25 =	simm.s32 $0x10C00;
	v3 =	vperm.xlane v3, v2  }
0x254: {  	[tilespmem:s25], [sflag:$0x3] =	stream.indirect_vreg.gather [hbm4b:s5+s3], $0x80, v4, vm0, $0xb8;
	[tilespmem:$0x18400] =	vst v63  }
0x255: {  	v3 =	vadd.s32 v1, v3;
	s25 =	simm.s32 $0x11400  }
0x256: {  	[tilespmem:s25], [sflag:$0x3] =	stream.indirect_vreg.gather [hbm4b:s6+s3], $0x80, v4, vm0, $0xb8;
	[tilespmem:$0x18400] =	vst v63  }
0x257: {  	s25 =	simm.s32 $0x11C00  }
0x258: {  	[tilespmem:s25], [sflag:$0x3] =	stream.indirect_vreg.gather [hbm4b:s7+s3], $0x80, v4, vm0, $0xb8;
	[tilespmem:$0x18400] =	vst v63  }
0x259: {  	s25 =	simm.s32 $0x12400  }
0x25a: {  	[tilespmem:s25], [sflag:$0x3] =	stream.indirect_vreg.gather [hbm4b:s2+s3], $0x80, v3, vm0, $0xb8;
	[tilespmem:$0x18400] =	vst v63  }
0x25b: {  	s25 =	simm.s32 $0x12C00  }
0x25c: {  	[tilespmem:s25], [sflag:$0x3] =	stream.indirect_vreg.gather [hbm4b:s5+s3], $0x80, v3, vm0, $0xb8;
	[tilespmem:$0x18400] =	vst v63  }
0x25d: {  	s25 =	simm.s32 $0x13400  }
0x25e: {  	[tilespmem:s25], [sflag:$0x3] =	stream.indirect_vreg.gather [hbm4b:s6+s3], $0x80, v3, vm0, $0xb8;
	[tilespmem:$0x18400] =	vst v63  }
0x25f: {  	s25 =	simm.s32 $0x13C00  }
0x260: {  	[tilespmem:s25], [sflag:$0x3] =	stream.indirect_vreg.gather [hbm4b:s7+s3], $0x80, v3, vm0, $0xb8;
	[tilespmem:$0x18400] =	vst v63  }
0x261: {  	v3 =	vld [tilespmem:$0xF0];
	_ =	sdelay $0x4  }
0x262: {  	v23 =	vshll.u32 v3, $0x3  }
0x263: {  	v3 =	vand.u32 $0x7, v3;
	v4 =	vand.u32 $0xFFFFFFC0, v23  }
0x264: {  	v3 =	vor.u32 v3, v4  }
0x265: {  	v4 =	vperm.xlane v3, v0;
	_ =	sdelay $0x1  }
0x266: {  	v4 =	vadd.s32 v1, v4;
	_ =	sdelay $0x3  }
0x267: {  	s25 =	simm.s32 $0x14400  }
0x268: {  	[tilespmem:s25], [sflag:$0x3] =	stream.indirect_vreg.gather [hbm4b:s2+s3], $0x80, v4, vm0, $0xb8;
	[tilespmem:$0x18400] =	vst v63  }
0x269: {  	v3 =	vperm.xlane v3, v2;
	s25 =	simm.s32 $0x14C00  }
0x26a: {  	[tilespmem:s25], [sflag:$0x3] =	stream.indirect_vreg.gather [hbm4b:s5+s3], $0x80, v4, vm0, $0xb8;
	[tilespmem:$0x18400] =	vst v63  }
0x26b: {  	v3 =	vadd.s32 v1, v3;
	s25 =	simm.s32 $0x15400  }
0x26c: {  	[tilespmem:s25], [sflag:$0x3] =	stream.indirect_vreg.gather [hbm4b:s6+s3], $0x80, v4, vm0, $0xb8;
	[tilespmem:$0x18400] =	vst v63  }
0x26d: {  	s25 =	simm.s32 $0x15C00  }
0x26e: {  	[tilespmem:s25], [sflag:$0x3] =	stream.indirect_vreg.gather [hbm4b:s7+s3], $0x80, v4, vm0, $0xb8;
	[tilespmem:$0x18400] =	vst v63  }
0x26f: {  	s25 =	simm.s32 $0x16400  }
0x270: {  	[tilespmem:s25], [sflag:$0x3] =	stream.indirect_vreg.gather [hbm4b:s2+s3], $0x80, v3, vm0, $0xb8;
	[tilespmem:$0x18400] =	vst v63  }
0x271: {  	s25 =	simm.s32 $0x16C00  }
0x272: {  	[tilespmem:s25], [sflag:$0x3] =	stream.indirect_vreg.gather [hbm4b:s5+s3], $0x80, v3, vm0, $0xb8;
	[tilespmem:$0x18400] =	vst v63  }
0x273: {  	s25 =	simm.s32 $0x17400  }
0x274: {  	[tilespmem:s25], [sflag:$0x3] =	stream.indirect_vreg.gather [hbm4b:s6+s3], $0x80, v3, vm0, $0xb8;
	[tilespmem:$0x18400] =	vst v63  }
0x275: {  	s25 =	simm.s32 $0x17C00  }
0x276: {  	[tilespmem:s25], [sflag:$0x3] =	stream.indirect_vreg.gather [hbm4b:s7+s3], $0x80, v3, vm0, $0xb8;
	[tilespmem:$0x18400] =	vst v63  }
0x277: {  	_ =	swait.ge [sflag:s19], $0x8000  }
0x278: {  	[sflag:s19] =	ssyncset.done $0x0  }
0x279: {  	s0 =	simm.s32 $0x400;
	s25 =	rddreg [dreg:$0xd];
	[sflag:s19] =	ssyncadd.s32 $0xFFFF8000  }
0x27a: {  	[hbm4b:s25+s3] =	stream.linear.scatter [tilespmem:s0], [sflag:$0x4], $0x8000, $0x38;
	[tilespmem:$0x18400] =	vst v63  }
0x27b: {  	_ =	swait.ge [sflag:s20], $0x8000  }
0x27c: {  	[sflag:s20] =	ssyncset.done $0x0  }
0x27d: {  	[sflag:s20] =	ssyncadd.s32 $0xFFFF8000  }
0x27e: {  	v3 =	vld [tilespmem:$0x280];
	_ =	sdelay $0x4  }
0x27f: {  	v24 =	vshll.u32 v3, $0x3  }
0x280: {  	v3 =	vand.u32 $0x7, v3;
	v4 =	vand.u32 $0xFFFFFFC0, v24  }
0x281: {  	v3 =	vor.u32 v3, v4  }
0x282: {  	v4 =	vperm.xlane v3, v0;
	_ =	sdelay $0x1  }
0x283: {  	v4 =	vadd.s32 v1, v4;
	_ =	sdelay $0x4  }
0x284: {  	[tilespmem:s0], [sflag:$0x1] =	stream.indirect_vreg.gather [hbm4b:s2+s3], $0x80, v4, vm0, $0xb8;
	[tilespmem:$0x18400] =	vst v63  }
0x285: {  	s25 =	simm.s32 $0xC00;
	v3 =	vperm.xlane v3, v2  }
0x286: {  	[tilespmem:s25], [sflag:$0x1] =	stream.indirect_vreg.gather [hbm4b:s5+s3], $0x80, v4, vm0, $0xb8;
	[tilespmem:$0x18400] =	vst v63  }
0x287: {  	v3 =	vadd.s32 v1, v3;
	s25 =	simm.s32 $0x1400  }
0x288: {  	[tilespmem:s25], [sflag:$0x1] =	stream.indirect_vreg.gather [hbm4b:s6+s3], $0x80, v4, vm0, $0xb8;
	[tilespmem:$0x18400] =	vst v63  }
0x289: {  	_ = 	snop  }
0x28a: {  	[tilespmem:s9], [sflag:$0x1] =	stream.indirect_vreg.gather [hbm4b:s7+s3], $0x80, v4, vm0, $0xb8;
	[tilespmem:$0x18400] =	vst v63  }
0x28b: {  	_ = 	snop  }
0x28c: {  	[tilespmem:s10], [sflag:$0x1] =	stream.indirect_vreg.gather [hbm4b:s2+s3], $0x80, v3, vm0, $0xb8;
	[tilespmem:$0x18400] =	vst v63  }
0x28d: {  	_ = 	snop  }
0x28e: {  	[tilespmem:s11], [sflag:$0x1] =	stream.indirect_vreg.gather [hbm4b:s5+s3], $0x80, v3, vm0, $0xb8;
	[tilespmem:$0x18400] =	vst v63  }
0x28f: {  	s9 =	simm.s32 $0x3400  }
0x290: {  	[tilespmem:s9], [sflag:$0x1] =	stream.indirect_vreg.gather [hbm4b:s6+s3], $0x80, v3, vm0, $0xb8;
	[tilespmem:$0x18400] =	vst v63  }
0x291: {  	_ = 	snop  }
0x292: {  	[tilespmem:s1], [sflag:$0x1] =	stream.indirect_vreg.gather [hbm4b:s7+s3], $0x80, v3, vm0, $0xb8;
	[tilespmem:$0x18400] =	vst v63  }
0x293: {  	v3 =	vld [tilespmem:$0x290];
	_ =	sdelay $0x4  }
0x294: {  	v25 =	vshll.u32 v3, $0x3  }
0x295: {  	v3 =	vand.u32 $0x7, v3;
	v4 =	vand.u32 $0xFFFFFFC0, v25  }
0x296: {  	v3 =	vor.u32 v3, v4  }
0x297: {  	v4 =	vperm.xlane v3, v0;
	_ =	sdelay $0x1  }
0x298: {  	v4 =	vadd.s32 v1, v4;
	_ =	sdelay $0x3  }
0x299: {  	s10 =	simm.s32 $0x4400  }
0x29a: {  	[tilespmem:s10], [sflag:$0x1] =	stream.indirect_vreg.gather [hbm4b:s2+s3], $0x80, v4, vm0, $0xb8;
	[tilespmem:$0x18400] =	vst v63  }
0x29b: {  	s11 =	simm.s32 $0x4C00;
	v3 =	vperm.xlane v3, v2  }
0x29c: {  	[tilespmem:s11], [sflag:$0x1] =	stream.indirect_vreg.gather [hbm4b:s5+s3], $0x80, v4, vm0, $0xb8;
	[tilespmem:$0x18400] =	vst v63  }
0x29d: {  	v3 =	vadd.s32 v1, v3  }
0x29e: {  	[tilespmem:s12], [sflag:$0x1] =	stream.indirect_vreg.gather [hbm4b:s6+s3], $0x80, v4, vm0, $0xb8;
	[tilespmem:$0x18400] =	vst v63  }
0x29f: {  	_ = 	snop  }
0x2a0: {  	[tilespmem:s13], [sflag:$0x1] =	stream.indirect_vreg.gather [hbm4b:s7+s3], $0x80, v4, vm0, $0xb8;
	[tilespmem:$0x18400] =	vst v63  }
0x2a1: {  	_ = 	snop  }
0x2a2: {  	[tilespmem:s15], [sflag:$0x1] =	stream.indirect_vreg.gather [hbm4b:s2+s3], $0x80, v3, vm0, $0xb8;
	[tilespmem:$0x18400] =	vst v63  }
0x2a3: {  	_ = 	snop  }
0x2a4: {  	[tilespmem:s16], [sflag:$0x1] =	stream.indirect_vreg.gather [hbm4b:s5+s3], $0x80, v3, vm0, $0xb8;
	[tilespmem:$0x18400] =	vst v63  }
0x2a5: {  	_ = 	snop  }
0x2a6: {  	[tilespmem:s17], [sflag:$0x1] =	stream.indirect_vreg.gather [hbm4b:s6+s3], $0x80, v3, vm0, $0xb8;
	[tilespmem:$0x18400] =	vst v63  }
0x2a7: {  	_ = 	snop  }
0x2a8: {  	[tilespmem:s18], [sflag:$0x1] =	stream.indirect_vreg.gather [hbm4b:s7+s3], $0x80, v3, vm0, $0xb8;
	[tilespmem:$0x18400] =	vst v63  }
0x2a9: {  	_ =	swait.ge [sflag:s21], $0x8000  }
0x2aa: {  	[sflag:s21] =	ssyncset.done $0x0  }
0x2ab: {  	s13 =	simm.s32 $0x8400;
	s12 =	rddreg [dreg:$0xe];
	[sflag:s21] =	ssyncadd.s32 $0xFFFF8000  }
0x2ac: {  	[hbm4b:s12+s3] =	stream.linear.scatter [tilespmem:s13], [sflag:$0x5], $0x8000, $0x38;
	[tilespmem:$0x18400] =	vst v63  }
0x2ad: {  	_ =	swait.ge [sflag:s22], $0x8000  }
0x2ae: {  	[sflag:s22] =	ssyncset.done $0x0  }
0x2af: {  	[sflag:s22] =	ssyncadd.s32 $0xFFFF8000  }
0x2b0: {  	v3 =	vld [tilespmem:$0x2A0];
	_ =	sdelay $0x4  }
0x2b1: {  	v26 =	vshll.u32 v3, $0x3  }
0x2b2: {  	v3 =	vand.u32 $0x7, v3;
	v4 =	vand.u32 $0xFFFFFFC0, v26  }
0x2b3: {  	v3 =	vor.u32 v3, v4  }
0x2b4: {  	v4 =	vperm.xlane v3, v0;
	_ =	sdelay $0x1  }
0x2b5: {  	v4 =	vadd.s32 v1, v4;
	_ =	sdelay $0x4  }
0x2b6: {  	[tilespmem:s13], [sflag:$0x2] =	stream.indirect_vreg.gather [hbm4b:s2+s3], $0x80, v4, vm0, $0xb8;
	[tilespmem:$0x18400] =	vst v63  }
0x2b7: {  	s15 =	simm.s32 $0x8C00;
	v3 =	vperm.xlane v3, v2  }
0x2b8: {  	[tilespmem:s15], [sflag:$0x2] =	stream.indirect_vreg.gather [hbm4b:s5+s3], $0x80, v4, vm0, $0xb8;
	[tilespmem:$0x18400] =	vst v63  }
0x2b9: {  	v3 =	vadd.s32 v1, v3  }
0x2ba: {  	[tilespmem:s8], [sflag:$0x2] =	stream.indirect_vreg.gather [hbm4b:s6+s3], $0x80, v4, vm0, $0xb8;
	[tilespmem:$0x18400] =	vst v63  }
0x2bb: {  	_ = 	snop  }
0x2bc: {  	[tilespmem:s26], [sflag:$0x2] =	stream.indirect_vreg.gather [hbm4b:s7+s3], $0x80, v4, vm0, $0xb8;
	[tilespmem:$0x18400] =	vst v63  }
0x2bd: {  	_ = 	snop  }
0x2be: {  	[tilespmem:s28], [sflag:$0x2] =	stream.indirect_vreg.gather [hbm4b:s2+s3], $0x80, v3, vm0, $0xb8;
	[tilespmem:$0x18400] =	vst v63  }
0x2bf: {  	_ = 	snop  }
0x2c0: {  	[tilespmem:s29], [sflag:$0x2] =	stream.indirect_vreg.gather [hbm4b:s5+s3], $0x80, v3, vm0, $0xb8;
	[tilespmem:$0x18400] =	vst v63  }
0x2c1: {  	_ = 	snop  }
0x2c2: {  	[tilespmem:s30], [sflag:$0x2] =	stream.indirect_vreg.gather [hbm4b:s6+s3], $0x80, v3, vm0, $0xb8;
	[tilespmem:$0x18400] =	vst v63  }
0x2c3: {  	s0 =	simm.s32 $0xBC00  }
0x2c4: {  	[tilespmem:s0], [sflag:$0x2] =	stream.indirect_vreg.gather [hbm4b:s7+s3], $0x80, v3, vm0, $0xb8;
	[tilespmem:$0x18400] =	vst v63  }
0x2c5: {  	v3 =	vld [tilespmem:$0x2B0];
	_ =	sdelay $0x4  }
0x2c6: {  	v27 =	vshll.u32 v3, $0x3  }
0x2c7: {  	v3 =	vand.u32 $0x7, v3;
	v4 =	vand.u32 $0xFFFFFFC0, v27  }
0x2c8: {  	v3 =	vor.u32 v3, v4  }
0x2c9: {  	v4 =	vperm.xlane v3, v0;
	_ =	sdelay $0x1  }
0x2ca: {  	v4 =	vadd.s32 v1, v4;
	_ =	sdelay $0x3  }
0x2cb: {  	s29 =	simm.s32 $0xC400  }
0x2cc: {  	[tilespmem:s29], [sflag:$0x2] =	stream.indirect_vreg.gather [hbm4b:s2+s3], $0x80, v4, vm0, $0xb8;
	[tilespmem:$0x18400] =	vst v63  }
0x2cd: {  	s16 =	simm.s32 $0xCC00;
	v3 =	vperm.xlane v3, v2  }
0x2ce: {  	[tilespmem:s16], [sflag:$0x2] =	stream.indirect_vreg.gather [hbm4b:s5+s3], $0x80, v4, vm0, $0xb8;
	[tilespmem:$0x18400] =	vst v63  }
0x2cf: {  	v3 =	vadd.s32 v1, v3  }
0x2d0: {  	[tilespmem:s31], [sflag:$0x2] =	stream.indirect_vreg.gather [hbm4b:s6+s3], $0x80, v4, vm0, $0xb8;
	[tilespmem:$0x18400] =	vst v63  }
0x2d1: {  	s17 =	simm.s32 $0xDC00  }
0x2d2: {  	[tilespmem:s17], [sflag:$0x2] =	stream.indirect_vreg.gather [hbm4b:s7+s3], $0x80, v4, vm0, $0xb8;
	[tilespmem:$0x18400] =	vst v63  }
0x2d3: {  	s18 =	simm.s32 $0xE400  }
0x2d4: {  	[tilespmem:s18], [sflag:$0x2] =	stream.indirect_vreg.gather [hbm4b:s2+s3], $0x80, v3, vm0, $0xb8;
	[tilespmem:$0x18400] =	vst v63  }
0x2d5: {  	_ = 	snop  }
0x2d6: {  	[tilespmem:s4], [sflag:$0x2] =	stream.indirect_vreg.gather [hbm4b:s5+s3], $0x80, v3, vm0, $0xb8;
	[tilespmem:$0x18400] =	vst v63  }
0x2d7: {  	_ = 	snop  }
0x2d8: {  	[tilespmem:s14], [sflag:$0x2] =	stream.indirect_vreg.gather [hbm4b:s6+s3], $0x80, v3, vm0, $0xb8;
	[tilespmem:$0x18400] =	vst v63  }
0x2d9: {  	s25 =	simm.s32 $0xFC00  }
0x2da: {  	[tilespmem:s25], [sflag:$0x2] =	stream.indirect_vreg.gather [hbm4b:s7+s3], $0x80, v3, vm0, $0xb8;
	[tilespmem:$0x18400] =	vst v63  }
0x2db: {  	_ =	swait.ge [sflag:s23], $0x8000  }
0x2dc: {  	[sflag:s23] =	ssyncset.done $0x0  }
0x2dd: {  	s28 =	simm.s32 $0x10400;
	s26 =	rddreg [dreg:$0xf];
	[sflag:s23] =	ssyncadd.s32 $0xFFFF8000  }
0x2de: {  	[hbm4b:s26+s3] =	stream.linear.scatter [tilespmem:s28], [sflag:$0x6], $0x8000, $0x38;
	[tilespmem:$0x18400] =	vst v63  }
0x2df: {  	_ =	swait.ge [sflag:s24], $0x8000  }
0x2e0: {  	[sflag:s24] =	ssyncset.done $0x0  }
0x2e1: {  	[sflag:s24] =	ssyncadd.s32 $0xFFFF8000  }
0x2e2: {  	v3 =	vld [tilespmem:$0x2C0];
	_ =	sdelay $0x4  }
0x2e3: {  	v28 =	vshll.u32 v3, $0x3  }
0x2e4: {  	v3 =	vand.u32 $0x7, v3;
	v4 =	vand.u32 $0xFFFFFFC0, v28  }
0x2e5: {  	v3 =	vor.u32 v3, v4  }
0x2e6: {  	v4 =	vperm.xlane v3, v0;
	_ =	sdelay $0x1  }
0x2e7: {  	v4 =	vadd.s32 v1, v4;
	_ =	sdelay $0x4  }
0x2e8: {  	[tilespmem:s28], [sflag:$0x3] =	stream.indirect_vreg.gather [hbm4b:s2+s3], $0x80, v4, vm0, $0xb8;
	[tilespmem:$0x18400] =	vst v63  }
0x2e9: {  	s30 =	simm.s32 $0x10C00;
	v3 =	vperm.xlane v3, v2  }
0x2ea: {  	[tilespmem:s30], [sflag:$0x3] =	stream.indirect_vreg.gather [hbm4b:s5+s3], $0x80, v4, vm0, $0xb8;
	[tilespmem:$0x18400] =	vst v63  }
0x2eb: {  	s1 =	simm.s32 $0x11400;
	v3 =	vadd.s32 v1, v3  }
0x2ec: {  	[tilespmem:s1], [sflag:$0x3] =	stream.indirect_vreg.gather [hbm4b:s6+s3], $0x80, v4, vm0, $0xb8;
	[tilespmem:$0x18400] =	vst v63  }
0x2ed: {  	s4 =	simm.s32 $0x11C00  }
0x2ee: {  	[tilespmem:s4], [sflag:$0x3] =	stream.indirect_vreg.gather [hbm4b:s7+s3], $0x80, v4, vm0, $0xb8;
	[tilespmem:$0x18400] =	vst v63  }
0x2ef: {  	s8 =	simm.s32 $0x12400  }
0x2f0: {  	[tilespmem:s8], [sflag:$0x3] =	stream.indirect_vreg.gather [hbm4b:s2+s3], $0x80, v3, vm0, $0xb8;
	[tilespmem:$0x18400] =	vst v63  }
0x2f1: {  	s9 =	simm.s32 $0x12C00  }
0x2f2: {  	[tilespmem:s9], [sflag:$0x3] =	stream.indirect_vreg.gather [hbm4b:s5+s3], $0x80, v3, vm0, $0xb8;
	[tilespmem:$0x18400] =	vst v63  }
0x2f3: {  	s10 =	simm.s32 $0x13400  }
0x2f4: {  	[tilespmem:s10], [sflag:$0x3] =	stream.indirect_vreg.gather [hbm4b:s6+s3], $0x80, v3, vm0, $0xb8;
	[tilespmem:$0x18400] =	vst v63  }
0x2f5: {  	s16 =	simm.s32 $0x13C00  }
0x2f6: {  	[tilespmem:s16], [sflag:$0x3] =	stream.indirect_vreg.gather [hbm4b:s7+s3], $0x80, v3, vm0, $0xb8;
	[tilespmem:$0x18400] =	vst v63  }
0x2f7: {  	v3 =	vld [tilespmem:$0x2D0];
	_ =	sdelay $0x4  }
0x2f8: {  	v29 =	vshll.u32 v3, $0x3  }
0x2f9: {  	v3 =	vand.u32 $0x7, v3;
	v4 =	vand.u32 $0xFFFFFFC0, v29  }
0x2fa: {  	v3 =	vor.u32 v3, v4  }
0x2fb: {  	v4 =	vperm.xlane v3, v0;
	_ =	sdelay $0x1  }
0x2fc: {  	v4 =	vadd.s32 v1, v4;
	_ =	sdelay $0x3  }
0x2fd: {  	s17 =	simm.s32 $0x14400  }
0x2fe: {  	[tilespmem:s17], [sflag:$0x3] =	stream.indirect_vreg.gather [hbm4b:s2+s3], $0x80, v4, vm0, $0xb8;
	[tilespmem:$0x18400] =	vst v63  }
0x2ff: {  	s18 =	simm.s32 $0x14C00;
	v3 =	vperm.xlane v3, v2  }
0x300: {  	[tilespmem:s18], [sflag:$0x3] =	stream.indirect_vreg.gather [hbm4b:s5+s3], $0x80, v4, vm0, $0xb8;
	[tilespmem:$0x18400] =	vst v63  }
0x301: {  	s11 =	simm.s32 $0x15400;
	v3 =	vadd.s32 v1, v3  }
0x302: {  	[tilespmem:s11], [sflag:$0x3] =	stream.indirect_vreg.gather [hbm4b:s6+s3], $0x80, v4, vm0, $0xb8;
	[tilespmem:$0x18400] =	vst v63  }
0x303: {  	s12 =	simm.s32 $0x15C00  }
0x304: {  	[tilespmem:s12], [sflag:$0x3] =	stream.indirect_vreg.gather [hbm4b:s7+s3], $0x80, v4, vm0, $0xb8;
	[tilespmem:$0x18400] =	vst v63  }
0x305: {  	s13 =	simm.s32 $0x16400  }
0x306: {  	[tilespmem:s13], [sflag:$0x3] =	stream.indirect_vreg.gather [hbm4b:s2+s3], $0x80, v3, vm0, $0xb8;
	[tilespmem:$0x18400] =	vst v63  }
0x307: {  	s14 =	simm.s32 $0x16C00  }
0x308: {  	[tilespmem:s14], [sflag:$0x3] =	stream.indirect_vreg.gather [hbm4b:s5+s3], $0x80, v3, vm0, $0xb8;
	[tilespmem:$0x18400] =	vst v63  }
0x309: {  	s15 =	simm.s32 $0x17400  }
0x30a: {  	[tilespmem:s15], [sflag:$0x3] =	stream.indirect_vreg.gather [hbm4b:s6+s3], $0x80, v3, vm0, $0xb8;
	[tilespmem:$0x18400] =	vst v63  }
0x30b: {  	s26 =	simm.s32 $0x17C00  }
0x30c: {  	[tilespmem:s26], [sflag:$0x3] =	stream.indirect_vreg.gather [hbm4b:s7+s3], $0x80, v3, vm0, $0xb8;
	[tilespmem:$0x18400] =	vst v63  }
0x30d: {  	_ =	swait.ge [sflag:s19], $0x8000  }
0x30e: {  	[sflag:s19] =	ssyncset.done $0x0  }
0x30f: {  	s30 =	simm.s32 $0x400;
	s31 =	rddreg [dreg:$0x10];
	[sflag:s19] =	ssyncadd.s32 $0xFFFF8000  }
0x310: {  	[hbm4b:s31+s3] =	stream.linear.scatter [tilespmem:s30], [sflag:$0x4], $0x8000, $0x38;
	[tilespmem:$0x18400] =	vst v63  }
0x311: {  	_ =	swait.ge [sflag:s20], $0x8000  }
0x312: {  	[sflag:s20] =	ssyncset.done $0x0  }
0x313: {  	[sflag:s20] =	ssyncadd.s32 $0xFFFF8000  }
0x314: {  	v3 =	vld [tilespmem:$0x2E0];
	_ =	sdelay $0x4  }
0x315: {  	v30 =	vshll.u32 v3, $0x3  }
0x316: {  	v3 =	vand.u32 $0x7, v3;
	v4 =	vand.u32 $0xFFFFFFC0, v30  }
0x317: {  	v3 =	vor.u32 v3, v4  }
0x318: {  	v4 =	vperm.xlane v3, v0;
	_ =	sdelay $0x1  }
0x319: {  	v4 =	vadd.s32 v1, v4;
	_ =	sdelay $0x4  }
0x31a: {  	[tilespmem:s30], [sflag:$0x1] =	stream.indirect_vreg.gather [hbm4b:s2+s3], $0x80, v4, vm0, $0xb8;
	[tilespmem:$0x18400] =	vst v63  }
0x31b: {  	s31 =	simm.s32 $0xC00;
	v3 =	vperm.xlane v3, v2  }
0x31c: {  	[tilespmem:s31], [sflag:$0x1] =	stream.indirect_vreg.gather [hbm4b:s5+s3], $0x80, v4, vm0, $0xb8;
	[tilespmem:$0x18400] =	vst v63  }
0x31d: {  	s28 =	simm.s32 $0x1400;
	v3 =	vadd.s32 v1, v3  }
0x31e: {  	[tilespmem:s28], [sflag:$0x1] =	stream.indirect_vreg.gather [hbm4b:s6+s3], $0x80, v4, vm0, $0xb8;
	[tilespmem:$0x18400] =	vst v63  }
0x31f: {  	s30 =	simm.s32 $0x1C00  }
0x320: {  	[tilespmem:s30], [sflag:$0x1] =	stream.indirect_vreg.gather [hbm4b:s7+s3], $0x80, v4, vm0, $0xb8;
	[tilespmem:$0x18400] =	vst v63  }
0x321: {  	s31 =	simm.s32 $0x2400  }
0x322: {  	[tilespmem:s31], [sflag:$0x1] =	stream.indirect_vreg.gather [hbm4b:s2+s3], $0x80, v3, vm0, $0xb8;
	[tilespmem:$0x18400] =	vst v63  }
0x323: {  	s28 =	simm.s32 $0x2C00  }
0x324: {  	[tilespmem:s28], [sflag:$0x1] =	stream.indirect_vreg.gather [hbm4b:s5+s3], $0x80, v3, vm0, $0xb8;
	[tilespmem:$0x18400] =	vst v63  }
0x325: {  	s28 =	simm.s32 $0x3400  }
0x326: {  	[tilespmem:s28], [sflag:$0x1] =	stream.indirect_vreg.gather [hbm4b:s6+s3], $0x80, v3, vm0, $0xb8;
	[tilespmem:$0x18400] =	vst v63  }
0x327: {  	s30 =	simm.s32 $0x3C00  }
0x328: {  	[tilespmem:s30], [sflag:$0x1] =	stream.indirect_vreg.gather [hbm4b:s7+s3], $0x80, v3, vm0, $0xb8;
	[tilespmem:$0x18400] =	vst v63  }
0x329: {  	v3 =	vld [tilespmem:$0x2F0];
	_ =	sdelay $0x4  }
0x32a: {  	v31 =	vshll.u32 v3, $0x3  }
0x32b: {  	v3 =	vand.u32 $0x7, v3;
	v4 =	vand.u32 $0xFFFFFFC0, v31  }
0x32c: {  	v3 =	vor.u32 v3, v4  }
0x32d: {  	v4 =	vperm.xlane v3, v0;
	_ =	sdelay $0x1  }
0x32e: {  	v4 =	vadd.s32 v1, v4;
	_ =	sdelay $0x3  }
0x32f: {  	s31 =	simm.s32 $0x4400  }
0x330: {  	[tilespmem:s31], [sflag:$0x1] =	stream.indirect_vreg.gather [hbm4b:s2+s3], $0x80, v4, vm0, $0xb8;
	[tilespmem:$0x18400] =	vst v63  }
0x331: {  	s30 =	simm.s32 $0x4C00;
	v3 =	vperm.xlane v3, v2  }
0x332: {  	[tilespmem:s30], [sflag:$0x1] =	stream.indirect_vreg.gather [hbm4b:s5+s3], $0x80, v4, vm0, $0xb8;
	[tilespmem:$0x18400] =	vst v63  }
0x333: {  	v3 =	vadd.s32 v1, v3;
	s31 =	simm.s32 $0x5400  }
0x334: {  	[tilespmem:s31], [sflag:$0x1] =	stream.indirect_vreg.gather [hbm4b:s6+s3], $0x80, v4, vm0, $0xb8;
	[tilespmem:$0x18400] =	vst v63  }
0x335: {  	s30 =	simm.s32 $0x5C00  }
0x336: {  	[tilespmem:s30], [sflag:$0x1] =	stream.indirect_vreg.gather [hbm4b:s7+s3], $0x80, v4, vm0, $0xb8;
	[tilespmem:$0x18400] =	vst v63  }
0x337: {  	s31 =	simm.s32 $0x6400  }
0x338: {  	[tilespmem:s31], [sflag:$0x1] =	stream.indirect_vreg.gather [hbm4b:s2+s3], $0x80, v3, vm0, $0xb8;
	[tilespmem:$0x18400] =	vst v63  }
0x339: {  	s30 =	simm.s32 $0x6C00  }
0x33a: {  	[tilespmem:s30], [sflag:$0x1] =	stream.indirect_vreg.gather [hbm4b:s5+s3], $0x80, v3, vm0, $0xb8;
	[tilespmem:$0x18400] =	vst v63  }
0x33b: {  	s31 =	simm.s32 $0x7400  }
0x33c: {  	[tilespmem:s31], [sflag:$0x1] =	stream.indirect_vreg.gather [hbm4b:s6+s3], $0x80, v3, vm0, $0xb8;
	[tilespmem:$0x18400] =	vst v63  }
0x33d: {  	s30 =	simm.s32 $0x7C00  }
0x33e: {  	[tilespmem:s30], [sflag:$0x1] =	stream.indirect_vreg.gather [hbm4b:s7+s3], $0x80, v3, vm0, $0xb8;
	[tilespmem:$0x18400] =	vst v63  }
0x33f: {  	_ =	swait.ge [sflag:s21], $0x8000  }
0x340: {  	[sflag:s21] =	ssyncset.done $0x0  }
0x341: {  	s31 =	simm.s32 $0x8400;
	s25 =	rddreg [dreg:$0x11];
	[sflag:s21] =	ssyncadd.s32 $0xFFFF8000  }
0x342: {  	[hbm4b:s25+s3] =	stream.linear.scatter [tilespmem:s31], [sflag:$0x5], $0x8000, $0x38;
	[tilespmem:$0x18400] =	vst v63  }
0x343: {  	_ =	swait.ge [sflag:s22], $0x8000  }
0x344: {  	[sflag:s22] =	ssyncset.done $0x0  }
0x345: {  	[sflag:s22] =	ssyncadd.s32 $0xFFFF8000  }
0x346: {  	v3 =	vld [tilespmem:$0x100];
	_ =	sdelay $0x4  }
0x347: {  	v32 =	vshll.u32 v3, $0x3  }
0x348: {  	v3 =	vand.u32 $0x7, v3;
	v4 =	vand.u32 $0xFFFFFFC0, v32  }
0x349: {  	v3 =	vor.u32 v3, v4  }
0x34a: {  	v4 =	vperm.xlane v3, v0;
	_ =	sdelay $0x1  }
0x34b: {  	v4 =	vadd.s32 v1, v4;
	_ =	sdelay $0x4  }
0x34c: {  	[tilespmem:s31], [sflag:$0x2] =	stream.indirect_vreg.gather [hbm4b:s2+s3], $0x80, v4, vm0, $0xb8;
	[tilespmem:$0x18400] =	vst v63  }
0x34d: {  	v3 =	vperm.xlane v3, v2;
	s31 =	simm.s32 $0x8C00  }
0x34e: {  	[tilespmem:s31], [sflag:$0x2] =	stream.indirect_vreg.gather [hbm4b:s5+s3], $0x80, v4, vm0, $0xb8;
	[tilespmem:$0x18400] =	vst v63  }
0x34f: {  	s30 =	simm.s32 $0x9400;
	v3 =	vadd.s32 v1, v3  }
0x350: {  	[tilespmem:s30], [sflag:$0x2] =	stream.indirect_vreg.gather [hbm4b:s6+s3], $0x80, v4, vm0, $0xb8;
	[tilespmem:$0x18400] =	vst v63  }
0x351: {  	s31 =	simm.s32 $0x9C00  }
0x352: {  	[tilespmem:s31], [sflag:$0x2] =	stream.indirect_vreg.gather [hbm4b:s7+s3], $0x80, v4, vm0, $0xb8;
	[tilespmem:$0x18400] =	vst v63  }
0x353: {  	s25 =	simm.s32 $0xA400  }
0x354: {  	[tilespmem:s25], [sflag:$0x2] =	stream.indirect_vreg.gather [hbm4b:s2+s3], $0x80, v3, vm0, $0xb8;
	[tilespmem:$0x18400] =	vst v63  }
0x355: {  	s25 =	simm.s32 $0xAC00  }
0x356: {  	[tilespmem:s25], [sflag:$0x2] =	stream.indirect_vreg.gather [hbm4b:s5+s3], $0x80, v3, vm0, $0xb8;
	[tilespmem:$0x18400] =	vst v63  }
0x357: {  	s25 =	simm.s32 $0xB400  }
0x358: {  	[tilespmem:s25], [sflag:$0x2] =	stream.indirect_vreg.gather [hbm4b:s6+s3], $0x80, v3, vm0, $0xb8;
	[tilespmem:$0x18400] =	vst v63  }
0x359: {  	_ = 	snop  }
0x35a: {  	[tilespmem:s0], [sflag:$0x2] =	stream.indirect_vreg.gather [hbm4b:s7+s3], $0x80, v3, vm0, $0xb8;
	[tilespmem:$0x18400] =	vst v63  }
0x35b: {  	v3 =	vld [tilespmem:$0x110];
	_ =	sdelay $0x4  }
0x35c: {  	v33 =	vshll.u32 v3, $0x3  }
0x35d: {  	v3 =	vand.u32 $0x7, v3;
	v4 =	vand.u32 $0xFFFFFFC0, v33  }
0x35e: {  	v3 =	vor.u32 v3, v4  }
0x35f: {  	v4 =	vperm.xlane v3, v0;
	_ =	sdelay $0x1  }
0x360: {  	v4 =	vadd.s32 v1, v4;
	_ =	sdelay $0x4  }
0x361: {  	[tilespmem:s29], [sflag:$0x2] =	stream.indirect_vreg.gather [hbm4b:s2+s3], $0x80, v4, vm0, $0xb8;
	[tilespmem:$0x18400] =	vst v63  }
0x362: {  	v3 =	vperm.xlane v3, v2;
	s29 =	simm.s32 $0xCC00  }
0x363: {  	[tilespmem:s29], [sflag:$0x2] =	stream.indirect_vreg.gather [hbm4b:s5+s3], $0x80, v4, vm0, $0xb8;
	[tilespmem:$0x18400] =	vst v63  }
0x364: {  	v3 =	vadd.s32 v1, v3;
	s29 =	simm.s32 $0xD400  }
0x365: {  	[tilespmem:s29], [sflag:$0x2] =	stream.indirect_vreg.gather [hbm4b:s6+s3], $0x80, v4, vm0, $0xb8;
	[tilespmem:$0x18400] =	vst v63  }
0x366: {  	s25 =	simm.s32 $0xDC00  }
0x367: {  	[tilespmem:s25], [sflag:$0x2] =	stream.indirect_vreg.gather [hbm4b:s7+s3], $0x80, v4, vm0, $0xb8;
	[tilespmem:$0x18400] =	vst v63  }
0x368: {  	s25 =	simm.s32 $0xE400  }
0x369: {  	[tilespmem:s25], [sflag:$0x2] =	stream.indirect_vreg.gather [hbm4b:s2+s3], $0x80, v3, vm0, $0xb8;
	[tilespmem:$0x18400] =	vst v63  }
0x36a: {  	s25 =	simm.s32 $0xEC00  }
0x36b: {  	[tilespmem:s25], [sflag:$0x2] =	stream.indirect_vreg.gather [hbm4b:s5+s3], $0x80, v3, vm0, $0xb8;
	[tilespmem:$0x18400] =	vst v63  }
0x36c: {  	s25 =	simm.s32 $0xF400  }
0x36d: {  	[tilespmem:s25], [sflag:$0x2] =	stream.indirect_vreg.gather [hbm4b:s6+s3], $0x80, v3, vm0, $0xb8;
	[tilespmem:$0x18400] =	vst v63  }
0x36e: {  	s25 =	simm.s32 $0xFC00  }
0x36f: {  	[tilespmem:s25], [sflag:$0x2] =	stream.indirect_vreg.gather [hbm4b:s7+s3], $0x80, v3, vm0, $0xb8;
	[tilespmem:$0x18400] =	vst v63  }
0x370: {  	_ =	swait.ge [sflag:s23], $0x8000  }
0x371: {  	[sflag:s23] =	ssyncset.done $0x0  }
0x372: {  	s0 =	simm.s32 $0x10400;
	s25 =	rddreg [dreg:$0x12];
	[sflag:s23] =	ssyncadd.s32 $0xFFFF8000  }
0x373: {  	[hbm4b:s25+s3] =	stream.linear.scatter [tilespmem:s0], [sflag:$0x6], $0x8000, $0x38;
	[tilespmem:$0x18400] =	vst v63  }
0x374: {  	_ =	swait.ge [sflag:s24], $0x8000  }
0x375: {  	[sflag:s24] =	ssyncset.done $0x0  }
0x376: {  	[sflag:s24] =	ssyncadd.s32 $0xFFFF8000  }
0x377: {  	v3 =	vld [tilespmem:$0x120];
	_ =	sdelay $0x4  }
0x378: {  	v34 =	vshll.u32 v3, $0x3  }
0x379: {  	v3 =	vand.u32 $0x7, v3;
	v4 =	vand.u32 $0xFFFFFFC0, v34  }
0x37a: {  	v3 =	vor.u32 v3, v4  }
0x37b: {  	v4 =	vperm.xlane v3, v0;
	_ =	sdelay $0x1  }
0x37c: {  	v4 =	vadd.s32 v1, v4;
	_ =	sdelay $0x4  }
0x37d: {  	[tilespmem:s0], [sflag:$0x3] =	stream.indirect_vreg.gather [hbm4b:s2+s3], $0x80, v4, vm0, $0xb8;
	[tilespmem:$0x18400] =	vst v63  }
0x37e: {  	s25 =	simm.s32 $0x10C00;
	v3 =	vperm.xlane v3, v2  }
0x37f: {  	[tilespmem:s25], [sflag:$0x3] =	stream.indirect_vreg.gather [hbm4b:s5+s3], $0x80, v4, vm0, $0xb8;
	[tilespmem:$0x18400] =	vst v63  }
0x380: {  	v3 =	vadd.s32 v1, v3  }
0x381: {  	[tilespmem:s1], [sflag:$0x3] =	stream.indirect_vreg.gather [hbm4b:s6+s3], $0x80, v4, vm0, $0xb8;
	[tilespmem:$0x18400] =	vst v63  }
0x382: {  	_ = 	snop  }
0x383: {  	[tilespmem:s4], [sflag:$0x3] =	stream.indirect_vreg.gather [hbm4b:s7+s3], $0x80, v4, vm0, $0xb8;
	[tilespmem:$0x18400] =	vst v63  }
0x384: {  	_ = 	snop  }
0x385: {  	[tilespmem:s8], [sflag:$0x3] =	stream.indirect_vreg.gather [hbm4b:s2+s3], $0x80, v3, vm0, $0xb8;
	[tilespmem:$0x18400] =	vst v63  }
0x386: {  	_ = 	snop  }
0x387: {  	[tilespmem:s9], [sflag:$0x3] =	stream.indirect_vreg.gather [hbm4b:s5+s3], $0x80, v3, vm0, $0xb8;
	[tilespmem:$0x18400] =	vst v63  }
0x388: {  	_ = 	snop  }
0x389: {  	[tilespmem:s10], [sflag:$0x3] =	stream.indirect_vreg.gather [hbm4b:s6+s3], $0x80, v3, vm0, $0xb8;
	[tilespmem:$0x18400] =	vst v63  }
0x38a: {  	_ = 	snop  }
0x38b: {  	[tilespmem:s16], [sflag:$0x3] =	stream.indirect_vreg.gather [hbm4b:s7+s3], $0x80, v3, vm0, $0xb8;
	[tilespmem:$0x18400] =	vst v63  }
0x38c: {  	v3 =	vld [tilespmem:$0x130];
	_ =	sdelay $0x4  }
0x38d: {  	v35 =	vshll.u32 v3, $0x3  }
0x38e: {  	v3 =	vand.u32 $0x7, v3;
	v4 =	vand.u32 $0xFFFFFFC0, v35  }
0x38f: {  	v3 =	vor.u32 v3, v4  }
0x390: {  	v4 =	vperm.xlane v3, v0;
	_ =	sdelay $0x1  }
0x391: {  	v4 =	vadd.s32 v1, v4;
	_ =	sdelay $0x4  }
0x392: {  	[tilespmem:s17], [sflag:$0x3] =	stream.indirect_vreg.gather [hbm4b:s2+s3], $0x80, v4, vm0, $0xb8;
	[tilespmem:$0x18400] =	vst v63  }
0x393: {  	v3 =	vperm.xlane v3, v2  }
0x394: {  	[tilespmem:s18], [sflag:$0x3] =	stream.indirect_vreg.gather [hbm4b:s5+s3], $0x80, v4, vm0, $0xb8;
	[tilespmem:$0x18400] =	vst v63  }
0x395: {  	v3 =	vadd.s32 v1, v3  }
0x396: {  	[tilespmem:s11], [sflag:$0x3] =	stream.indirect_vreg.gather [hbm4b:s6+s3], $0x80, v4, vm0, $0xb8;
	[tilespmem:$0x18400] =	vst v63  }
0x397: {  	_ = 	snop  }
0x398: {  	[tilespmem:s12], [sflag:$0x3] =	stream.indirect_vreg.gather [hbm4b:s7+s3], $0x80, v4, vm0, $0xb8;
	[tilespmem:$0x18400] =	vst v63  }
0x399: {  	_ = 	snop  }
0x39a: {  	[tilespmem:s13], [sflag:$0x3] =	stream.indirect_vreg.gather [hbm4b:s2+s3], $0x80, v3, vm0, $0xb8;
	[tilespmem:$0x18400] =	vst v63  }
0x39b: {  	_ = 	snop  }
0x39c: {  	[tilespmem:s14], [sflag:$0x3] =	stream.indirect_vreg.gather [hbm4b:s5+s3], $0x80, v3, vm0, $0xb8;
	[tilespmem:$0x18400] =	vst v63  }
0x39d: {  	_ = 	snop  }
0x39e: {  	[tilespmem:s15], [sflag:$0x3] =	stream.indirect_vreg.gather [hbm4b:s6+s3], $0x80, v3, vm0, $0xb8;
	[tilespmem:$0x18400] =	vst v63  }
0x39f: {  	_ = 	snop  }
0x3a0: {  	[tilespmem:s26], [sflag:$0x3] =	stream.indirect_vreg.gather [hbm4b:s7+s3], $0x80, v3, vm0, $0xb8;
	[tilespmem:$0x18400] =	vst v63  }
0x3a1: {  	_ =	swait.ge [sflag:s19], $0x8000  }
0x3a2: {  	[sflag:s19] =	ssyncset.done $0x0  }
0x3a3: {  	s18 =	simm.s32 $0x400;
	s17 =	rddreg [dreg:$0x13];
	[sflag:s19] =	ssyncadd.s32 $0xFFFF8000  }
0x3a4: {  	[hbm4b:s17+s3] =	stream.linear.scatter [tilespmem:s18], [sflag:$0x4], $0x8000, $0x38;
	[tilespmem:$0x18400] =	vst v63  }
0x3a5: {  	_ =	swait.ge [sflag:s20], $0x8000  }
0x3a6: {  	[sflag:s20] =	ssyncset.done $0x0  }
0x3a7: {  	[sflag:s20] =	ssyncadd.s32 $0xFFFF8000  }
0x3a8: {  	v3 =	vld [tilespmem:$0x140];
	_ =	sdelay $0x4  }
0x3a9: {  	v36 =	vshll.u32 v3, $0x3  }
0x3aa: {  	v3 =	vand.u32 $0x7, v3;
	v4 =	vand.u32 $0xFFFFFFC0, v36  }
0x3ab: {  	v3 =	vor.u32 v3, v4  }
0x3ac: {  	v4 =	vperm.xlane v3, v0;
	_ =	sdelay $0x1  }
0x3ad: {  	v4 =	vadd.s32 v1, v4;
	_ =	sdelay $0x4  }
0x3ae: {  	[tilespmem:s18], [sflag:$0x1] =	stream.indirect_vreg.gather [hbm4b:s2+s3], $0x80, v4, vm0, $0xb8;
	[tilespmem:$0x18400] =	vst v63  }
0x3af: {  	s15 =	simm.s32 $0xC00;
	v3 =	vperm.xlane v3, v2  }
0x3b0: {  	[tilespmem:s15], [sflag:$0x1] =	stream.indirect_vreg.gather [hbm4b:s5+s3], $0x80, v4, vm0, $0xb8;
	[tilespmem:$0x18400] =	vst v63  }
0x3b1: {  	s14 =	simm.s32 $0x1400;
	v3 =	vadd.s32 v1, v3  }
0x3b2: {  	[tilespmem:s14], [sflag:$0x1] =	stream.indirect_vreg.gather [hbm4b:s6+s3], $0x80, v4, vm0, $0xb8;
	[tilespmem:$0x18400] =	vst v63  }
0x3b3: {  	s8 =	simm.s32 $0x1C00  }
0x3b4: {  	[tilespmem:s8], [sflag:$0x1] =	stream.indirect_vreg.gather [hbm4b:s7+s3], $0x80, v4, vm0, $0xb8;
	[tilespmem:$0x18400] =	vst v63  }
0x3b5: {  	s1 =	simm.s32 $0x2400  }
0x3b6: {  	[tilespmem:s1], [sflag:$0x1] =	stream.indirect_vreg.gather [hbm4b:s2+s3], $0x80, v3, vm0, $0xb8;
	[tilespmem:$0x18400] =	vst v63  }
0x3b7: {  	s4 =	simm.s32 $0x2C00  }
0x3b8: {  	[tilespmem:s4], [sflag:$0x1] =	stream.indirect_vreg.gather [hbm4b:s5+s3], $0x80, v3, vm0, $0xb8;
	[tilespmem:$0x18400] =	vst v63  }
0x3b9: {  	_ = 	snop  }
0x3ba: {  	[tilespmem:s28], [sflag:$0x1] =	stream.indirect_vreg.gather [hbm4b:s6+s3], $0x80, v3, vm0, $0xb8;
	[tilespmem:$0x18400] =	vst v63  }
0x3bb: {  	s16 =	simm.s32 $0x3C00  }
0x3bc: {  	[tilespmem:s16], [sflag:$0x1] =	stream.indirect_vreg.gather [hbm4b:s7+s3], $0x80, v3, vm0, $0xb8;
	[tilespmem:$0x18400] =	vst v63  }
0x3bd: {  	v3 =	vld [tilespmem:$0x150];
	_ =	sdelay $0x4  }
0x3be: {  	v37 =	vshll.u32 v3, $0x3  }
0x3bf: {  	v3 =	vand.u32 $0x7, v3;
	v4 =	vand.u32 $0xFFFFFFC0, v37  }
0x3c0: {  	v3 =	vor.u32 v3, v4  }
0x3c1: {  	v4 =	vperm.xlane v3, v0;
	_ =	sdelay $0x1  }
0x3c2: {  	v4 =	vadd.s32 v1, v4;
	_ =	sdelay $0x3  }
0x3c3: {  	s17 =	simm.s32 $0x4400  }
0x3c4: {  	[tilespmem:s17], [sflag:$0x1] =	stream.indirect_vreg.gather [hbm4b:s2+s3], $0x80, v4, vm0, $0xb8;
	[tilespmem:$0x18400] =	vst v63  }
0x3c5: {  	s18 =	simm.s32 $0x4C00;
	v3 =	vperm.xlane v3, v2  }
0x3c6: {  	[tilespmem:s18], [sflag:$0x1] =	stream.indirect_vreg.gather [hbm4b:s5+s3], $0x80, v4, vm0, $0xb8;
	[tilespmem:$0x18400] =	vst v63  }
0x3c7: {  	s25 =	simm.s32 $0x5400;
	v3 =	vadd.s32 v1, v3  }
0x3c8: {  	[tilespmem:s25], [sflag:$0x1] =	stream.indirect_vreg.gather [hbm4b:s6+s3], $0x80, v4, vm0, $0xb8;
	[tilespmem:$0x18400] =	vst v63  }
0x3c9: {  	s9 =	simm.s32 $0x5C00  }
0x3ca: {  	[tilespmem:s9], [sflag:$0x1] =	stream.indirect_vreg.gather [hbm4b:s7+s3], $0x80, v4, vm0, $0xb8;
	[tilespmem:$0x18400] =	vst v63  }
0x3cb: {  	s10 =	simm.s32 $0x6400  }
0x3cc: {  	[tilespmem:s10], [sflag:$0x1] =	stream.indirect_vreg.gather [hbm4b:s2+s3], $0x80, v3, vm0, $0xb8;
	[tilespmem:$0x18400] =	vst v63  }
0x3cd: {  	s11 =	simm.s32 $0x6C00  }
0x3ce: {  	[tilespmem:s11], [sflag:$0x1] =	stream.indirect_vreg.gather [hbm4b:s5+s3], $0x80, v3, vm0, $0xb8;
	[tilespmem:$0x18400] =	vst v63  }
0x3cf: {  	s12 =	simm.s32 $0x7400  }
0x3d0: {  	[tilespmem:s12], [sflag:$0x1] =	stream.indirect_vreg.gather [hbm4b:s6+s3], $0x80, v3, vm0, $0xb8;
	[tilespmem:$0x18400] =	vst v63  }
0x3d1: {  	s13 =	simm.s32 $0x7C00  }
0x3d2: {  	[tilespmem:s13], [sflag:$0x1] =	stream.indirect_vreg.gather [hbm4b:s7+s3], $0x80, v3, vm0, $0xb8;
	[tilespmem:$0x18400] =	vst v63  }
0x3d3: {  	_ =	swait.ge [sflag:s21], $0x8000  }
0x3d4: {  	[sflag:s21] =	ssyncset.done $0x0  }
0x3d5: {  	s28 =	simm.s32 $0x8400;
	s26 =	rddreg [dreg:$0x14];
	[sflag:s21] =	ssyncadd.s32 $0xFFFF8000  }
0x3d6: {  	[hbm4b:s26+s3] =	stream.linear.scatter [tilespmem:s28], [sflag:$0x5], $0x8000, $0x38;
	[tilespmem:$0x18400] =	vst v63  }
0x3d7: {  	_ =	swait.ge [sflag:s22], $0x8000  }
0x3d8: {  	[sflag:s22] =	ssyncset.done $0x0  }
0x3d9: {  	[sflag:s22] =	ssyncadd.s32 $0xFFFF8000  }
0x3da: {  	v3 =	vld [tilespmem:$0x160];
	_ =	sdelay $0x4  }
0x3db: {  	v38 =	vshll.u32 v3, $0x3  }
0x3dc: {  	v3 =	vand.u32 $0x7, v3;
	v4 =	vand.u32 $0xFFFFFFC0, v38  }
0x3dd: {  	v3 =	vor.u32 v3, v4  }
0x3de: {  	v4 =	vperm.xlane v3, v0;
	_ =	sdelay $0x1  }
0x3df: {  	v4 =	vadd.s32 v1, v4;
	_ =	sdelay $0x4  }
0x3e0: {  	[tilespmem:s28], [sflag:$0x2] =	stream.indirect_vreg.gather [hbm4b:s2+s3], $0x80, v4, vm0, $0xb8;
	[tilespmem:$0x18400] =	vst v63  }
0x3e1: {  	v3 =	vperm.xlane v3, v2;
	s28 =	simm.s32 $0x8C00  }
0x3e2: {  	[tilespmem:s28], [sflag:$0x2] =	stream.indirect_vreg.gather [hbm4b:s5+s3], $0x80, v4, vm0, $0xb8;
	[tilespmem:$0x18400] =	vst v63  }
0x3e3: {  	v3 =	vadd.s32 v1, v3  }
0x3e4: {  	[tilespmem:s30], [sflag:$0x2] =	stream.indirect_vreg.gather [hbm4b:s6+s3], $0x80, v4, vm0, $0xb8;
	[tilespmem:$0x18400] =	vst v63  }
0x3e5: {  	_ = 	snop  }
0x3e6: {  	[tilespmem:s31], [sflag:$0x2] =	stream.indirect_vreg.gather [hbm4b:s7+s3], $0x80, v4, vm0, $0xb8;
	[tilespmem:$0x18400] =	vst v63  }
0x3e7: {  	s30 =	simm.s32 $0xA400  }
0x3e8: {  	[tilespmem:s30], [sflag:$0x2] =	stream.indirect_vreg.gather [hbm4b:s2+s3], $0x80, v3, vm0, $0xb8;
	[tilespmem:$0x18400] =	vst v63  }
0x3e9: {  	s31 =	simm.s32 $0xAC00  }
0x3ea: {  	[tilespmem:s31], [sflag:$0x2] =	stream.indirect_vreg.gather [hbm4b:s5+s3], $0x80, v3, vm0, $0xb8;
	[tilespmem:$0x18400] =	vst v63  }
0x3eb: {  	s25 =	simm.s32 $0xB400  }
0x3ec: {  	[tilespmem:s25], [sflag:$0x2] =	stream.indirect_vreg.gather [hbm4b:s6+s3], $0x80, v3, vm0, $0xb8;
	[tilespmem:$0x18400] =	vst v63  }
0x3ed: {  	s0 =	simm.s32 $0xBC00  }
0x3ee: {  	[tilespmem:s0], [sflag:$0x2] =	stream.indirect_vreg.gather [hbm4b:s7+s3], $0x80, v3, vm0, $0xb8;
	[tilespmem:$0x18400] =	vst v63  }
0x3ef: {  	v3 =	vld [tilespmem:$0x170];
	_ =	sdelay $0x4  }
0x3f0: {  	v39 =	vshll.u32 v3, $0x3  }
0x3f1: {  	v3 =	vand.u32 $0x7, v3;
	v4 =	vand.u32 $0xFFFFFFC0, v39  }
0x3f2: {  	v3 =	vor.u32 v3, v4  }
0x3f3: {  	v4 =	vperm.xlane v3, v0;
	_ =	sdelay $0x1  }
0x3f4: {  	v4 =	vadd.s32 v1, v4;
	_ =	sdelay $0x3  }
0x3f5: {  	s30 =	simm.s32 $0xC400  }
0x3f6: {  	[tilespmem:s30], [sflag:$0x2] =	stream.indirect_vreg.gather [hbm4b:s2+s3], $0x80, v4, vm0, $0xb8;
	[tilespmem:$0x18400] =	vst v63  }
0x3f7: {  	s26 =	simm.s32 $0xCC00;
	v3 =	vperm.xlane v3, v2  }
0x3f8: {  	[tilespmem:s26], [sflag:$0x2] =	stream.indirect_vreg.gather [hbm4b:s5+s3], $0x80, v4, vm0, $0xb8;
	[tilespmem:$0x18400] =	vst v63  }
0x3f9: {  	v3 =	vadd.s32 v1, v3  }
0x3fa: {  	[tilespmem:s29], [sflag:$0x2] =	stream.indirect_vreg.gather [hbm4b:s6+s3], $0x80, v4, vm0, $0xb8;
	[tilespmem:$0x18400] =	vst v63  }
0x3fb: {  	s29 =	simm.s32 $0xDC00  }
0x3fc: {  	[tilespmem:s29], [sflag:$0x2] =	stream.indirect_vreg.gather [hbm4b:s7+s3], $0x80, v4, vm0, $0xb8;
	[tilespmem:$0x18400] =	vst v63  }
0x3fd: {  	s31 =	simm.s32 $0xE400  }
0x3fe: {  	[tilespmem:s31], [sflag:$0x2] =	stream.indirect_vreg.gather [hbm4b:s2+s3], $0x80, v3, vm0, $0xb8;
	[tilespmem:$0x18400] =	vst v63  }
0x3ff: {  	s26 =	simm.s32 $0xEC00  }
0x400: {  	[tilespmem:s26], [sflag:$0x2] =	stream.indirect_vreg.gather [hbm4b:s5+s3], $0x80, v3, vm0, $0xb8;
	[tilespmem:$0x18400] =	vst v63  }
0x401: {  	s29 =	simm.s32 $0xF400  }
0x402: {  	[tilespmem:s29], [sflag:$0x2] =	stream.indirect_vreg.gather [hbm4b:s6+s3], $0x80, v3, vm0, $0xb8;
	[tilespmem:$0x18400] =	vst v63  }
0x403: {  	s31 =	simm.s32 $0xFC00  }
0x404: {  	[tilespmem:s31], [sflag:$0x2] =	stream.indirect_vreg.gather [hbm4b:s7+s3], $0x80, v3, vm0, $0xb8;
	[tilespmem:$0x18400] =	vst v63  }
0x405: {  	_ =	swait.ge [sflag:s23], $0x8000  }
0x406: {  	[sflag:s23] =	ssyncset.done $0x0  }
0x407: {  	s29 =	simm.s32 $0x10400;
	s26 =	rddreg [dreg:$0x15];
	[sflag:s23] =	ssyncadd.s32 $0xFFFF8000  }
0x408: {  	[hbm4b:s26+s3] =	stream.linear.scatter [tilespmem:s29], [sflag:$0x6], $0x8000, $0x38;
	[tilespmem:$0x18400] =	vst v63  }
0x409: {  	_ =	swait.ge [sflag:s24], $0x8000  }
0x40a: {  	[sflag:s24] =	ssyncset.done $0x0  }
0x40b: {  	[sflag:s24] =	ssyncadd.s32 $0xFFFF8000  }
0x40c: {  	v3 =	vld [tilespmem:$0x300];
	_ =	sdelay $0x4  }
0x40d: {  	v40 =	vshll.u32 v3, $0x3  }
0x40e: {  	v3 =	vand.u32 $0x7, v3;
	v4 =	vand.u32 $0xFFFFFFC0, v40  }
0x40f: {  	v3 =	vor.u32 v3, v4  }
0x410: {  	v4 =	vperm.xlane v3, v0;
	_ =	sdelay $0x1  }
0x411: {  	v4 =	vadd.s32 v1, v4;
	_ =	sdelay $0x4  }
0x412: {  	[tilespmem:s29], [sflag:$0x3] =	stream.indirect_vreg.gather [hbm4b:s2+s3], $0x80, v4, vm0, $0xb8;
	[tilespmem:$0x18400] =	vst v63  }
0x413: {  	s26 =	simm.s32 $0x10C00;
	v3 =	vperm.xlane v3, v2  }
0x414: {  	[tilespmem:s26], [sflag:$0x3] =	stream.indirect_vreg.gather [hbm4b:s5+s3], $0x80, v4, vm0, $0xb8;
	[tilespmem:$0x18400] =	vst v63  }
0x415: {  	s31 =	simm.s32 $0x11400;
	v3 =	vadd.s32 v1, v3  }
0x416: {  	[tilespmem:s31], [sflag:$0x3] =	stream.indirect_vreg.gather [hbm4b:s6+s3], $0x80, v4, vm0, $0xb8;
	[tilespmem:$0x18400] =	vst v63  }
0x417: {  	s29 =	simm.s32 $0x11C00  }
0x418: {  	[tilespmem:s29], [sflag:$0x3] =	stream.indirect_vreg.gather [hbm4b:s7+s3], $0x80, v4, vm0, $0xb8;
	[tilespmem:$0x18400] =	vst v63  }
0x419: {  	s31 =	simm.s32 $0x12400  }
0x41a: {  	[tilespmem:s31], [sflag:$0x3] =	stream.indirect_vreg.gather [hbm4b:s2+s3], $0x80, v3, vm0, $0xb8;
	[tilespmem:$0x18400] =	vst v63  }
0x41b: {  	s29 =	simm.s32 $0x12C00  }
0x41c: {  	[tilespmem:s29], [sflag:$0x3] =	stream.indirect_vreg.gather [hbm4b:s5+s3], $0x80, v3, vm0, $0xb8;
	[tilespmem:$0x18400] =	vst v63  }
0x41d: {  	s31 =	simm.s32 $0x13400  }
0x41e: {  	[tilespmem:s31], [sflag:$0x3] =	stream.indirect_vreg.gather [hbm4b:s6+s3], $0x80, v3, vm0, $0xb8;
	[tilespmem:$0x18400] =	vst v63  }
0x41f: {  	s29 =	simm.s32 $0x13C00  }
0x420: {  	[tilespmem:s29], [sflag:$0x3] =	stream.indirect_vreg.gather [hbm4b:s7+s3], $0x80, v3, vm0, $0xb8;
	[tilespmem:$0x18400] =	vst v63  }
0x421: {  	v3 =	vld [tilespmem:$0x310];
	_ =	sdelay $0x4  }
0x422: {  	v41 =	vshll.u32 v3, $0x3  }
0x423: {  	v3 =	vand.u32 $0x7, v3;
	v4 =	vand.u32 $0xFFFFFFC0, v41  }
0x424: {  	v3 =	vor.u32 v3, v4  }
0x425: {  	v4 =	vperm.xlane v3, v0;
	_ =	sdelay $0x1  }
0x426: {  	v4 =	vadd.s32 v1, v4;
	_ =	sdelay $0x3  }
0x427: {  	s31 =	simm.s32 $0x14400  }
0x428: {  	[tilespmem:s31], [sflag:$0x3] =	stream.indirect_vreg.gather [hbm4b:s2+s3], $0x80, v4, vm0, $0xb8;
	[tilespmem:$0x18400] =	vst v63  }
0x429: {  	s29 =	simm.s32 $0x14C00;
	v3 =	vperm.xlane v3, v2  }
0x42a: {  	[tilespmem:s29], [sflag:$0x3] =	stream.indirect_vreg.gather [hbm4b:s5+s3], $0x80, v4, vm0, $0xb8;
	[tilespmem:$0x18400] =	vst v63  }
0x42b: {  	v3 =	vadd.s32 v1, v3;
	s31 =	simm.s32 $0x15400  }
0x42c: {  	[tilespmem:s31], [sflag:$0x3] =	stream.indirect_vreg.gather [hbm4b:s6+s3], $0x80, v4, vm0, $0xb8;
	[tilespmem:$0x18400] =	vst v63  }
0x42d: {  	s29 =	simm.s32 $0x15C00  }
0x42e: {  	[tilespmem:s29], [sflag:$0x3] =	stream.indirect_vreg.gather [hbm4b:s7+s3], $0x80, v4, vm0, $0xb8;
	[tilespmem:$0x18400] =	vst v63  }
0x42f: {  	s31 =	simm.s32 $0x16400  }
0x430: {  	[tilespmem:s31], [sflag:$0x3] =	stream.indirect_vreg.gather [hbm4b:s2+s3], $0x80, v3, vm0, $0xb8;
	[tilespmem:$0x18400] =	vst v63  }
0x431: {  	s29 =	simm.s32 $0x16C00  }
0x432: {  	[tilespmem:s29], [sflag:$0x3] =	stream.indirect_vreg.gather [hbm4b:s5+s3], $0x80, v3, vm0, $0xb8;
	[tilespmem:$0x18400] =	vst v63  }
0x433: {  	s31 =	simm.s32 $0x17400  }
0x434: {  	[tilespmem:s31], [sflag:$0x3] =	stream.indirect_vreg.gather [hbm4b:s6+s3], $0x80, v3, vm0, $0xb8;
	[tilespmem:$0x18400] =	vst v63  }
0x435: {  	s29 =	simm.s32 $0x17C00  }
0x436: {  	[tilespmem:s29], [sflag:$0x3] =	stream.indirect_vreg.gather [hbm4b:s7+s3], $0x80, v3, vm0, $0xb8;
	[tilespmem:$0x18400] =	vst v63  }
0x437: {  	_ =	swait.ge [sflag:s19], $0x8000  }
0x438: {  	[sflag:s19] =	ssyncset.done $0x0  }
0x439: {  	s31 =	simm.s32 $0x400;
	s25 =	rddreg [dreg:$0x16];
	[sflag:s19] =	ssyncadd.s32 $0xFFFF8000  }
0x43a: {  	[hbm4b:s25+s3] =	stream.linear.scatter [tilespmem:s31], [sflag:$0x4], $0x8000, $0x38;
	[tilespmem:$0x18400] =	vst v63  }
0x43b: {  	_ =	swait.ge [sflag:s20], $0x8000  }
0x43c: {  	[sflag:s20] =	ssyncset.done $0x0  }
0x43d: {  	[sflag:s20] =	ssyncadd.s32 $0xFFFF8000  }
0x43e: {  	v3 =	vld [tilespmem:$0x320];
	_ =	sdelay $0x4  }
0x43f: {  	v42 =	vshll.u32 v3, $0x3  }
0x440: {  	v3 =	vand.u32 $0x7, v3;
	v4 =	vand.u32 $0xFFFFFFC0, v42  }
0x441: {  	v3 =	vor.u32 v3, v4  }
0x442: {  	v4 =	vperm.xlane v3, v0;
	_ =	sdelay $0x1  }
0x443: {  	v4 =	vadd.s32 v1, v4;
	_ =	sdelay $0x4  }
0x444: {  	[tilespmem:s31], [sflag:$0x1] =	stream.indirect_vreg.gather [hbm4b:s2+s3], $0x80, v4, vm0, $0xb8;
	[tilespmem:$0x18400] =	vst v63  }
0x445: {  	v3 =	vperm.xlane v3, v2  }
0x446: {  	[tilespmem:s15], [sflag:$0x1] =	stream.indirect_vreg.gather [hbm4b:s5+s3], $0x80, v4, vm0, $0xb8;
	[tilespmem:$0x18400] =	vst v63  }
0x447: {  	v3 =	vadd.s32 v1, v3  }
0x448: {  	[tilespmem:s14], [sflag:$0x1] =	stream.indirect_vreg.gather [hbm4b:s6+s3], $0x80, v4, vm0, $0xb8;
	[tilespmem:$0x18400] =	vst v63  }
0x449: {  	_ = 	snop  }
0x44a: {  	[tilespmem:s8], [sflag:$0x1] =	stream.indirect_vreg.gather [hbm4b:s7+s3], $0x80, v4, vm0, $0xb8;
	[tilespmem:$0x18400] =	vst v63  }
0x44b: {  	_ = 	snop  }
0x44c: {  	[tilespmem:s1], [sflag:$0x1] =	stream.indirect_vreg.gather [hbm4b:s2+s3], $0x80, v3, vm0, $0xb8;
	[tilespmem:$0x18400] =	vst v63  }
0x44d: {  	_ = 	snop  }
0x44e: {  	[tilespmem:s4], [sflag:$0x1] =	stream.indirect_vreg.gather [hbm4b:s5+s3], $0x80, v3, vm0, $0xb8;
	[tilespmem:$0x18400] =	vst v63  }
0x44f: {  	s8 =	simm.s32 $0x3400  }
0x450: {  	[tilespmem:s8], [sflag:$0x1] =	stream.indirect_vreg.gather [hbm4b:s6+s3], $0x80, v3, vm0, $0xb8;
	[tilespmem:$0x18400] =	vst v63  }
0x451: {  	_ = 	snop  }
0x452: {  	[tilespmem:s16], [sflag:$0x1] =	stream.indirect_vreg.gather [hbm4b:s7+s3], $0x80, v3, vm0, $0xb8;
	[tilespmem:$0x18400] =	vst v63  }
0x453: {  	v3 =	vld [tilespmem:$0x330];
	_ =	sdelay $0x4  }
0x454: {  	v43 =	vshll.u32 v3, $0x3  }
0x455: {  	v3 =	vand.u32 $0x7, v3;
	v4 =	vand.u32 $0xFFFFFFC0, v43  }
0x456: {  	v3 =	vor.u32 v3, v4  }
0x457: {  	v4 =	vperm.xlane v3, v0;
	_ =	sdelay $0x1  }
0x458: {  	v4 =	vadd.s32 v1, v4;
	_ =	sdelay $0x4  }
0x459: {  	[tilespmem:s17], [sflag:$0x1] =	stream.indirect_vreg.gather [hbm4b:s2+s3], $0x80, v4, vm0, $0xb8;
	[tilespmem:$0x18400] =	vst v63  }
0x45a: {  	v3 =	vperm.xlane v3, v2  }
0x45b: {  	[tilespmem:s18], [sflag:$0x1] =	stream.indirect_vreg.gather [hbm4b:s5+s3], $0x80, v4, vm0, $0xb8;
	[tilespmem:$0x18400] =	vst v63  }
0x45c: {  	s16 =	simm.s32 $0x5400;
	v3 =	vadd.s32 v1, v3  }
0x45d: {  	[tilespmem:s16], [sflag:$0x1] =	stream.indirect_vreg.gather [hbm4b:s6+s3], $0x80, v4, vm0, $0xb8;
	[tilespmem:$0x18400] =	vst v63  }
0x45e: {  	_ = 	snop  }
0x45f: {  	[tilespmem:s9], [sflag:$0x1] =	stream.indirect_vreg.gather [hbm4b:s7+s3], $0x80, v4, vm0, $0xb8;
	[tilespmem:$0x18400] =	vst v63  }
0x460: {  	_ = 	snop  }
0x461: {  	[tilespmem:s10], [sflag:$0x1] =	stream.indirect_vreg.gather [hbm4b:s2+s3], $0x80, v3, vm0, $0xb8;
	[tilespmem:$0x18400] =	vst v63  }
0x462: {  	_ = 	snop  }
0x463: {  	[tilespmem:s11], [sflag:$0x1] =	stream.indirect_vreg.gather [hbm4b:s5+s3], $0x80, v3, vm0, $0xb8;
	[tilespmem:$0x18400] =	vst v63  }
0x464: {  	_ = 	snop  }
0x465: {  	[tilespmem:s12], [sflag:$0x1] =	stream.indirect_vreg.gather [hbm4b:s6+s3], $0x80, v3, vm0, $0xb8;
	[tilespmem:$0x18400] =	vst v63  }
0x466: {  	_ = 	snop  }
0x467: {  	[tilespmem:s13], [sflag:$0x1] =	stream.indirect_vreg.gather [hbm4b:s7+s3], $0x80, v3, vm0, $0xb8;
	[tilespmem:$0x18400] =	vst v63  }
0x468: {  	_ =	swait.ge [sflag:s21], $0x8000  }
0x469: {  	[sflag:s21] =	ssyncset.done $0x0  }
0x46a: {  	s18 =	simm.s32 $0x8400;
	s17 =	rddreg [dreg:$0x17];
	[sflag:s21] =	ssyncadd.s32 $0xFFFF8000  }
0x46b: {  	[hbm4b:s17+s3] =	stream.linear.scatter [tilespmem:s18], [sflag:$0x5], $0x8000, $0x38;
	[tilespmem:$0x18400] =	vst v63  }
0x46c: {  	_ =	swait.ge [sflag:s22], $0x8000  }
0x46d: {  	[sflag:s22] =	ssyncset.done $0x0  }
0x46e: {  	[sflag:s22] =	ssyncadd.s32 $0xFFFF8000  }
0x46f: {  	v3 =	vld [tilespmem:$0x340];
	_ =	sdelay $0x4  }
0x470: {  	v44 =	vshll.u32 v3, $0x3  }
0x471: {  	v3 =	vand.u32 $0x7, v3;
	v4 =	vand.u32 $0xFFFFFFC0, v44  }
0x472: {  	v3 =	vor.u32 v3, v4  }
0x473: {  	v4 =	vperm.xlane v3, v0;
	_ =	sdelay $0x1  }
0x474: {  	v4 =	vadd.s32 v1, v4;
	_ =	sdelay $0x4  }
0x475: {  	[tilespmem:s18], [sflag:$0x2] =	stream.indirect_vreg.gather [hbm4b:s2+s3], $0x80, v4, vm0, $0xb8;
	[tilespmem:$0x18400] =	vst v63  }
0x476: {  	v3 =	vperm.xlane v3, v2  }
0x477: {  	[tilespmem:s28], [sflag:$0x2] =	stream.indirect_vreg.gather [hbm4b:s5+s3], $0x80, v4, vm0, $0xb8;
	[tilespmem:$0x18400] =	vst v63  }
0x478: {  	v3 =	vadd.s32 v1, v3;
	s18 =	simm.s32 $0x9400  }
0x479: {  	[tilespmem:s18], [sflag:$0x2] =	stream.indirect_vreg.gather [hbm4b:s6+s3], $0x80, v4, vm0, $0xb8;
	[tilespmem:$0x18400] =	vst v63  }
0x47a: {  	s28 =	simm.s32 $0x9C00  }
0x47b: {  	[tilespmem:s28], [sflag:$0x2] =	stream.indirect_vreg.gather [hbm4b:s7+s3], $0x80, v4, vm0, $0xb8;
	[tilespmem:$0x18400] =	vst v63  }
0x47c: {  	s29 =	simm.s32 $0xA400  }
0x47d: {  	[tilespmem:s29], [sflag:$0x2] =	stream.indirect_vreg.gather [hbm4b:s2+s3], $0x80, v3, vm0, $0xb8;
	[tilespmem:$0x18400] =	vst v63  }
0x47e: {  	s31 =	simm.s32 $0xAC00  }
0x47f: {  	[tilespmem:s31], [sflag:$0x2] =	stream.indirect_vreg.gather [hbm4b:s5+s3], $0x80, v3, vm0, $0xb8;
	[tilespmem:$0x18400] =	vst v63  }
0x480: {  	s25 =	simm.s32 $0xB400  }
0x481: {  	[tilespmem:s25], [sflag:$0x2] =	stream.indirect_vreg.gather [hbm4b:s6+s3], $0x80, v3, vm0, $0xb8;
	[tilespmem:$0x18400] =	vst v63  }
0x482: {  	_ = 	snop  }
0x483: {  	[tilespmem:s0], [sflag:$0x2] =	stream.indirect_vreg.gather [hbm4b:s7+s3], $0x80, v3, vm0, $0xb8;
	[tilespmem:$0x18400] =	vst v63  }
0x484: {  	v3 =	vld [tilespmem:$0x350];
	_ =	sdelay $0x4  }
0x485: {  	v45 =	vshll.u32 v3, $0x3  }
0x486: {  	v3 =	vand.u32 $0x7, v3;
	v4 =	vand.u32 $0xFFFFFFC0, v45  }
0x487: {  	v3 =	vor.u32 v3, v4  }
0x488: {  	v4 =	vperm.xlane v3, v0;
	_ =	sdelay $0x1  }
0x489: {  	v4 =	vadd.s32 v1, v4;
	_ =	sdelay $0x4  }
0x48a: {  	[tilespmem:s30], [sflag:$0x2] =	stream.indirect_vreg.gather [hbm4b:s2+s3], $0x80, v4, vm0, $0xb8;
	[tilespmem:$0x18400] =	vst v63  }
0x48b: {  	s1 =	simm.s32 $0xCC00;
	v3 =	vperm.xlane v3, v2  }
0x48c: {  	[tilespmem:s1], [sflag:$0x2] =	stream.indirect_vreg.gather [hbm4b:s5+s3], $0x80, v4, vm0, $0xb8;
	[tilespmem:$0x18400] =	vst v63  }
0x48d: {  	s4 =	simm.s32 $0xD400;
	v3 =	vadd.s32 v1, v3  }
0x48e: {  	[tilespmem:s4], [sflag:$0x2] =	stream.indirect_vreg.gather [hbm4b:s6+s3], $0x80, v4, vm0, $0xb8;
	[tilespmem:$0x18400] =	vst v63  }
0x48f: {  	s9 =	simm.s32 $0xDC00  }
0x490: {  	[tilespmem:s9], [sflag:$0x2] =	stream.indirect_vreg.gather [hbm4b:s7+s3], $0x80, v4, vm0, $0xb8;
	[tilespmem:$0x18400] =	vst v63  }
0x491: {  	s10 =	simm.s32 $0xE400  }
0x492: {  	[tilespmem:s10], [sflag:$0x2] =	stream.indirect_vreg.gather [hbm4b:s2+s3], $0x80, v3, vm0, $0xb8;
	[tilespmem:$0x18400] =	vst v63  }
0x493: {  	s11 =	simm.s32 $0xEC00  }
0x494: {  	[tilespmem:s11], [sflag:$0x2] =	stream.indirect_vreg.gather [hbm4b:s5+s3], $0x80, v3, vm0, $0xb8;
	[tilespmem:$0x18400] =	vst v63  }
0x495: {  	s12 =	simm.s32 $0xF400  }
0x496: {  	[tilespmem:s12], [sflag:$0x2] =	stream.indirect_vreg.gather [hbm4b:s6+s3], $0x80, v3, vm0, $0xb8;
	[tilespmem:$0x18400] =	vst v63  }
0x497: {  	s13 =	simm.s32 $0xFC00  }
0x498: {  	[tilespmem:s13], [sflag:$0x2] =	stream.indirect_vreg.gather [hbm4b:s7+s3], $0x80, v3, vm0, $0xb8;
	[tilespmem:$0x18400] =	vst v63  }
0x499: {  	_ =	swait.ge [sflag:s23], $0x8000  }
0x49a: {  	[sflag:s23] =	ssyncset.done $0x0  }
0x49b: {  	s15 =	simm.s32 $0x10400;
	s14 =	rddreg [dreg:$0x18];
	[sflag:s23] =	ssyncadd.s32 $0xFFFF8000  }
0x49c: {  	[hbm4b:s14+s3] =	stream.linear.scatter [tilespmem:s15], [sflag:$0x6], $0x8000, $0x38;
	[tilespmem:$0x18400] =	vst v63  }
0x49d: {  	_ =	swait.ge [sflag:s24], $0x8000  }
0x49e: {  	[sflag:s24] =	ssyncset.done $0x0  }
0x49f: {  	[sflag:s24] =	ssyncadd.s32 $0xFFFF8000  }
0x4a0: {  	v3 =	vld [tilespmem:$0x360];
	_ =	sdelay $0x4  }
0x4a1: {  	v46 =	vshll.u32 v3, $0x3  }
0x4a2: {  	v3 =	vand.u32 $0x7, v3;
	v4 =	vand.u32 $0xFFFFFFC0, v46  }
0x4a3: {  	v3 =	vor.u32 v3, v4  }
0x4a4: {  	v4 =	vperm.xlane v3, v0;
	_ =	sdelay $0x1  }
0x4a5: {  	v4 =	vadd.s32 v1, v4;
	_ =	sdelay $0x4  }
0x4a6: {  	[tilespmem:s15], [sflag:$0x3] =	stream.indirect_vreg.gather [hbm4b:s2+s3], $0x80, v4, vm0, $0xb8;
	[tilespmem:$0x18400] =	vst v63  }
0x4a7: {  	v3 =	vperm.xlane v3, v2  }
0x4a8: {  	[tilespmem:s26], [sflag:$0x3] =	stream.indirect_vreg.gather [hbm4b:s5+s3], $0x80, v4, vm0, $0xb8;
	[tilespmem:$0x18400] =	vst v63  }
0x4a9: {  	v3 =	vadd.s32 v1, v3;
	s26 =	simm.s32 $0x11400  }
0x4aa: {  	[tilespmem:s26], [sflag:$0x3] =	stream.indirect_vreg.gather [hbm4b:s6+s3], $0x80, v4, vm0, $0xb8;
	[tilespmem:$0x18400] =	vst v63  }
0x4ab: {  	s30 =	simm.s32 $0x11C00  }
0x4ac: {  	[tilespmem:s30], [sflag:$0x3] =	stream.indirect_vreg.gather [hbm4b:s7+s3], $0x80, v4, vm0, $0xb8;
	[tilespmem:$0x18400] =	vst v63  }
0x4ad: {  	s16 =	simm.s32 $0x12400  }
0x4ae: {  	[tilespmem:s16], [sflag:$0x3] =	stream.indirect_vreg.gather [hbm4b:s2+s3], $0x80, v3, vm0, $0xb8;
	[tilespmem:$0x18400] =	vst v63  }
0x4af: {  	s17 =	simm.s32 $0x12C00  }
0x4b0: {  	[tilespmem:s17], [sflag:$0x3] =	stream.indirect_vreg.gather [hbm4b:s5+s3], $0x80, v3, vm0, $0xb8;
	[tilespmem:$0x18400] =	vst v63  }
0x4b1: {  	s17 =	simm.s32 $0x13400  }
0x4b2: {  	[tilespmem:s17], [sflag:$0x3] =	stream.indirect_vreg.gather [hbm4b:s6+s3], $0x80, v3, vm0, $0xb8;
	[tilespmem:$0x18400] =	vst v63  }
0x4b3: {  	s13 =	simm.s32 $0x13C00  }
0x4b4: {  	[tilespmem:s13], [sflag:$0x3] =	stream.indirect_vreg.gather [hbm4b:s7+s3], $0x80, v3, vm0, $0xb8;
	[tilespmem:$0x18400] =	vst v63  }
0x4b5: {  	v3 =	vld [tilespmem:$0x370];
	_ =	sdelay $0x4  }
0x4b6: {  	v47 =	vshll.u32 v3, $0x3  }
0x4b7: {  	v3 =	vand.u32 $0x7, v3;
	v4 =	vand.u32 $0xFFFFFFC0, v47  }
0x4b8: {  	v3 =	vor.u32 v3, v4  }
0x4b9: {  	v4 =	vperm.xlane v3, v0;
	_ =	sdelay $0x1  }
0x4ba: {  	v4 =	vadd.s32 v1, v4;
	_ =	sdelay $0x3  }
0x4bb: {  	s14 =	simm.s32 $0x14400  }
0x4bc: {  	[tilespmem:s14], [sflag:$0x3] =	stream.indirect_vreg.gather [hbm4b:s2+s3], $0x80, v4, vm0, $0xb8;
	[tilespmem:$0x18400] =	vst v63  }
0x4bd: {  	s15 =	simm.s32 $0x14C00;
	v3 =	vperm.xlane v3, v2  }
0x4be: {  	[tilespmem:s15], [sflag:$0x3] =	stream.indirect_vreg.gather [hbm4b:s5+s3], $0x80, v4, vm0, $0xb8;
	[tilespmem:$0x18400] =	vst v63  }
0x4bf: {  	s25 =	simm.s32 $0x15400;
	v3 =	vadd.s32 v1, v3  }
0x4c0: {  	[tilespmem:s25], [sflag:$0x3] =	stream.indirect_vreg.gather [hbm4b:s6+s3], $0x80, v4, vm0, $0xb8;
	[tilespmem:$0x18400] =	vst v63  }
0x4c1: {  	s9 =	simm.s32 $0x15C00  }
0x4c2: {  	[tilespmem:s9], [sflag:$0x3] =	stream.indirect_vreg.gather [hbm4b:s7+s3], $0x80, v4, vm0, $0xb8;
	[tilespmem:$0x18400] =	vst v63  }
0x4c3: {  	s10 =	simm.s32 $0x16400  }
0x4c4: {  	[tilespmem:s10], [sflag:$0x3] =	stream.indirect_vreg.gather [hbm4b:s2+s3], $0x80, v3, vm0, $0xb8;
	[tilespmem:$0x18400] =	vst v63  }
0x4c5: {  	s11 =	simm.s32 $0x16C00  }
0x4c6: {  	[tilespmem:s11], [sflag:$0x3] =	stream.indirect_vreg.gather [hbm4b:s5+s3], $0x80, v3, vm0, $0xb8;
	[tilespmem:$0x18400] =	vst v63  }
0x4c7: {  	s12 =	simm.s32 $0x17400  }
0x4c8: {  	[tilespmem:s12], [sflag:$0x3] =	stream.indirect_vreg.gather [hbm4b:s6+s3], $0x80, v3, vm0, $0xb8;
	[tilespmem:$0x18400] =	vst v63  }
0x4c9: {  	s16 =	simm.s32 $0x17C00  }
0x4ca: {  	[tilespmem:s16], [sflag:$0x3] =	stream.indirect_vreg.gather [hbm4b:s7+s3], $0x80, v3, vm0, $0xb8;
	[tilespmem:$0x18400] =	vst v63  }
0x4cb: {  	_ =	swait.ge [sflag:s19], $0x8000  }
0x4cc: {  	[sflag:s19] =	ssyncset.done $0x0  }
0x4cd: {  	s4 =	simm.s32 $0x400;
	s0 =	rddreg [dreg:$0x19];
	[sflag:s19] =	ssyncadd.s32 $0xFFFF8000  }
0x4ce: {  	[hbm4b:s0+s3] =	stream.linear.scatter [tilespmem:s4], [sflag:$0x4], $0x8000, $0x38;
	[tilespmem:$0x18400] =	vst v63  }
0x4cf: {  	_ =	swait.ge [sflag:s20], $0x8000  }
0x4d0: {  	[sflag:s20] =	ssyncset.done $0x0  }
0x4d1: {  	[sflag:s20] =	ssyncadd.s32 $0xFFFF8000  }
0x4d2: {  	v3 =	vld [tilespmem:$0x180];
	_ =	sdelay $0x4  }
0x4d3: {  	v48 =	vshll.u32 v3, $0x3  }
0x4d4: {  	v3 =	vand.u32 $0x7, v3;
	v4 =	vand.u32 $0xFFFFFFC0, v48  }
0x4d5: {  	v3 =	vor.u32 v3, v4  }
0x4d6: {  	v4 =	vperm.xlane v3, v0;
	_ =	sdelay $0x1  }
0x4d7: {  	v4 =	vadd.s32 v1, v4;
	_ =	sdelay $0x4  }
0x4d8: {  	[tilespmem:s4], [sflag:$0x1] =	stream.indirect_vreg.gather [hbm4b:s2+s3], $0x80, v4, vm0, $0xb8;
	[tilespmem:$0x18400] =	vst v63  }
0x4d9: {  	s25 =	simm.s32 $0xC00;
	v3 =	vperm.xlane v3, v2  }
0x4da: {  	[tilespmem:s25], [sflag:$0x1] =	stream.indirect_vreg.gather [hbm4b:s5+s3], $0x80, v4, vm0, $0xb8;
	[tilespmem:$0x18400] =	vst v63  }
0x4db: {  	v3 =	vadd.s32 v1, v3;
	s25 =	simm.s32 $0x1400  }
0x4dc: {  	[tilespmem:s25], [sflag:$0x1] =	stream.indirect_vreg.gather [hbm4b:s6+s3], $0x80, v4, vm0, $0xb8;
	[tilespmem:$0x18400] =	vst v63  }
0x4dd: {  	s25 =	simm.s32 $0x1C00  }
0x4de: {  	[tilespmem:s25], [sflag:$0x1] =	stream.indirect_vreg.gather [hbm4b:s7+s3], $0x80, v4, vm0, $0xb8;
	[tilespmem:$0x18400] =	vst v63  }
0x4df: {  	s25 =	simm.s32 $0x2400  }
0x4e0: {  	[tilespmem:s25], [sflag:$0x1] =	stream.indirect_vreg.gather [hbm4b:s2+s3], $0x80, v3, vm0, $0xb8;
	[tilespmem:$0x18400] =	vst v63  }
0x4e1: {  	s25 =	simm.s32 $0x2C00  }
0x4e2: {  	[tilespmem:s25], [sflag:$0x1] =	stream.indirect_vreg.gather [hbm4b:s5+s3], $0x80, v3, vm0, $0xb8;
	[tilespmem:$0x18400] =	vst v63  }
0x4e3: {  	_ = 	snop  }
0x4e4: {  	[tilespmem:s8], [sflag:$0x1] =	stream.indirect_vreg.gather [hbm4b:s6+s3], $0x80, v3, vm0, $0xb8;
	[tilespmem:$0x18400] =	vst v63  }
0x4e5: {  	s8 =	simm.s32 $0x3C00  }
0x4e6: {  	[tilespmem:s8], [sflag:$0x1] =	stream.indirect_vreg.gather [hbm4b:s7+s3], $0x80, v3, vm0, $0xb8;
	[tilespmem:$0x18400] =	vst v63  }
0x4e7: {  	v3 =	vld [tilespmem:$0x190];
	_ =	sdelay $0x4  }
0x4e8: {  	v49 =	vshll.u32 v3, $0x3  }
0x4e9: {  	v3 =	vand.u32 $0x7, v3;
	v4 =	vand.u32 $0xFFFFFFC0, v49  }
0x4ea: {  	v3 =	vor.u32 v3, v4  }
0x4eb: {  	v4 =	vperm.xlane v3, v0;
	_ =	sdelay $0x1  }
0x4ec: {  	v4 =	vadd.s32 v1, v4;
	_ =	sdelay $0x3  }
0x4ed: {  	s25 =	simm.s32 $0x4400  }
0x4ee: {  	[tilespmem:s25], [sflag:$0x1] =	stream.indirect_vreg.gather [hbm4b:s2+s3], $0x80, v4, vm0, $0xb8;
	[tilespmem:$0x18400] =	vst v63  }
0x4ef: {  	v3 =	vperm.xlane v3, v2;
	s25 =	simm.s32 $0x4C00  }
0x4f0: {  	[tilespmem:s25], [sflag:$0x1] =	stream.indirect_vreg.gather [hbm4b:s5+s3], $0x80, v4, vm0, $0xb8;
	[tilespmem:$0x18400] =	vst v63  }
0x4f1: {  	v3 =	vadd.s32 v1, v3;
	s25 =	simm.s32 $0x5400  }
0x4f2: {  	[tilespmem:s25], [sflag:$0x1] =	stream.indirect_vreg.gather [hbm4b:s6+s3], $0x80, v4, vm0, $0xb8;
	[tilespmem:$0x18400] =	vst v63  }
0x4f3: {  	s25 =	simm.s32 $0x5C00  }
0x4f4: {  	[tilespmem:s25], [sflag:$0x1] =	stream.indirect_vreg.gather [hbm4b:s7+s3], $0x80, v4, vm0, $0xb8;
	[tilespmem:$0x18400] =	vst v63  }
0x4f5: {  	s25 =	simm.s32 $0x6400  }
0x4f6: {  	[tilespmem:s25], [sflag:$0x1] =	stream.indirect_vreg.gather [hbm4b:s2+s3], $0x80, v3, vm0, $0xb8;
	[tilespmem:$0x18400] =	vst v63  }
0x4f7: {  	s25 =	simm.s32 $0x6C00  }
0x4f8: {  	[tilespmem:s25], [sflag:$0x1] =	stream.indirect_vreg.gather [hbm4b:s5+s3], $0x80, v3, vm0, $0xb8;
	[tilespmem:$0x18400] =	vst v63  }
0x4f9: {  	s25 =	simm.s32 $0x7400  }
0x4fa: {  	[tilespmem:s25], [sflag:$0x1] =	stream.indirect_vreg.gather [hbm4b:s6+s3], $0x80, v3, vm0, $0xb8;
	[tilespmem:$0x18400] =	vst v63  }
0x4fb: {  	s25 =	simm.s32 $0x7C00  }
0x4fc: {  	[tilespmem:s25], [sflag:$0x1] =	stream.indirect_vreg.gather [hbm4b:s7+s3], $0x80, v3, vm0, $0xb8;
	[tilespmem:$0x18400] =	vst v63  }
0x4fd: {  	_ =	swait.ge [sflag:s21], $0x8000  }
0x4fe: {  	[sflag:s21] =	ssyncset.done $0x0  }
0x4ff: {  	s0 =	simm.s32 $0x8400;
	s25 =	rddreg [dreg:$0x1a];
	[sflag:s21] =	ssyncadd.s32 $0xFFFF8000  }
0x500: {  	[hbm4b:s25+s3] =	stream.linear.scatter [tilespmem:s0], [sflag:$0x5], $0x8000, $0x38;
	[tilespmem:$0x18400] =	vst v63  }
0x501: {  	_ =	swait.ge [sflag:s22], $0x8000  }
0x502: {  	[sflag:s22] =	ssyncset.done $0x0  }
0x503: {  	[sflag:s22] =	ssyncadd.s32 $0xFFFF8000  }
0x504: {  	v3 =	vld [tilespmem:$0x1A0];
	_ =	sdelay $0x4  }
0x505: {  	v50 =	vshll.u32 v3, $0x3  }
0x506: {  	v3 =	vand.u32 $0x7, v3;
	v4 =	vand.u32 $0xFFFFFFC0, v50  }
0x507: {  	v3 =	vor.u32 v3, v4  }
0x508: {  	v4 =	vperm.xlane v3, v0;
	_ =	sdelay $0x1  }
0x509: {  	v4 =	vadd.s32 v1, v4;
	_ =	sdelay $0x4  }
0x50a: {  	[tilespmem:s0], [sflag:$0x2] =	stream.indirect_vreg.gather [hbm4b:s2+s3], $0x80, v4, vm0, $0xb8;
	[tilespmem:$0x18400] =	vst v63  }
0x50b: {  	s25 =	simm.s32 $0x8C00;
	v3 =	vperm.xlane v3, v2  }
0x50c: {  	[tilespmem:s25], [sflag:$0x2] =	stream.indirect_vreg.gather [hbm4b:s5+s3], $0x80, v4, vm0, $0xb8;
	[tilespmem:$0x18400] =	vst v63  }
0x50d: {  	v3 =	vadd.s32 v1, v3  }
0x50e: {  	[tilespmem:s18], [sflag:$0x2] =	stream.indirect_vreg.gather [hbm4b:s6+s3], $0x80, v4, vm0, $0xb8;
	[tilespmem:$0x18400] =	vst v63  }
0x50f: {  	_ = 	snop  }
0x510: {  	[tilespmem:s28], [sflag:$0x2] =	stream.indirect_vreg.gather [hbm4b:s7+s3], $0x80, v4, vm0, $0xb8;
	[tilespmem:$0x18400] =	vst v63  }
0x511: {  	_ = 	snop  }
0x512: {  	[tilespmem:s29], [sflag:$0x2] =	stream.indirect_vreg.gather [hbm4b:s2+s3], $0x80, v3, vm0, $0xb8;
	[tilespmem:$0x18400] =	vst v63  }
0x513: {  	_ = 	snop  }
0x514: {  	[tilespmem:s31], [sflag:$0x2] =	stream.indirect_vreg.gather [hbm4b:s5+s3], $0x80, v3, vm0, $0xb8;
	[tilespmem:$0x18400] =	vst v63  }
0x515: {  	s25 =	simm.s32 $0xB400  }
0x516: {  	[tilespmem:s25], [sflag:$0x2] =	stream.indirect_vreg.gather [hbm4b:s6+s3], $0x80, v3, vm0, $0xb8;
	[tilespmem:$0x18400] =	vst v63  }
0x517: {  	s0 =	simm.s32 $0xBC00  }
0x518: {  	[tilespmem:s0], [sflag:$0x2] =	stream.indirect_vreg.gather [hbm4b:s7+s3], $0x80, v3, vm0, $0xb8;
	[tilespmem:$0x18400] =	vst v63  }
0x519: {  	v3 =	vld [tilespmem:$0x1B0];
	_ =	sdelay $0x4  }
0x51a: {  	v51 =	vshll.u32 v3, $0x3  }
0x51b: {  	v3 =	vand.u32 $0x7, v3;
	v4 =	vand.u32 $0xFFFFFFC0, v51  }
0x51c: {  	v3 =	vor.u32 v3, v4  }
0x51d: {  	v4 =	vperm.xlane v3, v0;
	_ =	sdelay $0x1  }
0x51e: {  	v4 =	vadd.s32 v1, v4;
	_ =	sdelay $0x3  }
0x51f: {  	s18 =	simm.s32 $0xC400  }
0x520: {  	[tilespmem:s18], [sflag:$0x2] =	stream.indirect_vreg.gather [hbm4b:s2+s3], $0x80, v4, vm0, $0xb8;
	[tilespmem:$0x18400] =	vst v63  }
0x521: {  	s28 =	simm.s32 $0xCC00;
	v3 =	vperm.xlane v3, v2  }
0x522: {  	[tilespmem:s28], [sflag:$0x2] =	stream.indirect_vreg.gather [hbm4b:s5+s3], $0x80, v4, vm0, $0xb8;
	[tilespmem:$0x18400] =	vst v63  }
0x523: {  	s29 =	simm.s32 $0xD400;
	v3 =	vadd.s32 v1, v3  }
0x524: {  	[tilespmem:s29], [sflag:$0x2] =	stream.indirect_vreg.gather [hbm4b:s6+s3], $0x80, v4, vm0, $0xb8;
	[tilespmem:$0x18400] =	vst v63  }
0x525: {  	s31 =	simm.s32 $0xDC00  }
0x526: {  	[tilespmem:s31], [sflag:$0x2] =	stream.indirect_vreg.gather [hbm4b:s7+s3], $0x80, v4, vm0, $0xb8;
	[tilespmem:$0x18400] =	vst v63  }
0x527: {  	s28 =	simm.s32 $0xE400  }
0x528: {  	[tilespmem:s28], [sflag:$0x2] =	stream.indirect_vreg.gather [hbm4b:s2+s3], $0x80, v3, vm0, $0xb8;
	[tilespmem:$0x18400] =	vst v63  }
0x529: {  	s29 =	simm.s32 $0xEC00  }
0x52a: {  	[tilespmem:s29], [sflag:$0x2] =	stream.indirect_vreg.gather [hbm4b:s5+s3], $0x80, v3, vm0, $0xb8;
	[tilespmem:$0x18400] =	vst v63  }
0x52b: {  	s31 =	simm.s32 $0xF400  }
0x52c: {  	[tilespmem:s31], [sflag:$0x2] =	stream.indirect_vreg.gather [hbm4b:s6+s3], $0x80, v3, vm0, $0xb8;
	[tilespmem:$0x18400] =	vst v63  }
0x52d: {  	s28 =	simm.s32 $0xFC00  }
0x52e: {  	[tilespmem:s28], [sflag:$0x2] =	stream.indirect_vreg.gather [hbm4b:s7+s3], $0x80, v3, vm0, $0xb8;
	[tilespmem:$0x18400] =	vst v63  }
0x52f: {  	_ =	swait.ge [sflag:s23], $0x8000  }
0x530: {  	[sflag:s23] =	ssyncset.done $0x0  }
0x531: {  	s1 =	simm.s32 $0x10400;
	s29 =	rddreg [dreg:$0x1b];
	[sflag:s23] =	ssyncadd.s32 $0xFFFF8000  }
0x532: {  	[hbm4b:s29+s3] =	stream.linear.scatter [tilespmem:s1], [sflag:$0x6], $0x8000, $0x38;
	[tilespmem:$0x18400] =	vst v63  }
0x533: {  	_ =	swait.ge [sflag:s24], $0x8000  }
0x534: {  	[sflag:s24] =	ssyncset.done $0x0  }
0x535: {  	[sflag:s24] =	ssyncadd.s32 $0xFFFF8000  }
0x536: {  	v3 =	vld [tilespmem:$0x1C0];
	_ =	sdelay $0x4  }
0x537: {  	v52 =	vshll.u32 v3, $0x3  }
0x538: {  	v3 =	vand.u32 $0x7, v3;
	v4 =	vand.u32 $0xFFFFFFC0, v52  }
0x539: {  	v3 =	vor.u32 v3, v4  }
0x53a: {  	v4 =	vperm.xlane v3, v0;
	_ =	sdelay $0x1  }
0x53b: {  	v4 =	vadd.s32 v1, v4;
	_ =	sdelay $0x4  }
0x53c: {  	[tilespmem:s1], [sflag:$0x3] =	stream.indirect_vreg.gather [hbm4b:s2+s3], $0x80, v4, vm0, $0xb8;
	[tilespmem:$0x18400] =	vst v63  }
0x53d: {  	s31 =	simm.s32 $0x10C00;
	v3 =	vperm.xlane v3, v2  }
0x53e: {  	[tilespmem:s31], [sflag:$0x3] =	stream.indirect_vreg.gather [hbm4b:s5+s3], $0x80, v4, vm0, $0xb8;
	[tilespmem:$0x18400] =	vst v63  }
0x53f: {  	v3 =	vadd.s32 v1, v3  }
0x540: {  	[tilespmem:s26], [sflag:$0x3] =	stream.indirect_vreg.gather [hbm4b:s6+s3], $0x80, v4, vm0, $0xb8;
	[tilespmem:$0x18400] =	vst v63  }
0x541: {  	_ = 	snop  }
0x542: {  	[tilespmem:s30], [sflag:$0x3] =	stream.indirect_vreg.gather [hbm4b:s7+s3], $0x80, v4, vm0, $0xb8;
	[tilespmem:$0x18400] =	vst v63  }
0x543: {  	s25 =	simm.s32 $0x12400  }
0x544: {  	[tilespmem:s25], [sflag:$0x3] =	stream.indirect_vreg.gather [hbm4b:s2+s3], $0x80, v3, vm0, $0xb8;
	[tilespmem:$0x18400] =	vst v63  }
0x545: {  	s28 =	simm.s32 $0x12C00  }
0x546: {  	[tilespmem:s28], [sflag:$0x3] =	stream.indirect_vreg.gather [hbm4b:s5+s3], $0x80, v3, vm0, $0xb8;
	[tilespmem:$0x18400] =	vst v63  }
0x547: {  	_ = 	snop  }
0x548: {  	[tilespmem:s17], [sflag:$0x3] =	stream.indirect_vreg.gather [hbm4b:s6+s3], $0x80, v3, vm0, $0xb8;
	[tilespmem:$0x18400] =	vst v63  }
0x549: {  	_ = 	snop  }
0x54a: {  	[tilespmem:s13], [sflag:$0x3] =	stream.indirect_vreg.gather [hbm4b:s7+s3], $0x80, v3, vm0, $0xb8;
	[tilespmem:$0x18400] =	vst v63  }
0x54b: {  	v3 =	vld [tilespmem:$0x1D0];
	_ =	sdelay $0x4  }
0x54c: {  	v53 =	vshll.u32 v3, $0x3  }
0x54d: {  	v3 =	vand.u32 $0x7, v3;
	v4 =	vand.u32 $0xFFFFFFC0, v53  }
0x54e: {  	v3 =	vor.u32 v3, v4  }
0x54f: {  	v4 =	vperm.xlane v3, v0;
	_ =	sdelay $0x1  }
0x550: {  	v4 =	vadd.s32 v1, v4;
	_ =	sdelay $0x4  }
0x551: {  	[tilespmem:s14], [sflag:$0x3] =	stream.indirect_vreg.gather [hbm4b:s2+s3], $0x80, v4, vm0, $0xb8;
	[tilespmem:$0x18400] =	vst v63  }
0x552: {  	v3 =	vperm.xlane v3, v2  }
0x553: {  	[tilespmem:s15], [sflag:$0x3] =	stream.indirect_vreg.gather [hbm4b:s5+s3], $0x80, v4, vm0, $0xb8;
	[tilespmem:$0x18400] =	vst v63  }
0x554: {  	s29 =	simm.s32 $0x15400;
	v3 =	vadd.s32 v1, v3  }
0x555: {  	[tilespmem:s29], [sflag:$0x3] =	stream.indirect_vreg.gather [hbm4b:s6+s3], $0x80, v4, vm0, $0xb8;
	[tilespmem:$0x18400] =	vst v63  }
0x556: {  	_ = 	snop  }
0x557: {  	[tilespmem:s9], [sflag:$0x3] =	stream.indirect_vreg.gather [hbm4b:s7+s3], $0x80, v4, vm0, $0xb8;
	[tilespmem:$0x18400] =	vst v63  }
0x558: {  	_ = 	snop  }
0x559: {  	[tilespmem:s10], [sflag:$0x3] =	stream.indirect_vreg.gather [hbm4b:s2+s3], $0x80, v3, vm0, $0xb8;
	[tilespmem:$0x18400] =	vst v63  }
0x55a: {  	_ = 	snop  }
0x55b: {  	[tilespmem:s11], [sflag:$0x3] =	stream.indirect_vreg.gather [hbm4b:s5+s3], $0x80, v3, vm0, $0xb8;
	[tilespmem:$0x18400] =	vst v63  }
0x55c: {  	_ = 	snop  }
0x55d: {  	[tilespmem:s12], [sflag:$0x3] =	stream.indirect_vreg.gather [hbm4b:s6+s3], $0x80, v3, vm0, $0xb8;
	[tilespmem:$0x18400] =	vst v63  }
0x55e: {  	_ = 	snop  }
0x55f: {  	[tilespmem:s16], [sflag:$0x3] =	stream.indirect_vreg.gather [hbm4b:s7+s3], $0x80, v3, vm0, $0xb8;
	[tilespmem:$0x18400] =	vst v63  }
0x560: {  	_ =	swait.ge [sflag:s19], $0x8000  }
0x561: {  	[sflag:s19] =	ssyncset.done $0x0  }
0x562: {  	s4 =	simm.s32 $0x400;
	s1 =	rddreg [dreg:$0x1c];
	[sflag:s19] =	ssyncadd.s32 $0xFFFF8000  }
0x563: {  	[hbm4b:s1+s3] =	stream.linear.scatter [tilespmem:s4], [sflag:$0x4], $0x8000, $0x38;
	[tilespmem:$0x18400] =	vst v63  }
0x564: {  	_ =	swait.ge [sflag:s20], $0x8000  }
0x565: {  	[sflag:s20] =	ssyncset.done $0x0  }
0x566: {  	[sflag:s20] =	ssyncadd.s32 $0xFFFF8000  }
0x567: {  	v3 =	vld [tilespmem:$0x1E0];
	_ =	sdelay $0x4  }
0x568: {  	v54 =	vshll.u32 v3, $0x3  }
0x569: {  	v3 =	vand.u32 $0x7, v3;
	v4 =	vand.u32 $0xFFFFFFC0, v54  }
0x56a: {  	v3 =	vor.u32 v3, v4  }
0x56b: {  	v4 =	vperm.xlane v3, v0;
	_ =	sdelay $0x1  }
0x56c: {  	v4 =	vadd.s32 v1, v4;
	_ =	sdelay $0x4  }
0x56d: {  	[tilespmem:s4], [sflag:$0x1] =	stream.indirect_vreg.gather [hbm4b:s2+s3], $0x80, v4, vm0, $0xb8;
	[tilespmem:$0x18400] =	vst v63  }
0x56e: {  	s9 =	simm.s32 $0xC00;
	v3 =	vperm.xlane v3, v2  }
0x56f: {  	[tilespmem:s9], [sflag:$0x1] =	stream.indirect_vreg.gather [hbm4b:s5+s3], $0x80, v4, vm0, $0xb8;
	[tilespmem:$0x18400] =	vst v63  }
0x570: {  	s25 =	simm.s32 $0x1400;
	v3 =	vadd.s32 v1, v3  }
0x571: {  	[tilespmem:s25], [sflag:$0x1] =	stream.indirect_vreg.gather [hbm4b:s6+s3], $0x80, v4, vm0, $0xb8;
	[tilespmem:$0x18400] =	vst v63  }
0x572: {  	s28 =	simm.s32 $0x1C00  }
0x573: {  	[tilespmem:s28], [sflag:$0x1] =	stream.indirect_vreg.gather [hbm4b:s7+s3], $0x80, v4, vm0, $0xb8;
	[tilespmem:$0x18400] =	vst v63  }
0x574: {  	s29 =	simm.s32 $0x2400  }
0x575: {  	[tilespmem:s29], [sflag:$0x1] =	stream.indirect_vreg.gather [hbm4b:s2+s3], $0x80, v3, vm0, $0xb8;
	[tilespmem:$0x18400] =	vst v63  }
0x576: {  	s1 =	simm.s32 $0x2C00  }
0x577: {  	[tilespmem:s1], [sflag:$0x1] =	stream.indirect_vreg.gather [hbm4b:s5+s3], $0x80, v3, vm0, $0xb8;
	[tilespmem:$0x18400] =	vst v63  }
0x578: {  	s9 =	simm.s32 $0x3400  }
0x579: {  	[tilespmem:s9], [sflag:$0x1] =	stream.indirect_vreg.gather [hbm4b:s6+s3], $0x80, v3, vm0, $0xb8;
	[tilespmem:$0x18400] =	vst v63  }
0x57a: {  	_ = 	snop  }
0x57b: {  	[tilespmem:s8], [sflag:$0x1] =	stream.indirect_vreg.gather [hbm4b:s7+s3], $0x80, v3, vm0, $0xb8;
	[tilespmem:$0x18400] =	vst v63  }
0x57c: {  	v3 =	vld [tilespmem:$0x1F0];
	_ =	sdelay $0x4  }
0x57d: {  	v55 =	vshll.u32 v3, $0x3  }
0x57e: {  	v3 =	vand.u32 $0x7, v3;
	v4 =	vand.u32 $0xFFFFFFC0, v55  }
0x57f: {  	v3 =	vor.u32 v3, v4  }
0x580: {  	v4 =	vperm.xlane v3, v0;
	_ =	sdelay $0x1  }
0x581: {  	v4 =	vadd.s32 v1, v4;
	_ =	sdelay $0x3  }
0x582: {  	s4 =	simm.s32 $0x4400  }
0x583: {  	[tilespmem:s4], [sflag:$0x1] =	stream.indirect_vreg.gather [hbm4b:s2+s3], $0x80, v4, vm0, $0xb8;
	[tilespmem:$0x18400] =	vst v63  }
0x584: {  	s8 =	simm.s32 $0x4C00;
	v3 =	vperm.xlane v3, v2  }
0x585: {  	[tilespmem:s8], [sflag:$0x1] =	stream.indirect_vreg.gather [hbm4b:s5+s3], $0x80, v4, vm0, $0xb8;
	[tilespmem:$0x18400] =	vst v63  }
0x586: {  	s1 =	simm.s32 $0x5400;
	v3 =	vadd.s32 v1, v3  }
0x587: {  	[tilespmem:s1], [sflag:$0x1] =	stream.indirect_vreg.gather [hbm4b:s6+s3], $0x80, v4, vm0, $0xb8;
	[tilespmem:$0x18400] =	vst v63  }
0x588: {  	s4 =	simm.s32 $0x5C00  }
0x589: {  	[tilespmem:s4], [sflag:$0x1] =	stream.indirect_vreg.gather [hbm4b:s7+s3], $0x80, v4, vm0, $0xb8;
	[tilespmem:$0x18400] =	vst v63  }
0x58a: {  	s8 =	simm.s32 $0x6400  }
0x58b: {  	[tilespmem:s8], [sflag:$0x1] =	stream.indirect_vreg.gather [hbm4b:s2+s3], $0x80, v3, vm0, $0xb8;
	[tilespmem:$0x18400] =	vst v63  }
0x58c: {  	s1 =	simm.s32 $0x6C00  }
0x58d: {  	[tilespmem:s1], [sflag:$0x1] =	stream.indirect_vreg.gather [hbm4b:s5+s3], $0x80, v3, vm0, $0xb8;
	[tilespmem:$0x18400] =	vst v63  }
0x58e: {  	s4 =	simm.s32 $0x7400  }
0x58f: {  	[tilespmem:s4], [sflag:$0x1] =	stream.indirect_vreg.gather [hbm4b:s6+s3], $0x80, v3, vm0, $0xb8;
	[tilespmem:$0x18400] =	vst v63  }
0x590: {  	s8 =	simm.s32 $0x7C00  }
0x591: {  	[tilespmem:s8], [sflag:$0x1] =	stream.indirect_vreg.gather [hbm4b:s7+s3], $0x80, v3, vm0, $0xb8;
	[tilespmem:$0x18400] =	vst v63  }
0x592: {  	_ =	swait.ge [sflag:s21], $0x8000  }
0x593: {  	[sflag:s21] =	ssyncset.done $0x0  }
0x594: {  	s4 =	simm.s32 $0x8400;
	s1 =	rddreg [dreg:$0x1d];
	[sflag:s21] =	ssyncadd.s32 $0xFFFF8000  }
0x595: {  	[hbm4b:s1+s3] =	stream.linear.scatter [tilespmem:s4], [sflag:$0x5], $0x8000, $0x38;
	[tilespmem:$0x18400] =	vst v63  }
0x596: {  	_ =	swait.ge [sflag:s22], $0x8000  }
0x597: {  	[sflag:s22] =	ssyncset.done $0x0  }
0x598: {  	[sflag:s22] =	ssyncadd.s32 $0xFFFF8000  }
0x599: {  	v3 =	vld [tilespmem:$0x380];
	_ =	sdelay $0x4  }
0x59a: {  	v56 =	vshll.u32 v3, $0x3  }
0x59b: {  	v3 =	vand.u32 $0x7, v3;
	v4 =	vand.u32 $0xFFFFFFC0, v56  }
0x59c: {  	v3 =	vor.u32 v3, v4  }
0x59d: {  	v4 =	vperm.xlane v3, v0;
	_ =	sdelay $0x1  }
0x59e: {  	v4 =	vadd.s32 v1, v4;
	_ =	sdelay $0x4  }
0x59f: {  	[tilespmem:s4], [sflag:$0x2] =	stream.indirect_vreg.gather [hbm4b:s2+s3], $0x80, v4, vm0, $0xb8;
	[tilespmem:$0x18400] =	vst v63  }
0x5a0: {  	s8 =	simm.s32 $0x8C00;
	v3 =	vperm.xlane v3, v2  }
0x5a1: {  	[tilespmem:s8], [sflag:$0x2] =	stream.indirect_vreg.gather [hbm4b:s5+s3], $0x80, v4, vm0, $0xb8;
	[tilespmem:$0x18400] =	vst v63  }
0x5a2: {  	v3 =	vadd.s32 v1, v3;
	s4 =	simm.s32 $0x9400  }
0x5a3: {  	[tilespmem:s4], [sflag:$0x2] =	stream.indirect_vreg.gather [hbm4b:s6+s3], $0x80, v4, vm0, $0xb8;
	[tilespmem:$0x18400] =	vst v63  }
0x5a4: {  	s25 =	simm.s32 $0x9C00  }
0x5a5: {  	[tilespmem:s25], [sflag:$0x2] =	stream.indirect_vreg.gather [hbm4b:s7+s3], $0x80, v4, vm0, $0xb8;
	[tilespmem:$0x18400] =	vst v63  }
0x5a6: {  	s25 =	simm.s32 $0xA400  }
0x5a7: {  	[tilespmem:s25], [sflag:$0x2] =	stream.indirect_vreg.gather [hbm4b:s2+s3], $0x80, v3, vm0, $0xb8;
	[tilespmem:$0x18400] =	vst v63  }
0x5a8: {  	s25 =	simm.s32 $0xAC00  }
0x5a9: {  	[tilespmem:s25], [sflag:$0x2] =	stream.indirect_vreg.gather [hbm4b:s5+s3], $0x80, v3, vm0, $0xb8;
	[tilespmem:$0x18400] =	vst v63  }
0x5aa: {  	s25 =	simm.s32 $0xB400  }
0x5ab: {  	[tilespmem:s25], [sflag:$0x2] =	stream.indirect_vreg.gather [hbm4b:s6+s3], $0x80, v3, vm0, $0xb8;
	[tilespmem:$0x18400] =	vst v63  }
0x5ac: {  	_ = 	snop  }
0x5ad: {  	[tilespmem:s0], [sflag:$0x2] =	stream.indirect_vreg.gather [hbm4b:s7+s3], $0x80, v3, vm0, $0xb8;
	[tilespmem:$0x18400] =	vst v63  }
0x5ae: {  	v3 =	vld [tilespmem:$0x390];
	_ =	sdelay $0x4  }
0x5af: {  	v57 =	vshll.u32 v3, $0x3  }
0x5b0: {  	v3 =	vand.u32 $0x7, v3;
	v4 =	vand.u32 $0xFFFFFFC0, v57  }
0x5b1: {  	v3 =	vor.u32 v3, v4  }
0x5b2: {  	v4 =	vperm.xlane v3, v0;
	_ =	sdelay $0x1  }
0x5b3: {  	v4 =	vadd.s32 v1, v4;
	_ =	sdelay $0x4  }
0x5b4: {  	[tilespmem:s18], [sflag:$0x2] =	stream.indirect_vreg.gather [hbm4b:s2+s3], $0x80, v4, vm0, $0xb8;
	[tilespmem:$0x18400] =	vst v63  }
0x5b5: {  	s25 =	simm.s32 $0xCC00;
	v3 =	vperm.xlane v3, v2  }
0x5b6: {  	[tilespmem:s25], [sflag:$0x2] =	stream.indirect_vreg.gather [hbm4b:s5+s3], $0x80, v4, vm0, $0xb8;
	[tilespmem:$0x18400] =	vst v63  }
0x5b7: {  	s8 =	simm.s32 $0xD400;
	v3 =	vadd.s32 v1, v3  }
0x5b8: {  	[tilespmem:s8], [sflag:$0x2] =	stream.indirect_vreg.gather [hbm4b:s6+s3], $0x80, v4, vm0, $0xb8;
	[tilespmem:$0x18400] =	vst v63  }
0x5b9: {  	s25 =	simm.s32 $0xDC00  }
0x5ba: {  	[tilespmem:s25], [sflag:$0x2] =	stream.indirect_vreg.gather [hbm4b:s7+s3], $0x80, v4, vm0, $0xb8;
	[tilespmem:$0x18400] =	vst v63  }
0x5bb: {  	s8 =	simm.s32 $0xE400  }
0x5bc: {  	[tilespmem:s8], [sflag:$0x2] =	stream.indirect_vreg.gather [hbm4b:s2+s3], $0x80, v3, vm0, $0xb8;
	[tilespmem:$0x18400] =	vst v63  }
0x5bd: {  	s25 =	simm.s32 $0xEC00  }
0x5be: {  	[tilespmem:s25], [sflag:$0x2] =	stream.indirect_vreg.gather [hbm4b:s5+s3], $0x80, v3, vm0, $0xb8;
	[tilespmem:$0x18400] =	vst v63  }
0x5bf: {  	s8 =	simm.s32 $0xF400  }
0x5c0: {  	[tilespmem:s8], [sflag:$0x2] =	stream.indirect_vreg.gather [hbm4b:s6+s3], $0x80, v3, vm0, $0xb8;
	[tilespmem:$0x18400] =	vst v63  }
0x5c1: {  	s25 =	simm.s32 $0xFC00  }
0x5c2: {  	[tilespmem:s25], [sflag:$0x2] =	stream.indirect_vreg.gather [hbm4b:s7+s3], $0x80, v3, vm0, $0xb8;
	[tilespmem:$0x18400] =	vst v63  }
0x5c3: {  	_ =	swait.ge [sflag:s23], $0x8000  }
0x5c4: {  	[sflag:s23] =	ssyncset.done $0x0  }
0x5c5: {  	s8 =	simm.s32 $0x10400;
	s0 =	rddreg [dreg:$0x1e];
	[sflag:s23] =	ssyncadd.s32 $0xFFFF8000  }
0x5c6: {  	[hbm4b:s0+s3] =	stream.linear.scatter [tilespmem:s8], [sflag:$0x6], $0x8000, $0x38;
	[tilespmem:$0x18400] =	vst v63  }
0x5c7: {  	_ =	swait.ge [sflag:s24], $0x8000  }
0x5c8: {  	[sflag:s24] =	ssyncset.done $0x0  }
0x5c9: {  	[sflag:s24] =	ssyncadd.s32 $0xFFFF8000  }
0x5ca: {  	v3 =	vld [tilespmem:$0x3A0];
	_ =	sdelay $0x4  }
0x5cb: {  	v58 =	vshll.u32 v3, $0x3  }
0x5cc: {  	v3 =	vand.u32 $0x7, v3;
	v4 =	vand.u32 $0xFFFFFFC0, v58  }
0x5cd: {  	v3 =	vor.u32 v3, v4  }
0x5ce: {  	v4 =	vperm.xlane v3, v0;
	_ =	sdelay $0x1  }
0x5cf: {  	v4 =	vadd.s32 v1, v4;
	_ =	sdelay $0x4  }
0x5d0: {  	[tilespmem:s8], [sflag:$0x3] =	stream.indirect_vreg.gather [hbm4b:s2+s3], $0x80, v4, vm0, $0xb8;
	[tilespmem:$0x18400] =	vst v63  }
0x5d1: {  	s25 =	simm.s32 $0x10C00;
	v3 =	vperm.xlane v3, v2  }
0x5d2: {  	[tilespmem:s25], [sflag:$0x3] =	stream.indirect_vreg.gather [hbm4b:s5+s3], $0x80, v4, vm0, $0xb8;
	[tilespmem:$0x18400] =	vst v63  }
0x5d3: {  	s26 =	simm.s32 $0x11400;
	v3 =	vadd.s32 v1, v3  }
0x5d4: {  	[tilespmem:s26], [sflag:$0x3] =	stream.indirect_vreg.gather [hbm4b:s6+s3], $0x80, v4, vm0, $0xb8;
	[tilespmem:$0x18400] =	vst v63  }
0x5d5: {  	s30 =	simm.s32 $0x11C00  }
0x5d6: {  	[tilespmem:s30], [sflag:$0x3] =	stream.indirect_vreg.gather [hbm4b:s7+s3], $0x80, v4, vm0, $0xb8;
	[tilespmem:$0x18400] =	vst v63  }
0x5d7: {  	s25 =	simm.s32 $0x12400  }
0x5d8: {  	[tilespmem:s25], [sflag:$0x3] =	stream.indirect_vreg.gather [hbm4b:s2+s3], $0x80, v3, vm0, $0xb8;
	[tilespmem:$0x18400] =	vst v63  }
0x5d9: {  	s26 =	simm.s32 $0x12C00  }
0x5da: {  	[tilespmem:s26], [sflag:$0x3] =	stream.indirect_vreg.gather [hbm4b:s5+s3], $0x80, v3, vm0, $0xb8;
	[tilespmem:$0x18400] =	vst v63  }
0x5db: {  	s31 =	simm.s32 $0x13400  }
0x5dc: {  	[tilespmem:s31], [sflag:$0x3] =	stream.indirect_vreg.gather [hbm4b:s6+s3], $0x80, v3, vm0, $0xb8;
	[tilespmem:$0x18400] =	vst v63  }
0x5dd: {  	s13 =	simm.s32 $0x13C00  }
0x5de: {  	[tilespmem:s13], [sflag:$0x3] =	stream.indirect_vreg.gather [hbm4b:s7+s3], $0x80, v3, vm0, $0xb8;
	[tilespmem:$0x18400] =	vst v63  }
0x5df: {  	v3 =	vld [tilespmem:$0x3B0];
	_ =	sdelay $0x4  }
0x5e0: {  	v59 =	vshll.u32 v3, $0x3  }
0x5e1: {  	v3 =	vand.u32 $0x7, v3;
	v4 =	vand.u32 $0xFFFFFFC0, v59  }
0x5e2: {  	v3 =	vor.u32 v3, v4  }
0x5e3: {  	v4 =	vperm.xlane v3, v0;
	_ =	sdelay $0x1  }
0x5e4: {  	v4 =	vadd.s32 v1, v4;
	_ =	sdelay $0x3  }
0x5e5: {  	s14 =	simm.s32 $0x14400  }
0x5e6: {  	[tilespmem:s14], [sflag:$0x3] =	stream.indirect_vreg.gather [hbm4b:s2+s3], $0x80, v4, vm0, $0xb8;
	[tilespmem:$0x18400] =	vst v63  }
0x5e7: {  	s15 =	simm.s32 $0x14C00;
	v3 =	vperm.xlane v3, v2  }
0x5e8: {  	[tilespmem:s15], [sflag:$0x3] =	stream.indirect_vreg.gather [hbm4b:s5+s3], $0x80, v4, vm0, $0xb8;
	[tilespmem:$0x18400] =	vst v63  }
0x5e9: {  	s30 =	simm.s32 $0x15400;
	v3 =	vadd.s32 v1, v3  }
0x5ea: {  	[tilespmem:s30], [sflag:$0x3] =	stream.indirect_vreg.gather [hbm4b:s6+s3], $0x80, v4, vm0, $0xb8;
	[tilespmem:$0x18400] =	vst v63  }
0x5eb: {  	s31 =	simm.s32 $0x15C00  }
0x5ec: {  	[tilespmem:s31], [sflag:$0x3] =	stream.indirect_vreg.gather [hbm4b:s7+s3], $0x80, v4, vm0, $0xb8;
	[tilespmem:$0x18400] =	vst v63  }
0x5ed: {  	s10 =	simm.s32 $0x16400  }
0x5ee: {  	[tilespmem:s10], [sflag:$0x3] =	stream.indirect_vreg.gather [hbm4b:s2+s3], $0x80, v3, vm0, $0xb8;
	[tilespmem:$0x18400] =	vst v63  }
0x5ef: {  	s11 =	simm.s32 $0x16C00  }
0x5f0: {  	[tilespmem:s11], [sflag:$0x3] =	stream.indirect_vreg.gather [hbm4b:s5+s3], $0x80, v3, vm0, $0xb8;
	[tilespmem:$0x18400] =	vst v63  }
0x5f1: {  	s12 =	simm.s32 $0x17400  }
0x5f2: {  	[tilespmem:s12], [sflag:$0x3] =	stream.indirect_vreg.gather [hbm4b:s6+s3], $0x80, v3, vm0, $0xb8;
	[tilespmem:$0x18400] =	vst v63  }
0x5f3: {  	s16 =	simm.s32 $0x17C00  }
0x5f4: {  	[tilespmem:s16], [sflag:$0x3] =	stream.indirect_vreg.gather [hbm4b:s7+s3], $0x80, v3, vm0, $0xb8;
	[tilespmem:$0x18400] =	vst v63  }
0x5f5: {  	_ =	swait.ge [sflag:s19], $0x8000  }
0x5f6: {  	[sflag:s19] =	ssyncset.done $0x0  }
0x5f7: {  	s10 =	simm.s32 $0x400;
	s8 =	rddreg [dreg:$0x1f];
	[sflag:s19] =	ssyncadd.s32 $0xFFFF8000  }
0x5f8: {  	[hbm4b:s8+s3] =	stream.linear.scatter [tilespmem:s10], [sflag:$0x4], $0x8000, $0x38;
	[tilespmem:$0x18400] =	vst v63  }
0x5f9: {  	_ =	swait.ge [sflag:s20], $0x8000  }
0x5fa: {  	[sflag:s20] =	ssyncset.done $0x0  }
0x5fb: {  	[sflag:s20] =	ssyncadd.s32 $0xFFFF8000  }
0x5fc: {  	v3 =	vld [tilespmem:$0x3C0];
	_ =	sdelay $0x4  }
0x5fd: {  	v60 =	vshll.u32 v3, $0x3  }
0x5fe: {  	v3 =	vand.u32 $0x7, v3;
	v4 =	vand.u32 $0xFFFFFFC0, v60  }
0x5ff: {  	v3 =	vor.u32 v3, v4  }
0x600: {  	v4 =	vperm.xlane v3, v0;
	_ =	sdelay $0x1  }
0x601: {  	v4 =	vadd.s32 v1, v4;
	_ =	sdelay $0x4  }
0x602: {  	[tilespmem:s10], [sflag:$0x1] =	stream.indirect_vreg.gather [hbm4b:s2+s3], $0x80, v4, vm0, $0xb8;
	[tilespmem:$0x18400] =	vst v63  }
0x603: {  	s11 =	simm.s32 $0xC00;
	v3 =	vperm.xlane v3, v2  }
0x604: {  	[tilespmem:s11], [sflag:$0x1] =	stream.indirect_vreg.gather [hbm4b:s5+s3], $0x80, v4, vm0, $0xb8;
	[tilespmem:$0x18400] =	vst v63  }
0x605: {  	s12 =	simm.s32 $0x1400;
	v3 =	vadd.s32 v1, v3  }
0x606: {  	[tilespmem:s12], [sflag:$0x1] =	stream.indirect_vreg.gather [hbm4b:s6+s3], $0x80, v4, vm0, $0xb8;
	[tilespmem:$0x18400] =	vst v63  }
0x607: {  	s17 =	simm.s32 $0x1C00  }
0x608: {  	[tilespmem:s17], [sflag:$0x1] =	stream.indirect_vreg.gather [hbm4b:s7+s3], $0x80, v4, vm0, $0xb8;
	[tilespmem:$0x18400] =	vst v63  }
0x609: {  	s28 =	simm.s32 $0x2400  }
0x60a: {  	[tilespmem:s28], [sflag:$0x1] =	stream.indirect_vreg.gather [hbm4b:s2+s3], $0x80, v3, vm0, $0xb8;
	[tilespmem:$0x18400] =	vst v63  }
0x60b: {  	s29 =	simm.s32 $0x2C00  }
0x60c: {  	[tilespmem:s29], [sflag:$0x1] =	stream.indirect_vreg.gather [hbm4b:s5+s3], $0x80, v3, vm0, $0xb8;
	[tilespmem:$0x18400] =	vst v63  }
0x60d: {  	_ = 	snop  }
0x60e: {  	[tilespmem:s9], [sflag:$0x1] =	stream.indirect_vreg.gather [hbm4b:s6+s3], $0x80, v3, vm0, $0xb8;
	[tilespmem:$0x18400] =	vst v63  }
0x60f: {  	s13 =	simm.s32 $0x3C00  }
0x610: {  	[tilespmem:s13], [sflag:$0x1] =	stream.indirect_vreg.gather [hbm4b:s7+s3], $0x80, v3, vm0, $0xb8;
	[tilespmem:$0x18400] =	vst v63  }
0x611: {  	v3 =	vld [tilespmem:$0x3D0];
	_ =	sdelay $0x4  }
0x612: {  	v61 =	vshll.u32 v3, $0x3  }
0x613: {  	v3 =	vand.u32 $0x7, v3;
	v4 =	vand.u32 $0xFFFFFFC0, v61  }
0x614: {  	v3 =	vor.u32 v3, v4  }
0x615: {  	v4 =	vperm.xlane v3, v0;
	_ =	sdelay $0x1  }
0x616: {  	v4 =	vadd.s32 v1, v4;
	_ =	sdelay $0x3  }
0x617: {  	s14 =	simm.s32 $0x4400  }
0x618: {  	[tilespmem:s14], [sflag:$0x1] =	stream.indirect_vreg.gather [hbm4b:s2+s3], $0x80, v4, vm0, $0xb8;
	[tilespmem:$0x18400] =	vst v63  }
0x619: {  	s15 =	simm.s32 $0x4C00;
	v3 =	vperm.xlane v3, v2  }
0x61a: {  	[tilespmem:s15], [sflag:$0x1] =	stream.indirect_vreg.gather [hbm4b:s5+s3], $0x80, v4, vm0, $0xb8;
	[tilespmem:$0x18400] =	vst v63  }
0x61b: {  	s16 =	simm.s32 $0x5400;
	v3 =	vadd.s32 v1, v3  }
0x61c: {  	[tilespmem:s16], [sflag:$0x1] =	stream.indirect_vreg.gather [hbm4b:s6+s3], $0x80, v4, vm0, $0xb8;
	[tilespmem:$0x18400] =	vst v63  }
0x61d: {  	s17 =	simm.s32 $0x5C00  }
0x61e: {  	[tilespmem:s17], [sflag:$0x1] =	stream.indirect_vreg.gather [hbm4b:s7+s3], $0x80, v4, vm0, $0xb8;
	[tilespmem:$0x18400] =	vst v63  }
0x61f: {  	s25 =	simm.s32 $0x6400  }
0x620: {  	[tilespmem:s25], [sflag:$0x1] =	stream.indirect_vreg.gather [hbm4b:s2+s3], $0x80, v3, vm0, $0xb8;
	[tilespmem:$0x18400] =	vst v63  }
0x621: {  	s26 =	simm.s32 $0x6C00  }
0x622: {  	[tilespmem:s26], [sflag:$0x1] =	stream.indirect_vreg.gather [hbm4b:s5+s3], $0x80, v3, vm0, $0xb8;
	[tilespmem:$0x18400] =	vst v63  }
0x623: {  	s28 =	simm.s32 $0x7400  }
0x624: {  	[tilespmem:s28], [sflag:$0x1] =	stream.indirect_vreg.gather [hbm4b:s6+s3], $0x80, v3, vm0, $0xb8;
	[tilespmem:$0x18400] =	vst v63  }
0x625: {  	s29 =	simm.s32 $0x7C00  }
0x626: {  	[tilespmem:s29], [sflag:$0x1] =	stream.indirect_vreg.gather [hbm4b:s7+s3], $0x80, v3, vm0, $0xb8;
	[tilespmem:$0x18400] =	vst v63  }
0x627: {  	_ =	swait.ge [sflag:s21], $0x8000  }
0x628: {  	s30 =	sld [smem:$0x7F9]  }
0x629: {  	[sflag:s21] =	ssyncset.done $0x0  }
0x62a: {  	s1 =	simm.s32 $0x8400;
	[sflag:s21] =	ssyncadd.s32 $0xFFFF8000  }
0x62b: {  	[hbm4b:s30+s3] =	stream.linear.scatter [tilespmem:s1], [sflag:$0x5], $0x8000, $0x38;
	[tilespmem:$0x18400] =	vst v63  }
0x62c: {  	_ =	swait.ge [sflag:s22], $0x8000  }
0x62d: {  	[sflag:s22] =	ssyncset.done $0x0  }
0x62e: {  	[sflag:s22] =	ssyncadd.s32 $0xFFFF8000  }
0x62f: {  	v3 =	vld [tilespmem:$0x3E0];
	_ =	sdelay $0x4  }
0x630: {  	v62 =	vshll.u32 v3, $0x3  }
0x631: {  	v3 =	vand.u32 $0x7, v3;
	v4 =	vand.u32 $0xFFFFFFC0, v62  }
0x632: {  	v3 =	vor.u32 v3, v4  }
0x633: {  	v4 =	vperm.xlane v3, v0;
	_ =	sdelay $0x1  }
0x634: {  	v4 =	vadd.s32 v1, v4;
	_ =	sdelay $0x4  }
0x635: {  	[tilespmem:s1], [sflag:$0x2] =	stream.indirect_vreg.gather [hbm4b:s2+s3], $0x80, v4, vm0, $0xb8;
	[tilespmem:$0x18400] =	vst v63  }
0x636: {  	s31 =	simm.s32 $0x8C00;
	v3 =	vperm.xlane v3, v2  }
0x637: {  	[tilespmem:s31], [sflag:$0x2] =	stream.indirect_vreg.gather [hbm4b:s5+s3], $0x80, v4, vm0, $0xb8;
	[tilespmem:$0x18400] =	vst v63  }
0x638: {  	v3 =	vadd.s32 v1, v3  }
0x639: {  	[tilespmem:s4], [sflag:$0x2] =	stream.indirect_vreg.gather [hbm4b:s6+s3], $0x80, v4, vm0, $0xb8;
	[tilespmem:$0x18400] =	vst v63  }
0x63a: {  	s9 =	simm.s32 $0x9C00  }
0x63b: {  	[tilespmem:s9], [sflag:$0x2] =	stream.indirect_vreg.gather [hbm4b:s7+s3], $0x80, v4, vm0, $0xb8;
	[tilespmem:$0x18400] =	vst v63  }
0x63c: {  	s10 =	simm.s32 $0xA400  }
0x63d: {  	[tilespmem:s10], [sflag:$0x2] =	stream.indirect_vreg.gather [hbm4b:s2+s3], $0x80, v3, vm0, $0xb8;
	[tilespmem:$0x18400] =	vst v63  }
0x63e: {  	s11 =	simm.s32 $0xAC00  }
0x63f: {  	[tilespmem:s11], [sflag:$0x2] =	stream.indirect_vreg.gather [hbm4b:s5+s3], $0x80, v3, vm0, $0xb8;
	[tilespmem:$0x18400] =	vst v63  }
0x640: {  	s12 =	simm.s32 $0xB400  }
0x641: {  	[tilespmem:s12], [sflag:$0x2] =	stream.indirect_vreg.gather [hbm4b:s6+s3], $0x80, v3, vm0, $0xb8;
	[tilespmem:$0x18400] =	vst v63  }
0x642: {  	s13 =	simm.s32 $0xBC00  }
0x643: {  	[tilespmem:s13], [sflag:$0x2] =	stream.indirect_vreg.gather [hbm4b:s7+s3], $0x80, v3, vm0, $0xb8;
	[tilespmem:$0x18400] =	vst v63  }
0x644: {  	v3 =	vld [tilespmem:$0x3F0];
	_ =	sdelay $0x4  }
0x645: {  	v63 =	vshll.u32 v3, $0x3  }
0x646: {  	v3 =	vand.u32 $0x7, v3;
	v4 =	vand.u32 $0xFFFFFFC0, v63  }
0x647: {  	v3 =	vor.u32 v3, v4  }
0x648: {  	v4 =	vperm.xlane v3, v0;
	_ =	sdelay $0x1  }
0x649: {  	v4 =	vadd.s32 v1, v4;
	_ =	sdelay $0x3  }
0x64a: {  	s18 =	simm.s32 $0xC400  }
0x64b: {  	[tilespmem:s18], [sflag:$0x2] =	stream.indirect_vreg.gather [hbm4b:s2+s3], $0x80, v4, vm0, $0xb8;
	[tilespmem:$0x18400] =	vst v63  }
0x64c: {  	s14 =	simm.s32 $0xCC00;
	v3 =	vperm.xlane v3, v2  }
0x64d: {  	[tilespmem:s14], [sflag:$0x2] =	stream.indirect_vreg.gather [hbm4b:s5+s3], $0x80, v4, vm0, $0xb8;
	[tilespmem:$0x18400] =	vst v63  }
0x64e: {  	s15 =	simm.s32 $0xD400;
	v3 =	vadd.s32 v1, v3  }
0x64f: {  	[tilespmem:s15], [sflag:$0x2] =	stream.indirect_vreg.gather [hbm4b:s6+s3], $0x80, v4, vm0, $0xb8;
	[tilespmem:$0x18400] =	vst v63  }
0x650: {  	s16 =	simm.s32 $0xDC00  }
0x651: {  	[tilespmem:s16], [sflag:$0x2] =	stream.indirect_vreg.gather [hbm4b:s7+s3], $0x80, v4, vm0, $0xb8;
	[tilespmem:$0x18400] =	vst v63  }
0x652: {  	s17 =	simm.s32 $0xE400  }
0x653: {  	[tilespmem:s17], [sflag:$0x2] =	stream.indirect_vreg.gather [hbm4b:s2+s3], $0x80, v3, vm0, $0xb8;
	[tilespmem:$0x18400] =	vst v63  }
0x654: {  	s18 =	simm.s32 $0xEC00  }
0x655: {  	[tilespmem:s18], [sflag:$0x2] =	stream.indirect_vreg.gather [hbm4b:s5+s3], $0x80, v3, vm0, $0xb8;
	[tilespmem:$0x18400] =	vst v63  }
0x656: {  	s25 =	simm.s32 $0xF400  }
0x657: {  	[tilespmem:s25], [sflag:$0x2] =	stream.indirect_vreg.gather [hbm4b:s6+s3], $0x80, v3, vm0, $0xb8;
	[tilespmem:$0x18400] =	vst v63  }
0x658: {  	s26 =	simm.s32 $0xFC00  }
0x659: {  	[tilespmem:s26], [sflag:$0x2] =	stream.indirect_vreg.gather [hbm4b:s7+s3], $0x80, v3, vm0, $0xb8;
	[tilespmem:$0x18400] =	vst v63  }
0x65a: {  	_ =	swait.ge [sflag:s23], $0x8000  }
0x65b: {  	s28 =	sld [smem:$0x7FA]  }
0x65c: {  	[sflag:s23] =	ssyncset.done $0x0  }
0x65d: {  	s0 =	simm.s32 $0x10400;
	[sflag:s23] =	ssyncadd.s32 $0xFFFF8000  }
0x65e: {  	[hbm4b:s28+s3] =	stream.linear.scatter [tilespmem:s0], [sflag:$0x6], $0x8000, $0x38;
	[tilespmem:$0x18400] =	vst v63  }
0x65f: {  	_ =	swait.ge [sflag:s19], $0x8000  }
0x660: {  	s29 =	sld [smem:$0x7FB]  }
0x661: {  	[sflag:s19] =	ssyncset.done $0x0  }
0x662: {  	s8 =	simm.s32 $0x400;
	[sflag:s19] =	ssyncadd.s32 $0xFFFF8000  }
0x663: {  	[hbm4b:s29+s3] =	stream.linear.scatter [tilespmem:s8], [sflag:$0x4], $0x8000, $0x38;
	[tilespmem:$0x18400] =	vst v63  }
0x664: {  	_ =	swait.ge [sflag:s21], $0x8000  }
0x665: {  	s30 =	sld [smem:$0x7FD]  }
0x666: {  	[sflag:s21] =	ssyncset.done $0x0  }
0x667: {  	[sflag:s21] =	ssyncadd.s32 $0xFFFF8000  }
0x668: {  	[hbm4b:s30+s3] =	stream.linear.scatter [tilespmem:s1], [sflag:$0x5], $0x8000, $0x38;
	[tilespmem:$0x18400] =	vst v63  }
0x669: {  	_ =	swait.ge [sflag:s24], $0x8000  }
0x66a: {  	[sflag:s24] =	ssyncset.done $0x0  }
0x66b: {  	[sflag:s24] =	ssyncadd.s32 $0xFFFF8000  }
0x66c: {  	_ =	swait.ge [sflag:s20], $0x8000  }
0x66d: {  	[sflag:s20] =	ssyncset.done $0x0  }
0x66e: {  	[sflag:s20] =	ssyncadd.s32 $0xFFFF8000  }
0x66f: {  	_ =	swait.ge [sflag:s22], $0x8000  }
0x670: {  	s31 =	sld [smem:$0x7F8];
	_ =	sdelay $0x2  }
0x671: {  	p0 =	sne.s32 s31, $0x1  }
.Ltmp0:
0x672: {  	_ = 	snop;
	(pc) =	sbr.rel @p0 .LBB2_1-.Ltmp0, $3  }
0x673: {  	_ =	sdelay $0x1  }
0x674: {  	[sflag:s22] =	ssyncset.done $0x0  }
0x675: {  	[sflag:s22] =	ssyncadd.s32 $0xFFFF8000;
	s0 =	sadd.s32 $0xFFFFFFFF, s31  }
0x676: {  	_ =	sfence.sel $0x180000  }
0x677: {  	[bflag:$0x0] =	sbarrier.arrive $0xFFFF  }
0x678: {  	_ =	strace $0x90000047  }
0x679: {  	s0 =	stileid.u32;
	[bflag:$0x2] =	sbarrier.arrive $0xFFFF  }
0x67a: {  	p0 =	sne.s32 s0, $0x0;
	s0 =	rddreg [dreg:$0x3]  }
0x67b: {  	s0 =	sadd.s32 @!p0 $0x100000, s0  }
0x67c: {  	[sflag:s0] =	ssyncadd.tile.s32 @!p0 $0x1;
	_ =	shalt  }
.Lfunc_end2:
_tile_overlayer_lowered:
.L_overlay_start_2:
0x67d: {  	(tag) =	ssettag $0x2  }
0x67e: {  	s0 =	rddreg [dreg:$0x0];
	s2 =	stileid.u32  }
0x67f: {  	s1 =	rddreg [dreg:$0x1];
	p0 =	sne.s32 s2, $0x0  }
0x680: {  	s3 =	rddreg [dreg:$0x2];
	[bflag:$0x3] =	sbarrier.arrive $0xFFFF;
	s2 =	simm.s32 @!p0 $0x1C07  }
0x681: {  	[timem:s3], [sflag:s2] =	dma.local @!p0 [hbm:s0], s1  }
0x682: {  	s0 =	simm.s32 @!p0 $0x7  }
0x683: {  	_ =	swait.ge @!p0 [sflag:s0], s1  }
0x684: {  	s1 =	ssub.s32 @!p0 $0x0, s1;
	[sflag:s0] =	ssyncset.done @!p0 $0x0  }
0x685: {  	[sflag:s0] =	ssyncadd.s32 @!p0 s1  }
0x686: {  	[bflag:$0x3] =	sbarrier.arrive $0xFFFF  }
0x687: {  	_ =	shalt  }

</sc_bundles>
